<compile_context>
chip_gen: v7x
topology: tpu7x:2x2x1
jax: 0.10.2.dev20260603
libtpu: 0.0.44.dev20260713+nightly
codegen_flags: <defaults>
</compile_context>

<pallas_src>
import dataclasses
import functools

import jax
import jax.numpy as jnp
from jax import lax
from jax.experimental import pallas as pl
from jax.experimental.pallas import tpu as pltpu
from jax.experimental.pallas import tpu_sc as plsc

N_ENT = 10000
N_ITEMS = 4000
N_USERS = 6000
N_REL = 8
D = 128
E = 320000
E_UI = 120000

NW = 32
CH = 128

E_PAD = 327680
NCH_E = (E_PAD // NW) // CH
EG_PAD = 2 * E_PAD
NCH_G = (EG_PAD // NW) // CH
EU_PAD = 122880
NCH_U = (EU_PAD // NW) // CH

NA = 10240
NU = 6144
NI = 4096


@functools.cache
def _mesh():
    return plsc.VectorSubcoreMesh(core_axis_name="c", subcore_axis_name="s")


def _pad1(x, n, fill):
    return jnp.concatenate([x, jnp.full((n - x.shape[0],), fill, x.dtype)])


def _t0_body(ent_ref, usr_ref, p_ref, ud_ref):
    u = ent_ref[...]
    u2 = jnp.sum(u * u, axis=1, keepdims=True)
    n = jnp.clip(jnp.sqrt(jnp.clip(u2, 1e-15)), 1e-7)
    p_ref[...] = jnp.tanh(n) * u / n
    v = usr_ref[...]
    v2 = jnp.sum(v * v, axis=1, keepdims=True)
    ud_ref[...] = v / (v2 + 1e-6)


def _t0(entity_embed, user_embed):
    return pl.pallas_call(
        _t0_body,
        out_shape=(
            jax.ShapeDtypeStruct((N_ENT, D), jnp.float32),
            jax.ShapeDtypeStruct((N_USERS, D), jnp.float32),
        ),
    )(entity_embed, user_embed)


def _hist_zero(h_ref, n):
    z = jnp.zeros((16,), jnp.float32)

    @pl.loop(0, n // 16)
    def _(j):
        h_ref[pl.ds(j * 16, 16)] = z


def _hist_accum(idx_hbm, h_ref, idx_v, isem, wid, nch):
    ones16 = jnp.ones((16,), jnp.float32)

    @pl.loop(0, nch)
    def _(c):
        base = wid * (nch * CH) + c * CH
        pltpu.async_copy(idx_hbm.at[pl.ds(base, CH)], idx_v, isem).wait()

        @pl.loop(0, CH // 16)
        def _(k):
            v = idx_v[pl.ds(k * 16, 16)]
            plsc.addupdate_scatter(h_ref, [v], ones16)


def _s0_body(eidx_hbm, uidx_hbm, iidx_hbm, he_hbm, hu_hbm, hi_hbm,
             h_e, h_u, h_i, idx_v, isem):
    wid = lax.axis_index("s") * 2 + lax.axis_index("c")
    _hist_zero(h_e, NA)
    _hist_zero(h_u, NU)
    _hist_zero(h_i, NI)
    _hist_accum(eidx_hbm, h_e, idx_v, isem, wid, NCH_E)
    _hist_accum(uidx_hbm, h_u, idx_v, isem, wid, NCH_U)
    _hist_accum(iidx_hbm, h_i, idx_v, isem, wid, NCH_U)
    pltpu.sync_copy(h_e, he_hbm.at[wid])
    pltpu.sync_copy(h_u, hu_hbm.at[wid])
    pltpu.sync_copy(h_i, hi_hbm.at[wid])


@functools.cache
def _s0():
    cp = pltpu.CompilerParams()
    if "needs_layout_passes" in pltpu.CompilerParams.__dataclass_fields__:
        cp = dataclasses.replace(cp, needs_layout_passes=False)
    return pl.kernel(
        _s0_body,
        compiler_params=cp,
        out_type=(
            jax.ShapeDtypeStruct((NW, NA), jnp.float32),
            jax.ShapeDtypeStruct((NW, NU), jnp.float32),
            jax.ShapeDtypeStruct((NW, NI), jnp.float32),
        ),
        mesh=_mesh(),
        scratch_types=[
            pltpu.VMEM((NA,), jnp.float32),
            pltpu.VMEM((NU,), jnp.float32),
            pltpu.VMEM((NI,), jnp.float32),
            pltpu.VMEM((CH,), jnp.int32),
            pltpu.SemaphoreType.DMA,
        ],
    )


def _colsum(h):
    return lax.dot_general(h, jnp.ones((NW, 1), jnp.float32),
                           (((0,), (0,)), ((), ())),
                           preferred_element_type=jnp.float32)


def _s1_body(tab_hbm, idx_hbm, out_hbm, idx_v, buf0, buf1,
             g0, g1, w0, w1):
    wid = lax.axis_index("s") * 2 + lax.axis_index("c")
    wbase = wid * (NCH_G * CH)
    pltpu.async_copy(idx_hbm.at[wid], idx_v, g0).wait()
    pltpu.async_copy(tab_hbm.at[idx_v.at[0]], buf0, g0)
    pltpu.async_copy(tab_hbm.at[idx_v.at[1]], buf1, g1)

    @pl.loop(0, NCH_G - 2, step=2)
    def _(c):
        base = wbase + c * CH
        pltpu.make_async_copy(tab_hbm.at[idx_v.at[c]], buf0, g0).wait()
        pltpu.async_copy(buf0, out_hbm.at[pl.ds(base, CH)], w0)
        pltpu.make_async_copy(tab_hbm.at[idx_v.at[c + 1]], buf1, g1).wait()
        pltpu.async_copy(buf1, out_hbm.at[pl.ds(base + CH, CH)], w1)
        pltpu.make_async_copy(buf0, out_hbm.at[pl.ds(base, CH)], w0).wait()
        pltpu.async_copy(tab_hbm.at[idx_v.at[c + 2]], buf0, g0)
        pltpu.make_async_copy(buf1, out_hbm.at[pl.ds(base + CH, CH)], w1).wait()
        pltpu.async_copy(tab_hbm.at[idx_v.at[c + 3]], buf1, g1)

    base = wbase + (NCH_G - 2) * CH
    pltpu.make_async_copy(tab_hbm.at[idx_v.at[NCH_G - 2]], buf0, g0).wait()
    pltpu.async_copy(buf0, out_hbm.at[pl.ds(base, CH)], w0).wait()
    pltpu.make_async_copy(tab_hbm.at[idx_v.at[NCH_G - 1]], buf1, g1).wait()
    pltpu.async_copy(buf1, out_hbm.at[pl.ds(base + CH, CH)], w1).wait()


@functools.cache
def _s1():
    return pl.kernel(
        _s1_body,
        out_type=jax.ShapeDtypeStruct((EG_PAD, D), jnp.float32),
        mesh=_mesh(),
        scratch_types=[
            pltpu.VMEM((NCH_G, CH), jnp.int32),
            pltpu.VMEM((CH, D), jnp.float32),
            pltpu.VMEM((CH, D), jnp.float32),
            pltpu.SemaphoreType.DMA,
            pltpu.SemaphoreType.DMA,
            pltpu.SemaphoreType.DMA,
            pltpu.SemaphoreType.DMA,
        ],
    )


def _exp_co(u2, pu, pp, lam):
    nu = jnp.clip(jnp.sqrt(jnp.clip(u2, 1e-15)), 1e-7)
    s = jnp.tanh(lam * nu / 2.0) / nu
    y2 = s * s * u2
    xy = s * pu
    den = jnp.clip(1.0 + 2.0 * xy + pp * y2, 1e-15)
    return (1.0 + 2.0 * xy + y2) / den, (1.0 - pp) * s / den


def _t1_body(gs_ref, gd_ref, et_ref, rel_ref, tan_ref):
    p = gs_ref[...]
    d = gd_ref[...]
    et = et_ref[...]
    r = jnp.broadcast_to(rel_ref[0:1, :], p.shape)
    for k in range(1, N_REL):
        r = jnp.where(et == k, rel_ref[k:k + 1, :], r)

    pp = jnp.sum(p * p, axis=1, keepdims=True)
    dd = jnp.sum(d * d, axis=1, keepdims=True)
    rr = jnp.sum(r * r, axis=1, keepdims=True)
    pd = jnp.sum(p * d, axis=1, keepdims=True)
    pr = jnp.sum(p * r, axis=1, keepdims=True)
    dr = jnp.sum(d * r, axis=1, keepdims=True)

    lam = 2.0 / jnp.clip(1.0 - pp, 1e-7)
    c1, c2 = _exp_co(dd, pd, pp, lam)
    d1, d2 = _exp_co(rr, pr, pp, lam)

    a2 = c1 * c1 * pp + c2 * c2 * dd + 2.0 * c1 * c2 * pd
    b2 = d1 * d1 * pp + d2 * d2 * rr + 2.0 * d1 * d2 * pr
    ab = c1 * d1 * pp + c1 * d2 * pr + c2 * d1 * pd + c2 * d2 * dr

    den_m = jnp.clip(1.0 + 2.0 * ab + a2 * b2, 1e-15)
    e1 = (1.0 + 2.0 * ab + b2) / den_m
    e2 = (1.0 - a2) / den_m
    m1 = e1 * c1 + e2 * d1
    m2 = e1 * c2
    m3 = e2 * d2

    m2n = (m1 * m1 * pp + m2 * m2 * dd + m3 * m3 * rr
           + 2.0 * (m1 * m2 * pd + m1 * m3 * pr + m2 * m3 * dr))
    nm = jnp.sqrt(jnp.clip(m2n, 1e-15))
    maxn = 1.0 - 1e-5
    scale = jnp.where(nm > maxn, maxn / nm, 1.0)

    pm = m1 * pp + m2 * pd + m3 * pr
    y2p = scale * scale * m2n
    xyp = -scale * pm
    den_s = jnp.clip(1.0 + 2.0 * xyp + pp * y2p, 1e-15)
    amp = (1.0 + 2.0 * xyp + y2p) / den_s
    bmp = (1.0 - pp) * scale / den_s
    g1 = bmp * m1 - amp
    g2 = bmp * m2
    g3 = bmp * m3

    sub = g1 * p + g2 * d + g3 * r
    s2 = jnp.sum(sub * sub, axis=1, keepdims=True)
    ns = jnp.clip(jnp.sqrt(jnp.clip(s2, 1e-15)), 1e-7)
    nsc = jnp.clip(ns, -1.0 + 1e-7, 1.0 - 1e-7)
    at = 0.5 * jnp.log((1.0 + nsc) / (1.0 - nsc))
    coef = (2.0 / lam) * at / ns
    tan_ref[...] = coef * sub


_T1B = 512


def _t1(g_all, et_col, rel2):
    grid = E_PAD // _T1B
    return pl.pallas_call(
        _t1_body,
        grid=(grid,),
        in_specs=[
            pl.BlockSpec((_T1B, D), lambda i: (i, 0)),
            pl.BlockSpec((_T1B, D), lambda i: (i + grid, 0)),
            pl.BlockSpec((_T1B, 1), lambda i: (i, 0)),
            pl.BlockSpec((N_REL, D), lambda i: (0, 0)),
        ],
        out_specs=pl.BlockSpec((_T1B, D), lambda i: (i, 0)),
        out_shape=jax.ShapeDtypeStruct((E_PAD, D), jnp.float32),
    )(g_all, g_all, et_col, rel2)


def _zero_strips(sid, zr_hbm, acc_sh, buf, nrows):
    rows_per_tile = nrows // 16
    nstrip = rows_per_tile // CH
    pltpu.sync_copy(zr_hbm, buf)

    @pl.loop(0, nstrip)
    def _(j):
        pltpu.sync_copy(buf, acc_sh.at[pl.ds(sid * rows_per_tile + j * CH, CH)])


def _copyout_strips(cid, sid, acc_sh, sum_hbm, buf, nrows):
    rows_per_tile = nrows // 16
    nstrip = rows_per_tile // CH

    @pl.loop(0, nstrip)
    def _(j):
        base = sid * rows_per_tile + j * CH
        pltpu.sync_copy(acc_sh.at[pl.ds(base, CH)], buf)
        pltpu.sync_copy(buf, sum_hbm.at[pl.ds(cid * nrows + base, CH)])


def _s2_body(tan_hbm, idx_hbm, zr_hbm, sum_hbm, acc_sh,
             ix0, ix1, buf0, buf1, i0, i1, g0, g1):
    cid = lax.axis_index("c")
    sid = lax.axis_index("s")
    wid = sid * 2 + cid

    _zero_strips(sid, zr_hbm, acc_sh, buf0, NA)
    wbase = wid * (NCH_E * CH)
    pltpu.async_copy(idx_hbm.at[pl.ds(wbase, CH)], ix0, i0)
    pltpu.async_copy(tan_hbm.at[pl.ds(wbase, CH)], buf0, g0)
    pltpu.async_copy(idx_hbm.at[pl.ds(wbase + CH, CH)], ix1, i1)
    pltpu.async_copy(tan_hbm.at[pl.ds(wbase + CH, CH)], buf1, g1)
    plsc.subcore_barrier()

    @pl.loop(0, NCH_E - 2, step=2)
    def _(c):
        base = wbase + c * CH
        pltpu.make_async_copy(idx_hbm.at[pl.ds(base, CH)], ix0, i0).wait()
        pltpu.make_async_copy(tan_hbm.at[pl.ds(base, CH)], buf0, g0).wait()
        pltpu.sync_copy(buf0, acc_sh.at[ix0], add=True)
        pltpu.async_copy(idx_hbm.at[pl.ds(base + 2 * CH, CH)], ix0, i0)
        pltpu.async_copy(tan_hbm.at[pl.ds(base + 2 * CH, CH)], buf0, g0)
        pltpu.make_async_copy(idx_hbm.at[pl.ds(base + CH, CH)], ix1, i1).wait()
        pltpu.make_async_copy(tan_hbm.at[pl.ds(base + CH, CH)], buf1, g1).wait()
        pltpu.sync_copy(buf1, acc_sh.at[ix1], add=True)
        pltpu.async_copy(idx_hbm.at[pl.ds(base + 3 * CH, CH)], ix1, i1)
        pltpu.async_copy(tan_hbm.at[pl.ds(base + 3 * CH, CH)], buf1, g1)

    base = wbase + (NCH_E - 2) * CH
    pltpu.make_async_copy(idx_hbm.at[pl.ds(base, CH)], ix0, i0).wait()
    pltpu.make_async_copy(tan_hbm.at[pl.ds(base, CH)], buf0, g0).wait()
    pltpu.sync_copy(buf0, acc_sh.at[ix0], add=True)
    pltpu.make_async_copy(idx_hbm.at[pl.ds(base + CH, CH)], ix1, i1).wait()
    pltpu.make_async_copy(tan_hbm.at[pl.ds(base + CH, CH)], buf1, g1).wait()
    pltpu.sync_copy(buf1, acc_sh.at[ix1], add=True)

    plsc.subcore_barrier()
    _copyout_strips(cid, sid, acc_sh, sum_hbm, buf0, NA)


@functools.cache
def _s2():
    return pl.kernel(
        _s2_body,
        out_type=jax.ShapeDtypeStruct((2 * NA, D), jnp.float32),
        mesh=_mesh(),
        scratch_types=[
            pltpu.VMEM_SHARED((NA, D), jnp.float32),
            pltpu.VMEM((CH,), jnp.int32),
            pltpu.VMEM((CH,), jnp.int32),
            pltpu.VMEM((CH, D), jnp.float32),
            pltpu.VMEM((CH, D), jnp.float32),
            pltpu.SemaphoreType.DMA,
            pltpu.SemaphoreType.DMA,
            pltpu.SemaphoreType.DMA,
            pltpu.SemaphoreType.DMA,
        ],
    )


def _t2_body(sum_ref, he_ref, out_ref):
    s = sum_ref[:NA] + sum_ref[NA:]
    c = jnp.maximum(_colsum(he_ref[...]), 1.0)
    out_ref[...] = s / c


def _t2(sum2, hist_e):
    return pl.pallas_call(
        _t2_body,
        out_shape=jax.ShapeDtypeStruct((NA, D), jnp.float32),
    )(sum2, hist_e)


def _s3_body(tab_hbm, gidx_hbm, sidx_hbm, zr_hbm, sum_hbm,
             acc_sh, gidx_v, sidx_v, buf0, buf1, g0, g1, *, nrows):
    cid = lax.axis_index("c")
    sid = lax.axis_index("s")
    wid = sid * 2 + cid

    _zero_strips(sid, zr_hbm, acc_sh, buf0, nrows)
    pltpu.async_copy(gidx_hbm.at[wid], gidx_v, g0).wait()
    pltpu.async_copy(sidx_hbm.at[wid], sidx_v, g1).wait()
    pltpu.async_copy(tab_hbm.at[gidx_v.at[0]], buf0, g0)
    pltpu.async_copy(tab_hbm.at[gidx_v.at[1]], buf1, g1)
    plsc.subcore_barrier()

    @pl.loop(0, NCH_U - 2, step=2)
    def _(c):
        pltpu.make_async_copy(tab_hbm.at[gidx_v.at[c]], buf0, g0).wait()
        pltpu.sync_copy(buf0, acc_sh.at[sidx_v.at[c]], add=True)
        pltpu.async_copy(tab_hbm.at[gidx_v.at[c + 2]], buf0, g0)
        pltpu.make_async_copy(tab_hbm.at[gidx_v.at[c + 1]], buf1, g1).wait()
        pltpu.sync_copy(buf1, acc_sh.at[sidx_v.at[c + 1]], add=True)
        pltpu.async_copy(tab_hbm.at[gidx_v.at[c + 3]], buf1, g1)

    pltpu.make_async_copy(tab_hbm.at[gidx_v.at[NCH_U - 2]], buf0, g0).wait()
    pltpu.sync_copy(buf0, acc_sh.at[sidx_v.at[NCH_U - 2]], add=True)
    pltpu.make_async_copy(tab_hbm.at[gidx_v.at[NCH_U - 1]], buf1, g1).wait()
    pltpu.sync_copy(buf1, acc_sh.at[sidx_v.at[NCH_U - 1]], add=True)

    plsc.subcore_barrier()
    _copyout_strips(cid, sid, acc_sh, sum_hbm, buf0, nrows)


@functools.cache
def _s3(nrows):
    return pl.kernel(
        functools.partial(_s3_body, nrows=nrows),
        out_type=jax.ShapeDtypeStruct((2 * nrows, D), jnp.float32),
        mesh=_mesh(),
        scratch_types=[
            pltpu.VMEM_SHARED((nrows, D), jnp.float32),
            pltpu.VMEM((NCH_U, CH), jnp.int32),
            pltpu.VMEM((NCH_U, CH), jnp.int32),
            pltpu.VMEM((CH, D), jnp.float32),
            pltpu.VMEM((CH, D), jnp.float32),
            pltpu.SemaphoreType.DMA,
            pltpu.SemaphoreType.DMA,
        ],
    )


def _t3u_body(sum_ref, hu_ref, u_ref):
    s = sum_ref[:N_USERS] + sum_ref[NU:NU + N_USERS]
    c = jnp.maximum(_colsum(hu_ref[...])[:N_USERS], 1.0)
    u_ref[...] = s / c


def _t3u(usum2, hist_u):
    return pl.pallas_call(
        _t3u_body,
        out_shape=jax.ShapeDtypeStruct((N_USERS, D), jnp.float32),
    )(usum2, hist_u)


def _t3i_body(sum_ref, hi_ref, oi_ref, w1_ref, w2_ref, fus_ref):
    oi = oi_ref[...]
    s = sum_ref[:N_ITEMS] + sum_ref[NI:NI + N_ITEMS]
    c = jnp.maximum(_colsum(hi_ref[...])[:N_ITEMS], 1.0)
    norm_i = jnp.sum(oi * oi, axis=1, keepdims=True)
    i_cf = (s / c) * norm_i
    dn = (((1,), (1,)), ((), ()))
    z = (lax.dot_general(oi, w1_ref[...], dn, preferred_element_type=jnp.float32)
         + lax.dot_general(i_cf, w2_ref[...], dn, preferred_element_type=jnp.float32))
    gi = jax.nn.sigmoid(z)
    fus_ref[...] = gi * oi + (1.0 - gi) * i_cf


def _t3i(isum2, hist_i, out_items, W1, W2):
    return pl.pallas_call(
        _t3i_body,
        out_shape=jax.ShapeDtypeStruct((N_ITEMS, D), jnp.float32),
    )(isum2, hist_i, out_items, W1, W2)


def kernel(entity_embed, user_embed, relation_emb, W1, W2,
           edge_index, edge_type, ui_item_idx, ui_user_idx):
    src = edge_index[0].astype(jnp.int32)
    dst = edge_index[1].astype(jnp.int32)
    et = edge_type.astype(jnp.int32)
    rel2 = relation_emb[2:2 + N_REL]

    P, user_div = _t0(entity_embed, user_embed)

    item_i = ui_item_idx.astype(jnp.int32)
    user_i = ui_user_idx.astype(jnp.int32)
    sidx = _pad1(src, E_PAD, N_ENT)
    sidx_u_flat = _pad1(user_i, EU_PAD, N_USERS)
    sidx_i_flat = _pad1(item_i, EU_PAD, N_ITEMS)
    hist_e, hist_u, hist_i = _s0()(sidx, sidx_u_flat, sidx_i_flat)

    tab = jnp.concatenate([P, entity_embed], axis=0)
    gidx = jnp.concatenate([
        _pad1(src, E_PAD, 0), _pad1(dst, E_PAD, 0) + N_ENT
    ]).reshape(NW, NCH_G, CH)
    g_all = _s1()(tab, gidx)

    et_col = _pad1(et, E_PAD, 0).reshape(E_PAD, 1)
    tan = _t1(g_all, et_col, rel2)

    zeros_rows = jnp.zeros((CH, D), jnp.float32)
    sum2 = _s2()(tan, sidx, zeros_rows)

    out_full = _t2(sum2, hist_e)
    out_items = out_full[:N_ITEMS]

    gidx_u = _pad1(item_i, EU_PAD, 0).reshape(NW, NCH_U, CH)
    sidx_u = sidx_u_flat.reshape(NW, NCH_U, CH)
    usum2 = _s3(NU)(out_items, gidx_u, sidx_u, zeros_rows)
    gidx_i = _pad1(user_i, EU_PAD, 0).reshape(NW, NCH_U, CH)
    sidx_i = sidx_i_flat.reshape(NW, NCH_U, CH)
    isum2 = _s3(NI)(user_div, gidx_i, sidx_i, zeros_rows)

    u = _t3u(usum2, hist_u)
    fusion = _t3i(isum2, hist_i, out_items, W1, W2)

    ret0 = jnp.concatenate([fusion, out_full[N_ITEMS:N_ENT]], axis=0)
    return (ret0, u, out_full[:N_ITEMS])

# --- scband reference (transcript-rebuilt; emitter-appended) ---
"""Pipeline reference for scband-aggregator-59811714564548 (READ-ONLY COPY).

The authoritative reference and input builder live on the scoring server;
editing this copy changes nothing except your own understanding.
"""

import jax, jax.numpy as jnp
import numpy as np

N_ENT = 10000
N_ITEMS = 4000
N_USERS = 6000
N_REL = 8
D = 128
E = 320000
E_UI = 120000


def _norm(x):
    return jnp.sqrt(jnp.clip(jnp.sum(x * x, axis=-1, keepdims=True), 1e-15))


def _artanh(x):
    x = jnp.clip(x, -1.0 + 1e-7, 1.0 - 1e-7)
    return 0.5 * jnp.log((1.0 + x) / (1.0 - x))


def expmap0(u):
    n = jnp.clip(_norm(u), 1e-7)
    return jnp.tanh(n) * u / n


def project(x):
    n = _norm(x)
    maxnorm = 1.0 - 1e-5
    return jnp.where(n > maxnorm, x / n * maxnorm, x)


def mobius_add(x, y):
    x2 = jnp.sum(x * x, axis=-1, keepdims=True)
    y2 = jnp.sum(y * y, axis=-1, keepdims=True)
    xy = jnp.sum(x * y, axis=-1, keepdims=True)
    num = (1.0 + 2.0 * xy + y2) * x + (1.0 - x2) * y
    den = 1.0 + 2.0 * xy + x2 * y2
    return num / jnp.clip(den, 1e-15)


def expmap(u, p):
    nu = jnp.clip(_norm(u), 1e-7)
    lam = 2.0 / jnp.clip(1.0 - jnp.sum(p * p, axis=-1, keepdims=True), 1e-7)
    second = jnp.tanh(lam * nu / 2.0) * u / nu
    return mobius_add(p, second)


def logmap(y, p):
    sub = mobius_add(-p, y)
    ns = jnp.clip(_norm(sub), 1e-7)
    lam = 2.0 / jnp.clip(1.0 - jnp.sum(p * p, axis=-1, keepdims=True), 1e-7)
    return (2.0 / lam) * _artanh(ns) * sub / ns


def segment_mean(data, seg, num):
    s = jax.ops.segment_sum(data, seg, num_segments=num)
    c = jax.ops.segment_sum(jnp.ones((data.shape[0],), data.dtype), seg, num_segments=num)
    return s / jnp.maximum(c, 1.0)[:, None]


def setup_inputs(seed: int = 0) -> dict:
    key = jax.random.key(seed)
    ks = jax.random.split(key, 9)
    entity_embed = jax.random.normal(ks[0], (N_ENT, D), jnp.float32) * 0.1
    user_embed = jax.random.normal(ks[1], (N_USERS, D), jnp.float32) * 0.1
    relation_emb = jax.random.normal(ks[2], (N_REL + 2, D), jnp.float32) * 0.1
    edge_index = jax.random.randint(ks[3], (2, E), 0, N_ENT, dtype=jnp.int64 if jax.config.jax_enable_x64 else jnp.int32)
    edge_type = jax.random.randint(ks[4], (E,), 0, N_REL)
    ui_item_idx = jax.random.randint(ks[5], (E_UI,), 0, N_ITEMS)
    ui_user_idx = jax.random.randint(ks[6], (E_UI,), 0, N_USERS)
    W1 = jax.random.normal(ks[7], (D, D), jnp.float32) * (1.0 / np.sqrt(D))
    W2 = jax.random.normal(ks[8], (D, D), jnp.float32) * (1.0 / np.sqrt(D))
    return {"entity_embed": entity_embed, "user_embed": user_embed, "relation_emb": relation_emb,
            "W1": W1, "W2": W2, "edge_index": edge_index, "edge_type": edge_type,
            "ui_item_idx": ui_item_idx, "ui_user_idx": ui_user_idx}


def reference(entity_embed, user_embed, relation_emb, W1, W2, edge_index, edge_type, ui_item_idx, ui_user_idx):
    src = edge_index[0]
    dst = edge_index[1]
    # per-edge hyperbolic tangent-space sum (sg.apply_edges(tan_sum))
    p_src = expmap0(entity_embed[src])
    a = expmap(entity_embed[dst], p_src)
    b = expmap(relation_emb[edge_type + 2], p_src)
    tan = logmap(project(mobius_add(a, b)), p_src)
    # sg_inv.update_all(copy_e, mean): mean over edges grouped by sg source node
    out = segment_mean(tan, src, N_ENT)
    # message_dropout is identity in eval mode
    out_items = out[:N_ITEMS]
    cat_node = jnp.concatenate([out_items, user_embed], axis=0)
    norm_all = jnp.sum(cat_node * cat_node, axis=1, keepdims=True)  # ||.||^2
    # g_i2u: copy_u + mean at user nodes
    u = segment_mean(cat_node[ui_item_idx], ui_user_idx, N_USERS)
    # g_u2i: u_mul_v(node/(norm+1e-6), norm) + mean at item nodes
    node_div = cat_node / (norm_all + 1e-6)
    msg = node_div[N_ITEMS + ui_user_idx] * norm_all[ui_item_idx]
    i_cf = segment_mean(msg, ui_item_idx, N_ITEMS)
    gi = jax.nn.sigmoid(out_items @ W1.T + i_cf @ W2.T)
    item_emb_fusion = gi * out_items + (1.0 - gi) * i_cf
    return (jnp.concatenate([item_emb_fusion, out[N_ITEMS:]], axis=0), u, out_items)

if __name__ == "__main__":
    import jax
    _d = setup_inputs()
    print(jax.jit(kernel)(*tuple(_d.values())))

</pallas_src>

<mosaic_0001>
#map = affine_map<(d0, d1) -> (0, 0)>
#map1 = affine_map<(d0, d1) -> (0, 0, 0)>
module attributes {stable_mosaic.version = 14 : i64} {
  func.func @_s1_body(%arg0: i32, %arg1: i32, %arg2: memref<20000x128xf32, #tpu.memory_space<hbm>>, %arg3: memref<32x160x128xi32, #tpu.memory_space<hbm>>, %arg4: memref<655360x128xf32, #tpu.memory_space<hbm>>, %arg5: memref<160x128xi32, #tpu.memory_space<vmem>>, %arg6: memref<128x128xf32, #tpu.memory_space<vmem>>, %arg7: memref<128x128xf32, #tpu.memory_space<vmem>>, %arg8: memref<!tpu.dma_semaphore, #tpu.memory_space<semaphore_mem>>, %arg9: memref<!tpu.dma_semaphore, #tpu.memory_space<semaphore_mem>>, %arg10: memref<!tpu.dma_semaphore, #tpu.memory_space<semaphore_mem>>, %arg11: memref<!tpu.dma_semaphore, #tpu.memory_space<semaphore_mem>>) attributes {dimension_semantics = [#tpu.dimension_semantics<core_parallel>, #tpu.dimension_semantics<subcore_parallel>], iteration_bounds = array<i64: 2, 16>, scalar_prefetch = 0 : i64, scratch_operands = 7 : i64, tpu.core_type = #tpu.core_type<sc_vector_subcore>, window_params = [{transform_indices = #map}, {transform_indices = #map1}, {transform_indices = #map}]} {
    %mul3A = arith.constant 2 : i32
    %mul3A_0 = arith.muli %arg1, %mul3A : i32
    %add3A = arith.addi %mul3A_0, %arg0 : i32
    %mul3A_1 = arith.constant 20480 : i32
    %mul3A_2 = arith.muli %add3A, %mul3A_1 : i32
    %dma_start3A = arith.constant 0 : i32
    %dma_start3A_3 = arith.constant 0 : i32
    %dma_start3A_4 = tpu.memref_slice %arg3[%add3A, %dma_start3A, %dma_start3A_3] : memref<32x160x128xi32, #tpu.memory_space<hbm>> -> memref<1x160x128xi32, #tpu.memory_space<hbm>>
    %dma_start3A_5 = tpu.memref_squeeze %dma_start3A_4 : memref<1x160x128xi32, #tpu.memory_space<hbm>> -> memref<160x128xi32, #tpu.memory_space<hbm>>
    %dma_start3A_6 = arith.constant 0 : i32
    %dma_start3A_7 = arith.constant 0 : i32
    %dma_start3A_8 = tpu.memref_slice %arg3[%add3A, %dma_start3A_6, %dma_start3A_7] : memref<32x160x128xi32, #tpu.memory_space<hbm>> -> memref<1x160x128xi32, #tpu.memory_space<hbm>>
    %dma_start3A_9 = tpu.memref_squeeze %dma_start3A_8 : memref<1x160x128xi32, #tpu.memory_space<hbm>> -> memref<160x128xi32, #tpu.memory_space<hbm>>
    tpu.enqueue_dma source(%dma_start3A_9 : memref<160x128xi32, #tpu.memory_space<hbm>>) target(%arg5 : memref<160x128xi32, #tpu.memory_space<vmem>>) target_semaphore(%arg8 : memref<!tpu.dma_semaphore, #tpu.memory_space<semaphore_mem>>)
    %dma_wait3A = arith.constant 0 : i32
    %dma_wait3A_10 = arith.constant 0 : i32
    %dma_wait3A_11 = tpu.memref_slice %arg3[%add3A, %dma_wait3A, %dma_wait3A_10] : memref<32x160x128xi32, #tpu.memory_space<hbm>> -> memref<1x160x128xi32, #tpu.memory_space<hbm>>
    %dma_wait3A_12 = tpu.memref_squeeze %dma_wait3A_11 : memref<1x160x128xi32, #tpu.memory_space<hbm>> -> memref<160x128xi32, #tpu.memory_space<hbm>>
    %dma_wait3A_13 = arith.constant 0 : i32
    %dma_wait3A_14 = arith.constant 0 : i32
    %dma_wait3A_15 = tpu.memref_slice %arg3[%add3A, %dma_wait3A_13, %dma_wait3A_14] : memref<32x160x128xi32, #tpu.memory_space<hbm>> -> memref<1x160x128xi32, #tpu.memory_space<hbm>>
    %dma_wait3A_16 = tpu.memref_squeeze %dma_wait3A_15 : memref<1x160x128xi32, #tpu.memory_space<hbm>> -> memref<160x128xi32, #tpu.memory_space<hbm>>
    tpu.wait_dma2 semaphore(%arg8 : memref<!tpu.dma_semaphore, #tpu.memory_space<semaphore_mem>>) src(%dma_wait3A_16 : memref<160x128xi32, #tpu.memory_space<hbm>>) dst(%arg5 : memref<160x128xi32, #tpu.memory_space<vmem>>)
    %dma_start3A_17 = arith.constant 0 : i32
    %dma_start3A_18 = arith.constant 0 : i32
    %dma_start3A_19 = tpu.memref_slice %arg5[%dma_start3A_17, %dma_start3A_18] : memref<160x128xi32, #tpu.memory_space<vmem>> -> memref<1x128xi32, #tpu.memory_space<vmem>>
    %dma_start3A_20 = tpu.memref_squeeze %dma_start3A_19 : memref<1x128xi32, #tpu.memory_space<vmem>> -> memref<128xi32, #tpu.memory_space<vmem>>
    %dma_start3A_21 = arith.constant 0 : i32
    %dma_start3A_22 = arith.constant 0 : i32
    %dma_start3A_23 = tpu.memref_slice %arg2[%dma_start3A_21, %dma_start3A_22] : memref<20000x128xf32, #tpu.memory_space<hbm>> -> memref<20000x128xf32, #tpu.memory_space<hbm>>
    tpu.enqueue_indirect_dma source(%dma_start3A_23 : memref<20000x128xf32, #tpu.memory_space<hbm>>) target(%arg6 : memref<128x128xf32, #tpu.memory_space<vmem>>) offsets(%dma_start3A_20 : memref<128xi32, #tpu.memory_space<vmem>>) semaphore(%arg8 : memref<!tpu.dma_semaphore, #tpu.memory_space<semaphore_mem>>)
    %dma_start3A_24 = arith.constant 1 : i32
    %dma_start3A_25 = arith.constant 0 : i32
    %dma_start3A_26 = tpu.memref_slice %arg5[%dma_start3A_24, %dma_start3A_25] : memref<160x128xi32, #tpu.memory_space<vmem>> -> memref<1x128xi32, #tpu.memory_space<vmem>>
    %dma_start3A_27 = tpu.memref_squeeze %dma_start3A_26 : memref<1x128xi32, #tpu.memory_space<vmem>> -> memref<128xi32, #tpu.memory_space<vmem>>
    %dma_start3A_28 = arith.constant 0 : i32
    %dma_start3A_29 = arith.constant 0 : i32
    %dma_start3A_30 = tpu.memref_slice %arg2[%dma_start3A_28, %dma_start3A_29] : memref<20000x128xf32, #tpu.memory_space<hbm>> -> memref<20000x128xf32, #tpu.memory_space<hbm>>
    tpu.enqueue_indirect_dma source(%dma_start3A_30 : memref<20000x128xf32, #tpu.memory_space<hbm>>) target(%arg7 : memref<128x128xf32, #tpu.memory_space<vmem>>) offsets(%dma_start3A_27 : memref<128xi32, #tpu.memory_space<vmem>>) semaphore(%arg9 : memref<!tpu.dma_semaphore, #tpu.memory_space<semaphore_mem>>)
    %scan3A = arith.constant 0 : i32
    %scan3A_31 = arith.constant 79 : i32
    %scan3A_32 = arith.addi %scan3A, %scan3A_31 : i32
    %scan3A_33 = arith.constant 1 : i32
    scf.for %scan3A_69 = %scan3A to %scan3A_32 step %scan3A_33  : i32 {
      %mul3A_70 = arith.constant 2 : i32
      %mul3A_71 = arith.muli %scan3A_69, %mul3A_70 : i32
      %add3A_72 = arith.constant 0 : i32
      %add3A_73 = arith.addi %add3A_72, %mul3A_71 : i32
      %mul3A_74 = arith.constant 128 : i32
      %mul3A_75 = arith.muli %add3A_73, %mul3A_74 : i32
      %add3A_76 = arith.addi %mul3A_2, %mul3A_75 : i32
      %dma_wait3A_77 = arith.constant 0 : i32
      %dma_wait3A_78 = tpu.memref_slice %arg5[%add3A_73, %dma_wait3A_77] : memref<160x128xi32, #tpu.memory_space<vmem>> -> memref<1x128xi32, #tpu.memory_space<vmem>>
      %dma_wait3A_79 = tpu.memref_squeeze %dma_wait3A_78 : memref<1x128xi32, #tpu.memory_space<vmem>> -> memref<128xi32, #tpu.memory_space<vmem>>
      %dma_wait3A_80 = arith.constant 0 : i32
      %dma_wait3A_81 = arith.constant 0 : i32
      %dma_wait3A_82 = tpu.memref_slice %arg2[%dma_wait3A_80, %dma_wait3A_81] : memref<20000x128xf32, #tpu.memory_space<hbm>> -> memref<20000x128xf32, #tpu.memory_space<hbm>>
      tpu.wait_indirect_dma semaphore(%arg8 : memref<!tpu.dma_semaphore, #tpu.memory_space<semaphore_mem>>) src(%dma_wait3A_82 : memref<20000x128xf32, #tpu.memory_space<hbm>>) dst(%arg6 : memref<128x128xf32, #tpu.memory_space<vmem>>)
      %dma_start3A_83 = arith.constant 0 : i32
      %dma_start3A_84 = tpu.memref_slice %arg4[%add3A_76, %dma_start3A_83] : memref<655360x128xf32, #tpu.memory_space<hbm>> -> memref<128x128xf32, #tpu.memory_space<hbm>>
      %dma_start3A_85 = arith.constant 0 : i32
      %dma_start3A_86 = tpu.memref_slice %arg4[%add3A_76, %dma_start3A_85] : memref<655360x128xf32, #tpu.memory_space<hbm>> -> memref<128x128xf32, #tpu.memory_space<hbm>>
      tpu.enqueue_dma source(%arg6 : memref<128x128xf32, #tpu.memory_space<vmem>>) target(%dma_start3A_86 : memref<128x128xf32, #tpu.memory_space<hbm>>) target_semaphore(%arg10 : memref<!tpu.dma_semaphore, #tpu.memory_space<semaphore_mem>>)
      %add3A_87 = arith.constant 1 : i32
      %add3A_88 = arith.addi %add3A_73, %add3A_87 : i32
      %dma_wait3A_89 = arith.constant 0 : i32
      %dma_wait3A_90 = tpu.memref_slice %arg5[%add3A_88, %dma_wait3A_89] : memref<160x128xi32, #tpu.memory_space<vmem>> -> memref<1x128xi32, #tpu.memory_space<vmem>>
      %dma_wait3A_91 = tpu.memref_squeeze %dma_wait3A_90 : memref<1x128xi32, #tpu.memory_space<vmem>> -> memref<128xi32, #tpu.memory_space<vmem>>
      %dma_wait3A_92 = arith.constant 0 : i32
      %dma_wait3A_93 = arith.constant 0 : i32
      %dma_wait3A_94 = tpu.memref_slice %arg2[%dma_wait3A_92, %dma_wait3A_93] : memref<20000x128xf32, #tpu.memory_space<hbm>> -> memref<20000x128xf32, #tpu.memory_space<hbm>>
      tpu.wait_indirect_dma semaphore(%arg9 : memref<!tpu.dma_semaphore, #tpu.memory_space<semaphore_mem>>) src(%dma_wait3A_94 : memref<20000x128xf32, #tpu.memory_space<hbm>>) dst(%arg7 : memref<128x128xf32, #tpu.memory_space<vmem>>)
      %add3A_95 = arith.constant 128 : i32
      %add3A_96 = arith.addi %add3A_76, %add3A_95 : i32
      %dma_start3A_97 = arith.constant 0 : i32
      %dma_start3A_98 = tpu.memref_slice %arg4[%add3A_96, %dma_start3A_97] : memref<655360x128xf32, #tpu.memory_space<hbm>> -> memref<128x128xf32, #tpu.memory_space<hbm>>
      %dma_start3A_99 = arith.constant 0 : i32
      %dma_start3A_100 = tpu.memref_slice %arg4[%add3A_96, %dma_start3A_99] : memref<655360x128xf32, #tpu.memory_space<hbm>> -> memref<128x128xf32, #tpu.memory_space<hbm>>
      tpu.enqueue_dma source(%arg7 : memref<128x128xf32, #tpu.memory_space<vmem>>) target(%dma_start3A_100 : memref<128x128xf32, #tpu.memory_space<hbm>>) target_semaphore(%arg11 : memref<!tpu.dma_semaphore, #tpu.memory_space<semaphore_mem>>)
      %dma_wait3A_101 = arith.constant 0 : i32
      %dma_wait3A_102 = tpu.memref_slice %arg4[%add3A_76, %dma_wait3A_101] : memref<655360x128xf32, #tpu.memory_space<hbm>> -> memref<128x128xf32, #tpu.memory_space<hbm>>
      %dma_wait3A_103 = arith.constant 0 : i32
      %dma_wait3A_104 = tpu.memref_slice %arg4[%add3A_76, %dma_wait3A_103] : memref<655360x128xf32, #tpu.memory_space<hbm>> -> memref<128x128xf32, #tpu.memory_space<hbm>>
      tpu.wait_dma2 semaphore(%arg10 : memref<!tpu.dma_semaphore, #tpu.memory_space<semaphore_mem>>) src(%arg6 : memref<128x128xf32, #tpu.memory_space<vmem>>) dst(%dma_wait3A_104 : memref<128x128xf32, #tpu.memory_space<hbm>>)
      %add3A_105 = arith.constant 2 : i32
      %add3A_106 = arith.addi %add3A_73, %add3A_105 : i32
      %dma_start3A_107 = arith.constant 0 : i32
      %dma_start3A_108 = tpu.memref_slice %arg5[%add3A_106, %dma_start3A_107] : memref<160x128xi32, #tpu.memory_space<vmem>> -> memref<1x128xi32, #tpu.memory_space<vmem>>
      %dma_start3A_109 = tpu.memref_squeeze %dma_start3A_108 : memref<1x128xi32, #tpu.memory_space<vmem>> -> memref<128xi32, #tpu.memory_space<vmem>>
      %dma_start3A_110 = arith.constant 0 : i32
      %dma_start3A_111 = arith.constant 0 : i32
      %dma_start3A_112 = tpu.memref_slice %arg2[%dma_start3A_110, %dma_start3A_111] : memref<20000x128xf32, #tpu.memory_space<hbm>> -> memref<20000x128xf32, #tpu.memory_space<hbm>>
      tpu.enqueue_indirect_dma source(%dma_start3A_112 : memref<20000x128xf32, #tpu.memory_space<hbm>>) target(%arg6 : memref<128x128xf32, #tpu.memory_space<vmem>>) offsets(%dma_start3A_109 : memref<128xi32, #tpu.memory_space<vmem>>) semaphore(%arg8 : memref<!tpu.dma_semaphore, #tpu.memory_space<semaphore_mem>>)
      %add3A_113 = arith.constant 128 : i32
      %add3A_114 = arith.addi %add3A_76, %add3A_113 : i32
      %dma_wait3A_115 = arith.constant 0 : i32
      %dma_wait3A_116 = tpu.memref_slice %arg4[%add3A_114, %dma_wait3A_115] : memref<655360x128xf32, #tpu.memory_space<hbm>> -> memref<128x128xf32, #tpu.memory_space<hbm>>
      %dma_wait3A_117 = arith.constant 0 : i32
      %dma_wait3A_118 = tpu.memref_slice %arg4[%add3A_114, %dma_wait3A_117] : memref<655360x128xf32, #tpu.memory_space<hbm>> -> memref<128x128xf32, #tpu.memory_space<hbm>>
      tpu.wait_dma2 semaphore(%arg11 : memref<!tpu.dma_semaphore, #tpu.memory_space<semaphore_mem>>) src(%arg7 : memref<128x128xf32, #tpu.memory_space<vmem>>) dst(%dma_wait3A_118 : memref<128x128xf32, #tpu.memory_space<hbm>>)
      %add3A_119 = arith.constant 3 : i32
      %add3A_120 = arith.addi %add3A_73, %add3A_119 : i32
      %dma_start3A_121 = arith.constant 0 : i32
      %dma_start3A_122 = tpu.memref_slice %arg5[%add3A_120, %dma_start3A_121] : memref<160x128xi32, #tpu.memory_space<vmem>> -> memref<1x128xi32, #tpu.memory_space<vmem>>
      %dma_start3A_123 = tpu.memref_squeeze %dma_start3A_122 : memref<1x128xi32, #tpu.memory_space<vmem>> -> memref<128xi32, #tpu.memory_space<vmem>>
      %dma_start3A_124 = arith.constant 0 : i32
      %dma_start3A_125 = arith.constant 0 : i32
      %dma_start3A_126 = tpu.memref_slice %arg2[%dma_start3A_124, %dma_start3A_125] : memref<20000x128xf32, #tpu.memory_space<hbm>> -> memref<20000x128xf32, #tpu.memory_space<hbm>>
      tpu.enqueue_indirect_dma source(%dma_start3A_126 : memref<20000x128xf32, #tpu.memory_space<hbm>>) target(%arg7 : memref<128x128xf32, #tpu.memory_space<vmem>>) offsets(%dma_start3A_123 : memref<128xi32, #tpu.memory_space<vmem>>) semaphore(%arg9 : memref<!tpu.dma_semaphore, #tpu.memory_space<semaphore_mem>>)
    }
    %scan3A_34 = arith.constant 79 : i32
    %add3A_35 = arith.constant 20224 : i32
    %add3A_36 = arith.addi %mul3A_2, %add3A_35 : i32
    %dma_wait3A_37 = arith.constant 158 : i32
    %dma_wait3A_38 = arith.constant 0 : i32
    %dma_wait3A_39 = tpu.memref_slice %arg5[%dma_wait3A_37, %dma_wait3A_38] : memref<160x128xi32, #tpu.memory_space<vmem>> -> memref<1x128xi32, #tpu.memory_space<vmem>>
    %dma_wait3A_40 = tpu.memref_squeeze %dma_wait3A_39 : memref<1x128xi32, #tpu.memory_space<vmem>> -> memref<128xi32, #tpu.memory_space<vmem>>
    %dma_wait3A_41 = arith.constant 0 : i32
    %dma_wait3A_42 = arith.constant 0 : i32
    %dma_wait3A_43 = tpu.memref_slice %arg2[%dma_wait3A_41, %dma_wait3A_42] : memref<20000x128xf32, #tpu.memory_space<hbm>> -> memref<20000x128xf32, #tpu.memory_space<hbm>>
    tpu.wait_indirect_dma semaphore(%arg8 : memref<!tpu.dma_semaphore, #tpu.memory_space<semaphore_mem>>) src(%dma_wait3A_43 : memref<20000x128xf32, #tpu.memory_space<hbm>>) dst(%arg6 : memref<128x128xf32, #tpu.memory_space<vmem>>)
    %dma_start3A_44 = arith.constant 0 : i32
    %dma_start3A_45 = tpu.memref_slice %arg4[%add3A_36, %dma_start3A_44] : memref<655360x128xf32, #tpu.memory_space<hbm>> -> memref<128x128xf32, #tpu.memory_space<hbm>>
    %dma_start3A_46 = arith.constant 0 : i32
    %dma_start3A_47 = tpu.memref_slice %arg4[%add3A_36, %dma_start3A_46] : memref<655360x128xf32, #tpu.memory_space<hbm>> -> memref<128x128xf32, #tpu.memory_space<hbm>>
    tpu.enqueue_dma source(%arg6 : memref<128x128xf32, #tpu.memory_space<vmem>>) target(%dma_start3A_47 : memref<128x128xf32, #tpu.memory_space<hbm>>) target_semaphore(%arg10 : memref<!tpu.dma_semaphore, #tpu.memory_space<semaphore_mem>>)
    %dma_wait3A_48 = arith.constant 0 : i32
    %dma_wait3A_49 = tpu.memref_slice %arg4[%add3A_36, %dma_wait3A_48] : memref<655360x128xf32, #tpu.memory_space<hbm>> -> memref<128x128xf32, #tpu.memory_space<hbm>>
    %dma_wait3A_50 = arith.constant 0 : i32
    %dma_wait3A_51 = tpu.memref_slice %arg4[%add3A_36, %dma_wait3A_50] : memref<655360x128xf32, #tpu.memory_space<hbm>> -> memref<128x128xf32, #tpu.memory_space<hbm>>
    tpu.wait_dma2 semaphore(%arg10 : memref<!tpu.dma_semaphore, #tpu.memory_space<semaphore_mem>>) src(%arg6 : memref<128x128xf32, #tpu.memory_space<vmem>>) dst(%dma_wait3A_51 : memref<128x128xf32, #tpu.memory_space<hbm>>)
    %dma_wait3A_52 = arith.constant 159 : i32
    %dma_wait3A_53 = arith.constant 0 : i32
    %dma_wait3A_54 = tpu.memref_slice %arg5[%dma_wait3A_52, %dma_wait3A_53] : memref<160x128xi32, #tpu.memory_space<vmem>> -> memref<1x128xi32, #tpu.memory_space<vmem>>
    %dma_wait3A_55 = tpu.memref_squeeze %dma_wait3A_54 : memref<1x128xi32, #tpu.memory_space<vmem>> -> memref<128xi32, #tpu.memory_space<vmem>>
    %dma_wait3A_56 = arith.constant 0 : i32
    %dma_wait3A_57 = arith.constant 0 : i32
    %dma_wait3A_58 = tpu.memref_slice %arg2[%dma_wait3A_56, %dma_wait3A_57] : memref<20000x128xf32, #tpu.memory_space<hbm>> -> memref<20000x128xf32, #tpu.memory_space<hbm>>
    tpu.wait_indirect_dma semaphore(%arg9 : memref<!tpu.dma_semaphore, #tpu.memory_space<semaphore_mem>>) src(%dma_wait3A_58 : memref<20000x128xf32, #tpu.memory_space<hbm>>) dst(%arg7 : memref<128x128xf32, #tpu.memory_space<vmem>>)
    %add3A_59 = arith.constant 128 : i32
    %add3A_60 = arith.addi %add3A_36, %add3A_59 : i32
    %dma_start3A_61 = arith.constant 0 : i32
    %dma_start3A_62 = tpu.memref_slice %arg4[%add3A_60, %dma_start3A_61] : memref<655360x128xf32, #tpu.memory_space<hbm>> -> memref<128x128xf32, #tpu.memory_space<hbm>>
    %dma_start3A_63 = arith.constant 0 : i32
    %dma_start3A_64 = tpu.memref_slice %arg4[%add3A_60, %dma_start3A_63] : memref<655360x128xf32, #tpu.memory_space<hbm>> -> memref<128x128xf32, #tpu.memory_space<hbm>>
    tpu.enqueue_dma source(%arg7 : memref<128x128xf32, #tpu.memory_space<vmem>>) target(%dma_start3A_64 : memref<128x128xf32, #tpu.memory_space<hbm>>) target_semaphore(%arg11 : memref<!tpu.dma_semaphore, #tpu.memory_space<semaphore_mem>>)
    %dma_wait3A_65 = arith.constant 0 : i32
    %dma_wait3A_66 = tpu.memref_slice %arg4[%add3A_60, %dma_wait3A_65] : memref<655360x128xf32, #tpu.memory_space<hbm>> -> memref<128x128xf32, #tpu.memory_space<hbm>>
    %dma_wait3A_67 = arith.constant 0 : i32
    %dma_wait3A_68 = tpu.memref_slice %arg4[%add3A_60, %dma_wait3A_67] : memref<655360x128xf32, #tpu.memory_space<hbm>> -> memref<128x128xf32, #tpu.memory_space<hbm>>
    tpu.wait_dma2 semaphore(%arg11 : memref<!tpu.dma_semaphore, #tpu.memory_space<semaphore_mem>>) src(%arg7 : memref<128x128xf32, #tpu.memory_space<vmem>>) dst(%dma_wait3A_68 : memref<128x128xf32, #tpu.memory_space<hbm>>)
    return
  }
}

#map = affine_map<(d0, d1) -> (0, 0)>
#map1 = affine_map<(d0, d1) -> (0, 0, 0)>
module attributes {stable_mosaic.version = 14 : i64} {
  func.func @_s3_body(%arg0: i32, %arg1: i32, %arg2: memref<6000x128xf32, #tpu.memory_space<hbm>>, %arg3: memref<32x30x128xi32, #tpu.memory_space<hbm>>, %arg4: memref<32x30x128xi32, #tpu.memory_space<hbm>>, %arg5: memref<128x128xf32, #tpu.memory_space<hbm>>, %arg6: memref<8192x128xf32, #tpu.memory_space<hbm>>, %arg7: memref<4096x128xf32, #tpu.memory_space<vmem_shared>>, %arg8: memref<30x128xi32, #tpu.memory_space<vmem>>, %arg9: memref<30x128xi32, #tpu.memory_space<vmem>>, %arg10: memref<128x128xf32, #tpu.memory_space<vmem>>, %arg11: memref<128x128xf32, #tpu.memory_space<vmem>>, %arg12: memref<!tpu.dma_semaphore, #tpu.memory_space<semaphore_mem>>, %arg13: memref<!tpu.dma_semaphore, #tpu.memory_space<semaphore_mem>>) attributes {dimension_semantics = [#tpu.dimension_semantics<core_parallel>, #tpu.dimension_semantics<subcore_parallel>], iteration_bounds = array<i64: 2, 16>, scalar_prefetch = 0 : i64, scratch_operands = 7 : i64, tpu.core_type = #tpu.core_type<sc_vector_subcore>, window_params = [{transform_indices = #map}, {transform_indices = #map1}, {transform_indices = #map1}, {transform_indices = #map}, {transform_indices = #map}]} {
    %mul3A = arith.constant 2 : i32
    %mul3A_0 = arith.muli %arg1, %mul3A : i32
    %add3A = arith.addi %mul3A_0, %arg0 : i32
    "tpu.region"() ({
      %run_scoped3A_75 = tpu.sem_alloc : memref<!tpu.dma_semaphore, #tpu.memory_space<semaphore_mem>>
      tpu.enqueue_dma source(%arg5 : memref<128x128xf32, #tpu.memory_space<hbm>>) target(%arg10 : memref<128x128xf32, #tpu.memory_space<vmem>>) target_semaphore(%run_scoped3A_75 : memref<!tpu.dma_semaphore, #tpu.memory_space<semaphore_mem>>)
      tpu.wait_dma2 semaphore(%run_scoped3A_75 : memref<!tpu.dma_semaphore, #tpu.memory_space<semaphore_mem>>) src(%arg5 : memref<128x128xf32, #tpu.memory_space<hbm>>) dst(%arg10 : memref<128x128xf32, #tpu.memory_space<vmem>>)
      tpu.yield
    }) : () -> ()
    %scan3A = arith.constant 0 : i32
    %scan3A_1 = arith.constant 2 : i32
    %scan3A_2 = arith.addi %scan3A, %scan3A_1 : i32
    %scan3A_3 = arith.constant 1 : i32
    scf.for %scan3A_75 = %scan3A to %scan3A_2 step %scan3A_3  : i32 {
      %mul3A_76 = arith.constant 1 : i32
      %mul3A_77 = arith.muli %scan3A_75, %mul3A_76 : i32
      %add3A_78 = arith.constant 0 : i32
      %add3A_79 = arith.addi %add3A_78, %mul3A_77 : i32
      %mul3A_80 = arith.constant 256 : i32
      %mul3A_81 = arith.muli %arg1, %mul3A_80 : i32
      %mul3A_82 = arith.constant 128 : i32
      %mul3A_83 = arith.muli %add3A_79, %mul3A_82 : i32
      %add3A_84 = arith.addi %mul3A_81, %mul3A_83 : i32
      "tpu.region"() ({
        %run_scoped3A_85 = tpu.sem_alloc : memref<!tpu.dma_semaphore, #tpu.memory_space<semaphore_mem>>
        %dma_start3A_86 = arith.constant 0 : i32
        %dma_start3A_87 = tpu.memref_slice %arg7[%add3A_84, %dma_start3A_86] : memref<4096x128xf32, #tpu.memory_space<vmem_shared>> -> memref<128x128xf32, #tpu.memory_space<vmem_shared>>
        %dma_start3A_88 = arith.constant 0 : i32
        %dma_start3A_89 = tpu.memref_slice %arg7[%add3A_84, %dma_start3A_88] : memref<4096x128xf32, #tpu.memory_space<vmem_shared>> -> memref<128x128xf32, #tpu.memory_space<vmem_shared>>
        tpu.enqueue_dma source(%arg10 : memref<128x128xf32, #tpu.memory_space<vmem>>) target(%dma_start3A_89 : memref<128x128xf32, #tpu.memory_space<vmem_shared>>) target_semaphore(%run_scoped3A_85 : memref<!tpu.dma_semaphore, #tpu.memory_space<semaphore_mem>>)
        %dma_wait3A_90 = arith.constant 0 : i32
        %dma_wait3A_91 = tpu.memref_slice %arg7[%add3A_84, %dma_wait3A_90] : memref<4096x128xf32, #tpu.memory_space<vmem_shared>> -> memref<128x128xf32, #tpu.memory_space<vmem_shared>>
        %dma_wait3A_92 = arith.constant 0 : i32
        %dma_wait3A_93 = tpu.memref_slice %arg7[%add3A_84, %dma_wait3A_92] : memref<4096x128xf32, #tpu.memory_space<vmem_shared>> -> memref<128x128xf32, #tpu.memory_space<vmem_shared>>
        tpu.wait_dma2 semaphore(%run_scoped3A_85 : memref<!tpu.dma_semaphore, #tpu.memory_space<semaphore_mem>>) src(%arg10 : memref<128x128xf32, #tpu.memory_space<vmem>>) dst(%dma_wait3A_93 : memref<128x128xf32, #tpu.memory_space<vmem_shared>>)
        tpu.yield
      }) : () -> ()
    }
    %scan3A_4 = arith.constant 2 : i32
    %dma_start3A = arith.constant 0 : i32
    %dma_start3A_5 = arith.constant 0 : i32
    %dma_start3A_6 = tpu.memref_slice %arg3[%add3A, %dma_start3A, %dma_start3A_5] : memref<32x30x128xi32, #tpu.memory_space<hbm>> -> memref<1x30x128xi32, #tpu.memory_space<hbm>>
    %dma_start3A_7 = tpu.memref_squeeze %dma_start3A_6 : memref<1x30x128xi32, #tpu.memory_space<hbm>> -> memref<30x128xi32, #tpu.memory_space<hbm>>
    %dma_start3A_8 = arith.constant 0 : i32
    %dma_start3A_9 = arith.constant 0 : i32
    %dma_start3A_10 = tpu.memref_slice %arg3[%add3A, %dma_start3A_8, %dma_start3A_9] : memref<32x30x128xi32, #tpu.memory_space<hbm>> -> memref<1x30x128xi32, #tpu.memory_space<hbm>>
    %dma_start3A_11 = tpu.memref_squeeze %dma_start3A_10 : memref<1x30x128xi32, #tpu.memory_space<hbm>> -> memref<30x128xi32, #tpu.memory_space<hbm>>
    tpu.enqueue_dma source(%dma_start3A_11 : memref<30x128xi32, #tpu.memory_space<hbm>>) target(%arg8 : memref<30x128xi32, #tpu.memory_space<vmem>>) target_semaphore(%arg12 : memref<!tpu.dma_semaphore, #tpu.memory_space<semaphore_mem>>)
    %dma_wait3A = arith.constant 0 : i32
    %dma_wait3A_12 = arith.constant 0 : i32
    %dma_wait3A_13 = tpu.memref_slice %arg3[%add3A, %dma_wait3A, %dma_wait3A_12] : memref<32x30x128xi32, #tpu.memory_space<hbm>> -> memref<1x30x128xi32, #tpu.memory_space<hbm>>
    %dma_wait3A_14 = tpu.memref_squeeze %dma_wait3A_13 : memref<1x30x128xi32, #tpu.memory_space<hbm>> -> memref<30x128xi32, #tpu.memory_space<hbm>>
    %dma_wait3A_15 = arith.constant 0 : i32
    %dma_wait3A_16 = arith.constant 0 : i32
    %dma_wait3A_17 = tpu.memref_slice %arg3[%add3A, %dma_wait3A_15, %dma_wait3A_16] : memref<32x30x128xi32, #tpu.memory_space<hbm>> -> memref<1x30x128xi32, #tpu.memory_space<hbm>>
    %dma_wait3A_18 = tpu.memref_squeeze %dma_wait3A_17 : memref<1x30x128xi32, #tpu.memory_space<hbm>> -> memref<30x128xi32, #tpu.memory_space<hbm>>
    tpu.wait_dma2 semaphore(%arg12 : memref<!tpu.dma_semaphore, #tpu.memory_space<semaphore_mem>>) src(%dma_wait3A_18 : memref<30x128xi32, #tpu.memory_space<hbm>>) dst(%arg8 : memref<30x128xi32, #tpu.memory_space<vmem>>)
    %dma_start3A_19 = arith.constant 0 : i32
    %dma_start3A_20 = arith.constant 0 : i32
    %dma_start3A_21 = tpu.memref_slice %arg4[%add3A, %dma_start3A_19, %dma_start3A_20] : memref<32x30x128xi32, #tpu.memory_space<hbm>> -> memref<1x30x128xi32, #tpu.memory_space<hbm>>
    %dma_start3A_22 = tpu.memref_squeeze %dma_start3A_21 : memref<1x30x128xi32, #tpu.memory_space<hbm>> -> memref<30x128xi32, #tpu.memory_space<hbm>>
    %dma_start3A_23 = arith.constant 0 : i32
    %dma_start3A_24 = arith.constant 0 : i32
    %dma_start3A_25 = tpu.memref_slice %arg4[%add3A, %dma_start3A_23, %dma_start3A_24] : memref<32x30x128xi32, #tpu.memory_space<hbm>> -> memref<1x30x128xi32, #tpu.memory_space<hbm>>
    %dma_start3A_26 = tpu.memref_squeeze %dma_start3A_25 : memref<1x30x128xi32, #tpu.memory_space<hbm>> -> memref<30x128xi32, #tpu.memory_space<hbm>>
    tpu.enqueue_dma source(%dma_start3A_26 : memref<30x128xi32, #tpu.memory_space<hbm>>) target(%arg9 : memref<30x128xi32, #tpu.memory_space<vmem>>) target_semaphore(%arg13 : memref<!tpu.dma_semaphore, #tpu.memory_space<semaphore_mem>>)
    %dma_wait3A_27 = arith.constant 0 : i32
    %dma_wait3A_28 = arith.constant 0 : i32
    %dma_wait3A_29 = tpu.memref_slice %arg4[%add3A, %dma_wait3A_27, %dma_wait3A_28] : memref<32x30x128xi32, #tpu.memory_space<hbm>> -> memref<1x30x128xi32, #tpu.memory_space<hbm>>
    %dma_wait3A_30 = tpu.memref_squeeze %dma_wait3A_29 : memref<1x30x128xi32, #tpu.memory_space<hbm>> -> memref<30x128xi32, #tpu.memory_space<hbm>>
    %dma_wait3A_31 = arith.constant 0 : i32
    %dma_wait3A_32 = arith.constant 0 : i32
    %dma_wait3A_33 = tpu.memref_slice %arg4[%add3A, %dma_wait3A_31, %dma_wait3A_32] : memref<32x30x128xi32, #tpu.memory_space<hbm>> -> memref<1x30x128xi32, #tpu.memory_space<hbm>>
    %dma_wait3A_34 = tpu.memref_squeeze %dma_wait3A_33 : memref<1x30x128xi32, #tpu.memory_space<hbm>> -> memref<30x128xi32, #tpu.memory_space<hbm>>
    tpu.wait_dma2 semaphore(%arg13 : memref<!tpu.dma_semaphore, #tpu.memory_space<semaphore_mem>>) src(%dma_wait3A_34 : memref<30x128xi32, #tpu.memory_space<hbm>>) dst(%arg9 : memref<30x128xi32, #tpu.memory_space<vmem>>)
    %dma_start3A_35 = arith.constant 0 : i32
    %dma_start3A_36 = arith.constant 0 : i32
    %dma_start3A_37 = tpu.memref_slice %arg8[%dma_start3A_35, %dma_start3A_36] : memref<30x128xi32, #tpu.memory_space<vmem>> -> memref<1x128xi32, #tpu.memory_space<vmem>>
    %dma_start3A_38 = tpu.memref_squeeze %dma_start3A_37 : memref<1x128xi32, #tpu.memory_space<vmem>> -> memref<128xi32, #tpu.memory_space<vmem>>
    %dma_start3A_39 = arith.constant 0 : i32
    %dma_start3A_40 = arith.constant 0 : i32
    %dma_start3A_41 = tpu.memref_slice %arg2[%dma_start3A_39, %dma_start3A_40] : memref<6000x128xf32, #tpu.memory_space<hbm>> -> memref<6000x128xf32, #tpu.memory_space<hbm>>
    tpu.enqueue_indirect_dma source(%dma_start3A_41 : memref<6000x128xf32, #tpu.memory_space<hbm>>) target(%arg10 : memref<128x128xf32, #tpu.memory_space<vmem>>) offsets(%dma_start3A_38 : memref<128xi32, #tpu.memory_space<vmem>>) semaphore(%arg12 : memref<!tpu.dma_semaphore, #tpu.memory_space<semaphore_mem>>)
    %dma_start3A_42 = arith.constant 1 : i32
    %dma_start3A_43 = arith.constant 0 : i32
    %dma_start3A_44 = tpu.memref_slice %arg8[%dma_start3A_42, %dma_start3A_43] : memref<30x128xi32, #tpu.memory_space<vmem>> -> memref<1x128xi32, #tpu.memory_space<vmem>>
    %dma_start3A_45 = tpu.memref_squeeze %dma_start3A_44 : memref<1x128xi32, #tpu.memory_space<vmem>> -> memref<128xi32, #tpu.memory_space<vmem>>
    %dma_start3A_46 = arith.constant 0 : i32
    %dma_start3A_47 = arith.constant 0 : i32
    %dma_start3A_48 = tpu.memref_slice %arg2[%dma_start3A_46, %dma_start3A_47] : memref<6000x128xf32, #tpu.memory_space<hbm>> -> memref<6000x128xf32, #tpu.memory_space<hbm>>
    tpu.enqueue_indirect_dma source(%dma_start3A_48 : memref<6000x128xf32, #tpu.memory_space<hbm>>) target(%arg11 : memref<128x128xf32, #tpu.memory_space<vmem>>) offsets(%dma_start3A_45 : memref<128xi32, #tpu.memory_space<vmem>>) semaphore(%arg13 : memref<!tpu.dma_semaphore, #tpu.memory_space<semaphore_mem>>)
    %barrier3A = arith.constant 0 : index
    tpu.barrier barrier_id(%barrier3A)
    %scan3A_49 = arith.constant 0 : i32
    %scan3A_50 = arith.constant 14 : i32
    %scan3A_51 = arith.addi %scan3A_49, %scan3A_50 : i32
    %scan3A_52 = arith.constant 1 : i32
    scf.for %scan3A_75 = %scan3A_49 to %scan3A_51 step %scan3A_52  : i32 {
      %mul3A_76 = arith.constant 2 : i32
      %mul3A_77 = arith.muli %scan3A_75, %mul3A_76 : i32
      %add3A_78 = arith.constant 0 : i32
      %add3A_79 = arith.addi %add3A_78, %mul3A_77 : i32
      %dma_wait3A_80 = arith.constant 0 : i32
      %dma_wait3A_81 = tpu.memref_slice %arg8[%add3A_79, %dma_wait3A_80] : memref<30x128xi32, #tpu.memory_space<vmem>> -> memref<1x128xi32, #tpu.memory_space<vmem>>
      %dma_wait3A_82 = tpu.memref_squeeze %dma_wait3A_81 : memref<1x128xi32, #tpu.memory_space<vmem>> -> memref<128xi32, #tpu.memory_space<vmem>>
      %dma_wait3A_83 = arith.constant 0 : i32
      %dma_wait3A_84 = arith.constant 0 : i32
      %dma_wait3A_85 = tpu.memref_slice %arg2[%dma_wait3A_83, %dma_wait3A_84] : memref<6000x128xf32, #tpu.memory_space<hbm>> -> memref<6000x128xf32, #tpu.memory_space<hbm>>
      tpu.wait_indirect_dma semaphore(%arg12 : memref<!tpu.dma_semaphore, #tpu.memory_space<semaphore_mem>>) src(%dma_wait3A_85 : memref<6000x128xf32, #tpu.memory_space<hbm>>) dst(%arg10 : memref<128x128xf32, #tpu.memory_space<vmem>>)
      "tpu.region"() ({
        %run_scoped3A_112 = tpu.sem_alloc : memref<!tpu.dma_semaphore, #tpu.memory_space<semaphore_mem>>
        %dma_start3A_113 = arith.constant 0 : i32
        %dma_start3A_114 = tpu.memref_slice %arg9[%add3A_79, %dma_start3A_113] : memref<30x128xi32, #tpu.memory_space<vmem>> -> memref<1x128xi32, #tpu.memory_space<vmem>>
        %dma_start3A_115 = tpu.memref_squeeze %dma_start3A_114 : memref<1x128xi32, #tpu.memory_space<vmem>> -> memref<128xi32, #tpu.memory_space<vmem>>
        %dma_start3A_116 = arith.constant 0 : i32
        %dma_start3A_117 = arith.constant 0 : i32
        %dma_start3A_118 = tpu.memref_slice %arg7[%dma_start3A_116, %dma_start3A_117] : memref<4096x128xf32, #tpu.memory_space<vmem_shared>> -> memref<4096x128xf32, #tpu.memory_space<vmem_shared>>
        tpu.enqueue_indirect_dma source(%arg10 : memref<128x128xf32, #tpu.memory_space<vmem>>) target(%dma_start3A_118 : memref<4096x128xf32, #tpu.memory_space<vmem_shared>>) offsets(%dma_start3A_115 : memref<128xi32, #tpu.memory_space<vmem>>) semaphore(%run_scoped3A_112 : memref<!tpu.dma_semaphore, #tpu.memory_space<semaphore_mem>>) {add = true}
        %dma_wait3A_119 = arith.constant 0 : i32
        %dma_wait3A_120 = tpu.memref_slice %arg9[%add3A_79, %dma_wait3A_119] : memref<30x128xi32, #tpu.memory_space<vmem>> -> memref<1x128xi32, #tpu.memory_space<vmem>>
        %dma_wait3A_121 = tpu.memref_squeeze %dma_wait3A_120 : memref<1x128xi32, #tpu.memory_space<vmem>> -> memref<128xi32, #tpu.memory_space<vmem>>
        %dma_wait3A_122 = arith.constant 0 : i32
        %dma_wait3A_123 = arith.constant 0 : i32
        %dma_wait3A_124 = tpu.memref_slice %arg7[%dma_wait3A_122, %dma_wait3A_123] : memref<4096x128xf32, #tpu.memory_space<vmem_shared>> -> memref<4096x128xf32, #tpu.memory_space<vmem_shared>>
        tpu.wait_indirect_dma semaphore(%run_scoped3A_112 : memref<!tpu.dma_semaphore, #tpu.memory_space<semaphore_mem>>) src(%arg10 : memref<128x128xf32, #tpu.memory_space<vmem>>) dst(%dma_wait3A_124 : memref<4096x128xf32, #tpu.memory_space<vmem_shared>>)
        tpu.yield
      }) : () -> ()
      %add3A_86 = arith.constant 2 : i32
      %add3A_87 = arith.addi %add3A_79, %add3A_86 : i32
      %dma_start3A_88 = arith.constant 0 : i32
      %dma_start3A_89 = tpu.memref_slice %arg8[%add3A_87, %dma_start3A_88] : memref<30x128xi32, #tpu.memory_space<vmem>> -> memref<1x128xi32, #tpu.memory_space<vmem>>
      %dma_start3A_90 = tpu.memref_squeeze %dma_start3A_89 : memref<1x128xi32, #tpu.memory_space<vmem>> -> memref<128xi32, #tpu.memory_space<vmem>>
      %dma_start3A_91 = arith.constant 0 : i32
      %dma_start3A_92 = arith.constant 0 : i32
      %dma_start3A_93 = tpu.memref_slice %arg2[%dma_start3A_91, %dma_start3A_92] : memref<6000x128xf32, #tpu.memory_space<hbm>> -> memref<6000x128xf32, #tpu.memory_space<hbm>>
      tpu.enqueue_indirect_dma source(%dma_start3A_93 : memref<6000x128xf32, #tpu.memory_space<hbm>>) target(%arg10 : memref<128x128xf32, #tpu.memory_space<vmem>>) offsets(%dma_start3A_90 : memref<128xi32, #tpu.memory_space<vmem>>) semaphore(%arg12 : memref<!tpu.dma_semaphore, #tpu.memory_space<semaphore_mem>>)
      %add3A_94 = arith.constant 1 : i32
      %add3A_95 = arith.addi %add3A_79, %add3A_94 : i32
      %dma_wait3A_96 = arith.constant 0 : i32
      %dma_wait3A_97 = tpu.memref_slice %arg8[%add3A_95, %dma_wait3A_96] : memref<30x128xi32, #tpu.memory_space<vmem>> -> memref<1x128xi32, #tpu.memory_space<vmem>>
      %dma_wait3A_98 = tpu.memref_squeeze %dma_wait3A_97 : memref<1x128xi32, #tpu.memory_space<vmem>> -> memref<128xi32, #tpu.memory_space<vmem>>
      %dma_wait3A_99 = arith.constant 0 : i32
      %dma_wait3A_100 = arith.constant 0 : i32
      %dma_wait3A_101 = tpu.memref_slice %arg2[%dma_wait3A_99, %dma_wait3A_100] : memref<6000x128xf32, #tpu.memory_space<hbm>> -> memref<6000x128xf32, #tpu.memory_space<hbm>>
      tpu.wait_indirect_dma semaphore(%arg13 : memref<!tpu.dma_semaphore, #tpu.memory_space<semaphore_mem>>) src(%dma_wait3A_101 : memref<6000x128xf32, #tpu.memory_space<hbm>>) dst(%arg11 : memref<128x128xf32, #tpu.memory_space<vmem>>)
      %add3A_102 = arith.constant 1 : i32
      %add3A_103 = arith.addi %add3A_79, %add3A_102 : i32
      "tpu.region"() ({
        %run_scoped3A_112 = tpu.sem_alloc : memref<!tpu.dma_semaphore, #tpu.memory_space<semaphore_mem>>
        %dma_start3A_113 = arith.constant 0 : i32
        %dma_start3A_114 = tpu.memref_slice %arg9[%add3A_103, %dma_start3A_113] : memref<30x128xi32, #tpu.memory_space<vmem>> -> memref<1x128xi32, #tpu.memory_space<vmem>>
        %dma_start3A_115 = tpu.memref_squeeze %dma_start3A_114 : memref<1x128xi32, #tpu.memory_space<vmem>> -> memref<128xi32, #tpu.memory_space<vmem>>
        %dma_start3A_116 = arith.constant 0 : i32
        %dma_start3A_117 = arith.constant 0 : i32
        %dma_start3A_118 = tpu.memref_slice %arg7[%dma_start3A_116, %dma_start3A_117] : memref<4096x128xf32, #tpu.memory_space<vmem_shared>> -> memref<4096x128xf32, #tpu.memory_space<vmem_shared>>
        tpu.enqueue_indirect_dma source(%arg11 : memref<128x128xf32, #tpu.memory_space<vmem>>) target(%dma_start3A_118 : memref<4096x128xf32, #tpu.memory_space<vmem_shared>>) offsets(%dma_start3A_115 : memref<128xi32, #tpu.memory_space<vmem>>) semaphore(%run_scoped3A_112 : memref<!tpu.dma_semaphore, #tpu.memory_space<semaphore_mem>>) {add = true}
        %dma_wait3A_119 = arith.constant 0 : i32
        %dma_wait3A_120 = tpu.memref_slice %arg9[%add3A_103, %dma_wait3A_119] : memref<30x128xi32, #tpu.memory_space<vmem>> -> memref<1x128xi32, #tpu.memory_space<vmem>>
        %dma_wait3A_121 = tpu.memref_squeeze %dma_wait3A_120 : memref<1x128xi32, #tpu.memory_space<vmem>> -> memref<128xi32, #tpu.memory_space<vmem>>
        %dma_wait3A_122 = arith.constant 0 : i32
        %dma_wait3A_123 = arith.constant 0 : i32
        %dma_wait3A_124 = tpu.memref_slice %arg7[%dma_wait3A_122, %dma_wait3A_123] : memref<4096x128xf32, #tpu.memory_space<vmem_shared>> -> memref<4096x128xf32, #tpu.memory_space<vmem_shared>>
        tpu.wait_indirect_dma semaphore(%run_scoped3A_112 : memref<!tpu.dma_semaphore, #tpu.memory_space<semaphore_mem>>) src(%arg11 : memref<128x128xf32, #tpu.memory_space<vmem>>) dst(%dma_wait3A_124 : memref<4096x128xf32, #tpu.memory_space<vmem_shared>>)
        tpu.yield
      }) : () -> ()
      %add3A_104 = arith.constant 3 : i32
      %add3A_105 = arith.addi %add3A_79, %add3A_104 : i32
      %dma_start3A_106 = arith.constant 0 : i32
      %dma_start3A_107 = tpu.memref_slice %arg8[%add3A_105, %dma_start3A_106] : memref<30x128xi32, #tpu.memory_space<vmem>> -> memref<1x128xi32, #tpu.memory_space<vmem>>
      %dma_start3A_108 = tpu.memref_squeeze %dma_start3A_107 : memref<1x128xi32, #tpu.memory_space<vmem>> -> memref<128xi32, #tpu.memory_space<vmem>>
      %dma_start3A_109 = arith.constant 0 : i32
      %dma_start3A_110 = arith.constant 0 : i32
      %dma_start3A_111 = tpu.memref_slice %arg2[%dma_start3A_109, %dma_start3A_110] : memref<6000x128xf32, #tpu.memory_space<hbm>> -> memref<6000x128xf32, #tpu.memory_space<hbm>>
      tpu.enqueue_indirect_dma source(%dma_start3A_111 : memref<6000x128xf32, #tpu.memory_space<hbm>>) target(%arg11 : memref<128x128xf32, #tpu.memory_space<vmem>>) offsets(%dma_start3A_108 : memref<128xi32, #tpu.memory_space<vmem>>) semaphore(%arg13 : memref<!tpu.dma_semaphore, #tpu.memory_space<semaphore_mem>>)
    }
    %scan3A_53 = arith.constant 14 : i32
    %dma_wait3A_54 = arith.constant 28 : i32
    %dma_wait3A_55 = arith.constant 0 : i32
    %dma_wait3A_56 = tpu.memref_slice %arg8[%dma_wait3A_54, %dma_wait3A_55] : memref<30x128xi32, #tpu.memory_space<vmem>> -> memref<1x128xi32, #tpu.memory_space<vmem>>
    %dma_wait3A_57 = tpu.memref_squeeze %dma_wait3A_56 : memref<1x128xi32, #tpu.memory_space<vmem>> -> memref<128xi32, #tpu.memory_space<vmem>>
    %dma_wait3A_58 = arith.constant 0 : i32
    %dma_wait3A_59 = arith.constant 0 : i32
    %dma_wait3A_60 = tpu.memref_slice %arg2[%dma_wait3A_58, %dma_wait3A_59] : memref<6000x128xf32, #tpu.memory_space<hbm>> -> memref<6000x128xf32, #tpu.memory_space<hbm>>
    tpu.wait_indirect_dma semaphore(%arg12 : memref<!tpu.dma_semaphore, #tpu.memory_space<semaphore_mem>>) src(%dma_wait3A_60 : memref<6000x128xf32, #tpu.memory_space<hbm>>) dst(%arg10 : memref<128x128xf32, #tpu.memory_space<vmem>>)
    %run_scoped3A = arith.constant 28 : i32
    "tpu.region"() ({
      %run_scoped3A_75 = tpu.sem_alloc : memref<!tpu.dma_semaphore, #tpu.memory_space<semaphore_mem>>
      %dma_start3A_76 = arith.constant 0 : i32
      %dma_start3A_77 = tpu.memref_slice %arg9[%run_scoped3A, %dma_start3A_76] : memref<30x128xi32, #tpu.memory_space<vmem>> -> memref<1x128xi32, #tpu.memory_space<vmem>>
      %dma_start3A_78 = tpu.memref_squeeze %dma_start3A_77 : memref<1x128xi32, #tpu.memory_space<vmem>> -> memref<128xi32, #tpu.memory_space<vmem>>
      %dma_start3A_79 = arith.constant 0 : i32
      %dma_start3A_80 = arith.constant 0 : i32
      %dma_start3A_81 = tpu.memref_slice %arg7[%dma_start3A_79, %dma_start3A_80] : memref<4096x128xf32, #tpu.memory_space<vmem_shared>> -> memref<4096x128xf32, #tpu.memory_space<vmem_shared>>
      tpu.enqueue_indirect_dma source(%arg10 : memref<128x128xf32, #tpu.memory_space<vmem>>) target(%dma_start3A_81 : memref<4096x128xf32, #tpu.memory_space<vmem_shared>>) offsets(%dma_start3A_78 : memref<128xi32, #tpu.memory_space<vmem>>) semaphore(%run_scoped3A_75 : memref<!tpu.dma_semaphore, #tpu.memory_space<semaphore_mem>>) {add = true}
      %dma_wait3A_82 = arith.constant 0 : i32
      %dma_wait3A_83 = tpu.memref_slice %arg9[%run_scoped3A, %dma_wait3A_82] : memref<30x128xi32, #tpu.memory_space<vmem>> -> memref<1x128xi32, #tpu.memory_space<vmem>>
      %dma_wait3A_84 = tpu.memref_squeeze %dma_wait3A_83 : memref<1x128xi32, #tpu.memory_space<vmem>> -> memref<128xi32, #tpu.memory_space<vmem>>
      %dma_wait3A_85 = arith.constant 0 : i32
      %dma_wait3A_86 = arith.constant 0 : i32
      %dma_wait3A_87 = tpu.memref_slice %arg7[%dma_wait3A_85, %dma_wait3A_86] : memref<4096x128xf32, #tpu.memory_space<vmem_shared>> -> memref<4096x128xf32, #tpu.memory_space<vmem_shared>>
      tpu.wait_indirect_dma semaphore(%run_scoped3A_75 : memref<!tpu.dma_semaphore, #tpu.memory_space<semaphore_mem>>) src(%arg10 : memref<128x128xf32, #tpu.memory_space<vmem>>) dst(%dma_wait3A_87 : memref<4096x128xf32, #tpu.memory_space<vmem_shared>>)
      tpu.yield
    }) : () -> ()
    %dma_wait3A_61 = arith.constant 29 : i32
    %dma_wait3A_62 = arith.constant 0 : i32
    %dma_wait3A_63 = tpu.memref_slice %arg8[%dma_wait3A_61, %dma_wait3A_62] : memref<30x128xi32, #tpu.memory_space<vmem>> -> memref<1x128xi32, #tpu.memory_space<vmem>>
    %dma_wait3A_64 = tpu.memref_squeeze %dma_wait3A_63 : memref<1x128xi32, #tpu.memory_space<vmem>> -> memref<128xi32, #tpu.memory_space<vmem>>
    %dma_wait3A_65 = arith.constant 0 : i32
    %dma_wait3A_66 = arith.constant 0 : i32
    %dma_wait3A_67 = tpu.memref_slice %arg2[%dma_wait3A_65, %dma_wait3A_66] : memref<6000x128xf32, #tpu.memory_space<hbm>> -> memref<6000x128xf32, #tpu.memory_space<hbm>>
    tpu.wait_indirect_dma semaphore(%arg13 : memref<!tpu.dma_semaphore, #tpu.memory_space<semaphore_mem>>) src(%dma_wait3A_67 : memref<6000x128xf32, #tpu.memory_space<hbm>>) dst(%arg11 : memref<128x128xf32, #tpu.memory_space<vmem>>)
    %run_scoped3A_68 = arith.constant 29 : i32
    "tpu.region"() ({
      %run_scoped3A_75 = tpu.sem_alloc : memref<!tpu.dma_semaphore, #tpu.memory_space<semaphore_mem>>
      %dma_start3A_76 = arith.constant 0 : i32
      %dma_start3A_77 = tpu.memref_slice %arg9[%run_scoped3A_68, %dma_start3A_76] : memref<30x128xi32, #tpu.memory_space<vmem>> -> memref<1x128xi32, #tpu.memory_space<vmem>>
      %dma_start3A_78 = tpu.memref_squeeze %dma_start3A_77 : memref<1x128xi32, #tpu.memory_space<vmem>> -> memref<128xi32, #tpu.memory_space<vmem>>
      %dma_start3A_79 = arith.constant 0 : i32
      %dma_start3A_80 = arith.constant 0 : i32
      %dma_start3A_81 = tpu.memref_slice %arg7[%dma_start3A_79, %dma_start3A_80] : memref<4096x128xf32, #tpu.memory_space<vmem_shared>> -> memref<4096x128xf32, #tpu.memory_space<vmem_shared>>
      tpu.enqueue_indirect_dma source(%arg11 : memref<128x128xf32, #tpu.memory_space<vmem>>) target(%dma_start3A_81 : memref<4096x128xf32, #tpu.memory_space<vmem_shared>>) offsets(%dma_start3A_78 : memref<128xi32, #tpu.memory_space<vmem>>) semaphore(%run_scoped3A_75 : memref<!tpu.dma_semaphore, #tpu.memory_space<semaphore_mem>>) {add = true}
      %dma_wait3A_82 = arith.constant 0 : i32
      %dma_wait3A_83 = tpu.memref_slice %arg9[%run_scoped3A_68, %dma_wait3A_82] : memref<30x128xi32, #tpu.memory_space<vmem>> -> memref<1x128xi32, #tpu.memory_space<vmem>>
      %dma_wait3A_84 = tpu.memref_squeeze %dma_wait3A_83 : memref<1x128xi32, #tpu.memory_space<vmem>> -> memref<128xi32, #tpu.memory_space<vmem>>
      %dma_wait3A_85 = arith.constant 0 : i32
      %dma_wait3A_86 = arith.constant 0 : i32
      %dma_wait3A_87 = tpu.memref_slice %arg7[%dma_wait3A_85, %dma_wait3A_86] : memref<4096x128xf32, #tpu.memory_space<vmem_shared>> -> memref<4096x128xf32, #tpu.memory_space<vmem_shared>>
      tpu.wait_indirect_dma semaphore(%run_scoped3A_75 : memref<!tpu.dma_semaphore, #tpu.memory_space<semaphore_mem>>) src(%arg11 : memref<128x128xf32, #tpu.memory_space<vmem>>) dst(%dma_wait3A_87 : memref<4096x128xf32, #tpu.memory_space<vmem_shared>>)
      tpu.yield
    }) : () -> ()
    %barrier3A_69 = arith.constant 0 : index
    tpu.barrier barrier_id(%barrier3A_69)
    %scan3A_70 = arith.constant 0 : i32
    %scan3A_71 = arith.constant 2 : i32
    %scan3A_72 = arith.addi %scan3A_70, %scan3A_71 : i32
    %scan3A_73 = arith.constant 1 : i32
    scf.for %scan3A_75 = %scan3A_70 to %scan3A_72 step %scan3A_73  : i32 {
      %mul3A_76 = arith.constant 1 : i32
      %mul3A_77 = arith.muli %scan3A_75, %mul3A_76 : i32
      %add3A_78 = arith.constant 0 : i32
      %add3A_79 = arith.addi %add3A_78, %mul3A_77 : i32
      %mul3A_80 = arith.constant 256 : i32
      %mul3A_81 = arith.muli %arg1, %mul3A_80 : i32
      %mul3A_82 = arith.constant 128 : i32
      %mul3A_83 = arith.muli %add3A_79, %mul3A_82 : i32
      %add3A_84 = arith.addi %mul3A_81, %mul3A_83 : i32
      "tpu.region"() ({
        %run_scoped3A_88 = tpu.sem_alloc : memref<!tpu.dma_semaphore, #tpu.memory_space<semaphore_mem>>
        %dma_start3A_89 = arith.constant 0 : i32
        %dma_start3A_90 = tpu.memref_slice %arg7[%add3A_84, %dma_start3A_89] : memref<4096x128xf32, #tpu.memory_space<vmem_shared>> -> memref<128x128xf32, #tpu.memory_space<vmem_shared>>
        %dma_start3A_91 = arith.constant 0 : i32
        %dma_start3A_92 = tpu.memref_slice %arg7[%add3A_84, %dma_start3A_91] : memref<4096x128xf32, #tpu.memory_space<vmem_shared>> -> memref<128x128xf32, #tpu.memory_space<vmem_shared>>
        tpu.enqueue_dma source(%dma_start3A_92 : memref<128x128xf32, #tpu.memory_space<vmem_shared>>) target(%arg10 : memref<128x128xf32, #tpu.memory_space<vmem>>) target_semaphore(%run_scoped3A_88 : memref<!tpu.dma_semaphore, #tpu.memory_space<semaphore_mem>>)
        %dma_wait3A_93 = arith.constant 0 : i32
        %dma_wait3A_94 = tpu.memref_slice %arg7[%add3A_84, %dma_wait3A_93] : memref<4096x128xf32, #tpu.memory_space<vmem_shared>> -> memref<128x128xf32, #tpu.memory_space<vmem_shared>>
        %dma_wait3A_95 = arith.constant 0 : i32
        %dma_wait3A_96 = tpu.memref_slice %arg7[%add3A_84, %dma_wait3A_95] : memref<4096x128xf32, #tpu.memory_space<vmem_shared>> -> memref<128x128xf32, #tpu.memory_space<vmem_shared>>
        tpu.wait_dma2 semaphore(%run_scoped3A_88 : memref<!tpu.dma_semaphore, #tpu.memory_space<semaphore_mem>>) src(%dma_wait3A_96 : memref<128x128xf32, #tpu.memory_space<vmem_shared>>) dst(%arg10 : memref<128x128xf32, #tpu.memory_space<vmem>>)
        tpu.yield
      }) : () -> ()
      %mul3A_85 = arith.constant 4096 : i32
      %mul3A_86 = arith.muli %arg0, %mul3A_85 : i32
      %add3A_87 = arith.addi %mul3A_86, %add3A_84 : i32
      "tpu.region"() ({
        %run_scoped3A_88 = tpu.sem_alloc : memref<!tpu.dma_semaphore, #tpu.memory_space<semaphore_mem>>
        %dma_start3A_89 = arith.constant 0 : i32
        %dma_start3A_90 = tpu.memref_slice %arg6[%add3A_87, %dma_start3A_89] : memref<8192x128xf32, #tpu.memory_space<hbm>> -> memref<128x128xf32, #tpu.memory_space<hbm>>
        %dma_start3A_91 = arith.constant 0 : i32
        %dma_start3A_92 = tpu.memref_slice %arg6[%add3A_87, %dma_start3A_91] : memref<8192x128xf32, #tpu.memory_space<hbm>> -> memref<128x128xf32, #tpu.memory_space<hbm>>
        tpu.enqueue_dma source(%arg10 : memref<128x128xf32, #tpu.memory_space<vmem>>) target(%dma_start3A_92 : memref<128x128xf32, #tpu.memory_space<hbm>>) target_semaphore(%run_scoped3A_88 : memref<!tpu.dma_semaphore, #tpu.memory_space<semaphore_mem>>)
        %dma_wait3A_93 = arith.constant 0 : i32
        %dma_wait3A_94 = tpu.memref_slice %arg6[%add3A_87, %dma_wait3A_93] : memref<8192x128xf32, #tpu.memory_space<hbm>> -> memref<128x128xf32, #tpu.memory_space<hbm>>
        %dma_wait3A_95 = arith.constant 0 : i32
        %dma_wait3A_96 = tpu.memref_slice %arg6[%add3A_87, %dma_wait3A_95] : memref<8192x128xf32, #tpu.memory_space<hbm>> -> memref<128x128xf32, #tpu.memory_space<hbm>>
        tpu.wait_dma2 semaphore(%run_scoped3A_88 : memref<!tpu.dma_semaphore, #tpu.memory_space<semaphore_mem>>) src(%arg10 : memref<128x128xf32, #tpu.memory_space<vmem>>) dst(%dma_wait3A_96 : memref<128x128xf32, #tpu.memory_space<hbm>>)
        tpu.yield
      }) : () -> ()
    }
    %scan3A_74 = arith.constant 2 : i32
    return
  }
}

#map = affine_map<(d0, d1) -> (0)>
#map1 = affine_map<(d0, d1) -> (0, 0)>
module attributes {stable_mosaic.version = 14 : i64} {
  func.func @_s0_body(%arg0: i32, %arg1: i32, %arg2: memref<327680xi32, #tpu.memory_space<hbm>>, %arg3: memref<122880xi32, #tpu.memory_space<hbm>>, %arg4: memref<122880xi32, #tpu.memory_space<hbm>>, %arg5: memref<32x10240xf32, #tpu.memory_space<hbm>>, %arg6: memref<32x6144xf32, #tpu.memory_space<hbm>>, %arg7: memref<32x4096xf32, #tpu.memory_space<hbm>>, %arg8: memref<10240xf32, #tpu.memory_space<vmem>>, %arg9: memref<6144xf32, #tpu.memory_space<vmem>>, %arg10: memref<4096xf32, #tpu.memory_space<vmem>>, %arg11: memref<128xi32, #tpu.memory_space<vmem>>, %arg12: memref<!tpu.dma_semaphore, #tpu.memory_space<semaphore_mem>>) attributes {dimension_semantics = [#tpu.dimension_semantics<core_parallel>, #tpu.dimension_semantics<subcore_parallel>], iteration_bounds = array<i64: 2, 16>, scalar_prefetch = 0 : i64, scratch_operands = 5 : i64, tpu.core_type = #tpu.core_type<sc_vector_subcore>, window_params = [{transform_indices = #map}, {transform_indices = #map}, {transform_indices = #map}, {transform_indices = #map1}, {transform_indices = #map1}, {transform_indices = #map1}]} {
    %mul3A = arith.constant 2 : i32
    %mul3A_0 = arith.muli %arg1, %mul3A : i32
    %add3A = arith.addi %mul3A_0, %arg0 : i32
    %broadcast_in_dim3A = arith.constant 0.000000e+00 : f32
    %broadcast_in_dim3A_1 = vector.broadcast %broadcast_in_dim3A : f32 to vector<16xf32>
    %scan3A = arith.constant 0 : i32
    %scan3A_2 = arith.constant 640 : i32
    %scan3A_3 = arith.addi %scan3A, %scan3A_2 : i32
    %scan3A_4 = arith.constant 1 : i32
    scf.for %scan3A_41 = %scan3A to %scan3A_3 step %scan3A_4  : i32 {
      %mul3A_42 = arith.constant 1 : i32
      %mul3A_43 = arith.muli %scan3A_41, %mul3A_42 : i32
      %add3A_44 = arith.constant 0 : i32
      %add3A_45 = arith.addi %add3A_44, %mul3A_43 : i32
      %mul3A_46 = arith.constant 16 : i32
      %mul3A_47 = arith.muli %add3A_45, %mul3A_46 : i32
      %swap3A = arith.index_cast %mul3A_47 : i32 to index
      %swap3A_48 = tpu.vector_load %arg8[%swap3A] {strides = array<i32>} : memref<10240xf32, #tpu.memory_space<vmem>>, vector<16xf32>,
      tpu.vector_store %arg8[%swap3A], %broadcast_in_dim3A_1 {strides = array<i32>} : memref<10240xf32, #tpu.memory_space<vmem>>, vector<16xf32>,
    }
    %scan3A_5 = arith.constant 640 : i32
    %broadcast_in_dim3A_6 = arith.constant 0.000000e+00 : f32
    %broadcast_in_dim3A_7 = vector.broadcast %broadcast_in_dim3A_6 : f32 to vector<16xf32>
    %scan3A_8 = arith.constant 0 : i32
    %scan3A_9 = arith.constant 384 : i32
    %scan3A_10 = arith.addi %scan3A_8, %scan3A_9 : i32
    %scan3A_11 = arith.constant 1 : i32
    scf.for %scan3A_41 = %scan3A_8 to %scan3A_10 step %scan3A_11  : i32 {
      %mul3A_42 = arith.constant 1 : i32
      %mul3A_43 = arith.muli %scan3A_41, %mul3A_42 : i32
      %add3A_44 = arith.constant 0 : i32
      %add3A_45 = arith.addi %add3A_44, %mul3A_43 : i32
      %mul3A_46 = arith.constant 16 : i32
      %mul3A_47 = arith.muli %add3A_45, %mul3A_46 : i32
      %swap3A = arith.index_cast %mul3A_47 : i32 to index
      %swap3A_48 = tpu.vector_load %arg9[%swap3A] {strides = array<i32>} : memref<6144xf32, #tpu.memory_space<vmem>>, vector<16xf32>,
      tpu.vector_store %arg9[%swap3A], %broadcast_in_dim3A_7 {strides = array<i32>} : memref<6144xf32, #tpu.memory_space<vmem>>, vector<16xf32>,
    }
    %scan3A_12 = arith.constant 384 : i32
    %broadcast_in_dim3A_13 = arith.constant 0.000000e+00 : f32
    %broadcast_in_dim3A_14 = vector.broadcast %broadcast_in_dim3A_13 : f32 to vector<16xf32>
    %scan3A_15 = arith.constant 0 : i32
    %scan3A_16 = arith.constant 256 : i32
    %scan3A_17 = arith.addi %scan3A_15, %scan3A_16 : i32
    %scan3A_18 = arith.constant 1 : i32
    scf.for %scan3A_41 = %scan3A_15 to %scan3A_17 step %scan3A_18  : i32 {
      %mul3A_42 = arith.constant 1 : i32
      %mul3A_43 = arith.muli %scan3A_41, %mul3A_42 : i32
      %add3A_44 = arith.constant 0 : i32
      %add3A_45 = arith.addi %add3A_44, %mul3A_43 : i32
      %mul3A_46 = arith.constant 16 : i32
      %mul3A_47 = arith.muli %add3A_45, %mul3A_46 : i32
      %swap3A = arith.index_cast %mul3A_47 : i32 to index
      %swap3A_48 = tpu.vector_load %arg10[%swap3A] {strides = array<i32>} : memref<4096xf32, #tpu.memory_space<vmem>>, vector<16xf32>,
      tpu.vector_store %arg10[%swap3A], %broadcast_in_dim3A_14 {strides = array<i32>} : memref<4096xf32, #tpu.memory_space<vmem>>, vector<16xf32>,
    }
    %scan3A_19 = arith.constant 256 : i32
    %broadcast_in_dim3A_20 = arith.constant 1.000000e+00 : f32
    %broadcast_in_dim3A_21 = vector.broadcast %broadcast_in_dim3A_20 : f32 to vector<16xf32>
    %scan3A_22 = arith.constant 0 : i32
    %scan3A_23 = arith.constant 80 : i32
    %scan3A_24 = arith.addi %scan3A_22, %scan3A_23 : i32
    %scan3A_25 = arith.constant 1 : i32
    scf.for %scan3A_41 = %scan3A_22 to %scan3A_24 step %scan3A_25  : i32 {
      %mul3A_42 = arith.constant 1 : i32
      %mul3A_43 = arith.muli %scan3A_41, %mul3A_42 : i32
      %add3A_44 = arith.constant 0 : i32
      %add3A_45 = arith.addi %add3A_44, %mul3A_43 : i32
      %mul3A_46 = arith.constant 10240 : i32
      %mul3A_47 = arith.muli %add3A, %mul3A_46 : i32
      %mul3A_48 = arith.constant 128 : i32
      %mul3A_49 = arith.muli %add3A_45, %mul3A_48 : i32
      %add3A_50 = arith.addi %mul3A_47, %mul3A_49 : i32
      %dma_start3A = tpu.memref_slice %arg2[%add3A_50] : memref<327680xi32, #tpu.memory_space<hbm>> -> memref<128xi32, #tpu.memory_space<hbm>>
      %dma_start3A_51 = tpu.memref_slice %arg2[%add3A_50] : memref<327680xi32, #tpu.memory_space<hbm>> -> memref<128xi32, #tpu.memory_space<hbm>>
      tpu.enqueue_dma source(%dma_start3A_51 : memref<128xi32, #tpu.memory_space<hbm>>) target(%arg11 : memref<128xi32, #tpu.memory_space<vmem>>) target_semaphore(%arg12 : memref<!tpu.dma_semaphore, #tpu.memory_space<semaphore_mem>>)
      %dma_wait3A = tpu.memref_slice %arg2[%add3A_50] : memref<327680xi32, #tpu.memory_space<hbm>> -> memref<128xi32, #tpu.memory_space<hbm>>
      %dma_wait3A_52 = tpu.memref_slice %arg2[%add3A_50] : memref<327680xi32, #tpu.memory_space<hbm>> -> memref<128xi32, #tpu.memory_space<hbm>>
      tpu.wait_dma2 semaphore(%arg12 : memref<!tpu.dma_semaphore, #tpu.memory_space<semaphore_mem>>) src(%dma_wait3A_52 : memref<128xi32, #tpu.memory_space<hbm>>) dst(%arg11 : memref<128xi32, #tpu.memory_space<vmem>>)
      %scan3A_53 = arith.constant 0 : i32
      %scan3A_54 = arith.constant 8 : i32
      %scan3A_55 = arith.addi %scan3A_53, %scan3A_54 : i32
      %scan3A_56 = arith.constant 1 : i32
      scf.for %scan3A_58 = %scan3A_53 to %scan3A_55 step %scan3A_56  : i32 {
        %mul3A_59 = arith.constant 1 : i32
        %mul3A_60 = arith.muli %scan3A_58, %mul3A_59 : i32
        %add3A_61 = arith.constant 0 : i32
        %add3A_62 = arith.addi %add3A_61, %mul3A_60 : i32
        %mul3A_63 = arith.constant 16 : i32
        %mul3A_64 = arith.muli %add3A_62, %mul3A_63 : i32
        %get3A = arith.index_cast %mul3A_64 : i32 to index
        %get3A_65 = tpu.vector_load %arg11[%get3A] {strides = array<i32>} : memref<128xi32, #tpu.memory_space<vmem>>, vector<16xi32>,
        tpu.vector_store_idx %arg8[%get3A_65], %broadcast_in_dim3A_21 {add = true} : memref<10240xf32, #tpu.memory_space<vmem>>[vector<16xi32>], vector<16xf32>,
      }
      %scan3A_57 = arith.constant 8 : i32
    }
    %scan3A_26 = arith.constant 80 : i32
    %broadcast_in_dim3A_27 = arith.constant 1.000000e+00 : f32
    %broadcast_in_dim3A_28 = vector.broadcast %broadcast_in_dim3A_27 : f32 to vector<16xf32>
    %scan3A_29 = arith.constant 0 : i32
    %scan3A_30 = arith.constant 30 : i32
    %scan3A_31 = arith.addi %scan3A_29, %scan3A_30 : i32
    %scan3A_32 = arith.constant 1 : i32
    scf.for %scan3A_41 = %scan3A_29 to %scan3A_31 step %scan3A_32  : i32 {
      %mul3A_42 = arith.constant 1 : i32
      %mul3A_43 = arith.muli %scan3A_41, %mul3A_42 : i32
      %add3A_44 = arith.constant 0 : i32
      %add3A_45 = arith.addi %add3A_44, %mul3A_43 : i32
      %mul3A_46 = arith.constant 3840 : i32
      %mul3A_47 = arith.muli %add3A, %mul3A_46 : i32
      %mul3A_48 = arith.constant 128 : i32
      %mul3A_49 = arith.muli %add3A_45, %mul3A_48 : i32
      %add3A_50 = arith.addi %mul3A_47, %mul3A_49 : i32
      %dma_start3A = tpu.memref_slice %arg3[%add3A_50] : memref<122880xi32, #tpu.memory_space<hbm>> -> memref<128xi32, #tpu.memory_space<hbm>>
      %dma_start3A_51 = tpu.memref_slice %arg3[%add3A_50] : memref<122880xi32, #tpu.memory_space<hbm>> -> memref<128xi32, #tpu.memory_space<hbm>>
      tpu.enqueue_dma source(%dma_start3A_51 : memref<128xi32, #tpu.memory_space<hbm>>) target(%arg11 : memref<128xi32, #tpu.memory_space<vmem>>) target_semaphore(%arg12 : memref<!tpu.dma_semaphore, #tpu.memory_space<semaphore_mem>>)
      %dma_wait3A = tpu.memref_slice %arg3[%add3A_50] : memref<122880xi32, #tpu.memory_space<hbm>> -> memref<128xi32, #tpu.memory_space<hbm>>
      %dma_wait3A_52 = tpu.memref_slice %arg3[%add3A_50] : memref<122880xi32, #tpu.memory_space<hbm>> -> memref<128xi32, #tpu.memory_space<hbm>>
      tpu.wait_dma2 semaphore(%arg12 : memref<!tpu.dma_semaphore, #tpu.memory_space<semaphore_mem>>) src(%dma_wait3A_52 : memref<128xi32, #tpu.memory_space<hbm>>) dst(%arg11 : memref<128xi32, #tpu.memory_space<vmem>>)
      %scan3A_53 = arith.constant 0 : i32
      %scan3A_54 = arith.constant 8 : i32
      %scan3A_55 = arith.addi %scan3A_53, %scan3A_54 : i32
      %scan3A_56 = arith.constant 1 : i32
      scf.for %scan3A_58 = %scan3A_53 to %scan3A_55 step %scan3A_56  : i32 {
        %mul3A_59 = arith.constant 1 : i32
        %mul3A_60 = arith.muli %scan3A_58, %mul3A_59 : i32
        %add3A_61 = arith.constant 0 : i32
        %add3A_62 = arith.addi %add3A_61, %mul3A_60 : i32
        %mul3A_63 = arith.constant 16 : i32
        %mul3A_64 = arith.muli %add3A_62, %mul3A_63 : i32
        %get3A = arith.index_cast %mul3A_64 : i32 to index
        %get3A_65 = tpu.vector_load %arg11[%get3A] {strides = array<i32>} : memref<128xi32, #tpu.memory_space<vmem>>, vector<16xi32>,
        tpu.vector_store_idx %arg9[%get3A_65], %broadcast_in_dim3A_28 {add = true} : memref<6144xf32, #tpu.memory_space<vmem>>[vector<16xi32>], vector<16xf32>,
      }
      %scan3A_57 = arith.constant 8 : i32
    }
    %scan3A_33 = arith.constant 30 : i32
    %broadcast_in_dim3A_34 = arith.constant 1.000000e+00 : f32
    %broadcast_in_dim3A_35 = vector.broadcast %broadcast_in_dim3A_34 : f32 to vector<16xf32>
    %scan3A_36 = arith.constant 0 : i32
    %scan3A_37 = arith.constant 30 : i32
    %scan3A_38 = arith.addi %scan3A_36, %scan3A_37 : i32
    %scan3A_39 = arith.constant 1 : i32
    scf.for %scan3A_41 = %scan3A_36 to %scan3A_38 step %scan3A_39  : i32 {
      %mul3A_42 = arith.constant 1 : i32
      %mul3A_43 = arith.muli %scan3A_41, %mul3A_42 : i32
      %add3A_44 = arith.constant 0 : i32
      %add3A_45 = arith.addi %add3A_44, %mul3A_43 : i32
      %mul3A_46 = arith.constant 3840 : i32
      %mul3A_47 = arith.muli %add3A, %mul3A_46 : i32
      %mul3A_48 = arith.constant 128 : i32
      %mul3A_49 = arith.muli %add3A_45, %mul3A_48 : i32
      %add3A_50 = arith.addi %mul3A_47, %mul3A_49 : i32
      %dma_start3A = tpu.memref_slice %arg4[%add3A_50] : memref<122880xi32, #tpu.memory_space<hbm>> -> memref<128xi32, #tpu.memory_space<hbm>>
      %dma_start3A_51 = tpu.memref_slice %arg4[%add3A_50] : memref<122880xi32, #tpu.memory_space<hbm>> -> memref<128xi32, #tpu.memory_space<hbm>>
      tpu.enqueue_dma source(%dma_start3A_51 : memref<128xi32, #tpu.memory_space<hbm>>) target(%arg11 : memref<128xi32, #tpu.memory_space<vmem>>) target_semaphore(%arg12 : memref<!tpu.dma_semaphore, #tpu.memory_space<semaphore_mem>>)
      %dma_wait3A = tpu.memref_slice %arg4[%add3A_50] : memref<122880xi32, #tpu.memory_space<hbm>> -> memref<128xi32, #tpu.memory_space<hbm>>
      %dma_wait3A_52 = tpu.memref_slice %arg4[%add3A_50] : memref<122880xi32, #tpu.memory_space<hbm>> -> memref<128xi32, #tpu.memory_space<hbm>>
      tpu.wait_dma2 semaphore(%arg12 : memref<!tpu.dma_semaphore, #tpu.memory_space<semaphore_mem>>) src(%dma_wait3A_52 : memref<128xi32, #tpu.memory_space<hbm>>) dst(%arg11 : memref<128xi32, #tpu.memory_space<vmem>>)
      %scan3A_53 = arith.constant 0 : i32
      %scan3A_54 = arith.constant 8 : i32
      %scan3A_55 = arith.addi %scan3A_53, %scan3A_54 : i32
      %scan3A_56 = arith.constant 1 : i32
      scf.for %scan3A_58 = %scan3A_53 to %scan3A_55 step %scan3A_56  : i32 {
        %mul3A_59 = arith.constant 1 : i32
        %mul3A_60 = arith.muli %scan3A_58, %mul3A_59 : i32
        %add3A_61 = arith.constant 0 : i32
        %add3A_62 = arith.addi %add3A_61, %mul3A_60 : i32
        %mul3A_63 = arith.constant 16 : i32
        %mul3A_64 = arith.muli %add3A_62, %mul3A_63 : i32
        %get3A = arith.index_cast %mul3A_64 : i32 to index
        %get3A_65 = tpu.vector_load %arg11[%get3A] {strides = array<i32>} : memref<128xi32, #tpu.memory_space<vmem>>, vector<16xi32>,
        tpu.vector_store_idx %arg10[%get3A_65], %broadcast_in_dim3A_35 {add = true} : memref<4096xf32, #tpu.memory_space<vmem>>[vector<16xi32>], vector<16xf32>,
      }
      %scan3A_57 = arith.constant 8 : i32
    }
    %scan3A_40 = arith.constant 30 : i32
    "tpu.region"() ({
      %run_scoped3A = tpu.sem_alloc : memref<!tpu.dma_semaphore, #tpu.memory_space<semaphore_mem>>
      %dma_start3A = arith.constant 0 : i32
      %dma_start3A_41 = tpu.memref_slice %arg5[%add3A, %dma_start3A] : memref<32x10240xf32, #tpu.memory_space<hbm>> -> memref<1x10240xf32, #tpu.memory_space<hbm>>
      %dma_start3A_42 = tpu.memref_squeeze %dma_start3A_41 : memref<1x10240xf32, #tpu.memory_space<hbm>> -> memref<10240xf32, #tpu.memory_space<hbm>>
      %dma_start3A_43 = arith.constant 0 : i32
      %dma_start3A_44 = tpu.memref_slice %arg5[%add3A, %dma_start3A_43] : memref<32x10240xf32, #tpu.memory_space<hbm>> -> memref<1x10240xf32, #tpu.memory_space<hbm>>
      %dma_start3A_45 = tpu.memref_squeeze %dma_start3A_44 : memref<1x10240xf32, #tpu.memory_space<hbm>> -> memref<10240xf32, #tpu.memory_space<hbm>>
      tpu.enqueue_dma source(%arg8 : memref<10240xf32, #tpu.memory_space<vmem>>) target(%dma_start3A_45 : memref<10240xf32, #tpu.memory_space<hbm>>) target_semaphore(%run_scoped3A : memref<!tpu.dma_semaphore, #tpu.memory_space<semaphore_mem>>)
      %dma_wait3A = arith.constant 0 : i32
      %dma_wait3A_46 = tpu.memref_slice %arg5[%add3A, %dma_wait3A] : memref<32x10240xf32, #tpu.memory_space<hbm>> -> memref<1x10240xf32, #tpu.memory_space<hbm>>
      %dma_wait3A_47 = tpu.memref_squeeze %dma_wait3A_46 : memref<1x10240xf32, #tpu.memory_space<hbm>> -> memref<10240xf32, #tpu.memory_space<hbm>>
      %dma_wait3A_48 = arith.constant 0 : i32
      %dma_wait3A_49 = tpu.memref_slice %arg5[%add3A, %dma_wait3A_48] : memref<32x10240xf32, #tpu.memory_space<hbm>> -> memref<1x10240xf32, #tpu.memory_space<hbm>>
      %dma_wait3A_50 = tpu.memref_squeeze %dma_wait3A_49 : memref<1x10240xf32, #tpu.memory_space<hbm>> -> memref<10240xf32, #tpu.memory_space<hbm>>
      tpu.wait_dma2 semaphore(%run_scoped3A : memref<!tpu.dma_semaphore, #tpu.memory_space<semaphore_mem>>) src(%arg8 : memref<10240xf32, #tpu.memory_space<vmem>>) dst(%dma_wait3A_50 : memref<10240xf32, #tpu.memory_space<hbm>>)
      tpu.yield
    }) : () -> ()
    "tpu.region"() ({
      %run_scoped3A = tpu.sem_alloc : memref<!tpu.dma_semaphore, #tpu.memory_space<semaphore_mem>>
      %dma_start3A = arith.constant 0 : i32
      %dma_start3A_41 = tpu.memref_slice %arg6[%add3A, %dma_start3A] : memref<32x6144xf32, #tpu.memory_space<hbm>> -> memref<1x6144xf32, #tpu.memory_space<hbm>>
      %dma_start3A_42 = tpu.memref_squeeze %dma_start3A_41 : memref<1x6144xf32, #tpu.memory_space<hbm>> -> memref<6144xf32, #tpu.memory_space<hbm>>
      %dma_start3A_43 = arith.constant 0 : i32
      %dma_start3A_44 = tpu.memref_slice %arg6[%add3A, %dma_start3A_43] : memref<32x6144xf32, #tpu.memory_space<hbm>> -> memref<1x6144xf32, #tpu.memory_space<hbm>>
      %dma_start3A_45 = tpu.memref_squeeze %dma_start3A_44 : memref<1x6144xf32, #tpu.memory_space<hbm>> -> memref<6144xf32, #tpu.memory_space<hbm>>
      tpu.enqueue_dma source(%arg9 : memref<6144xf32, #tpu.memory_space<vmem>>) target(%dma_start3A_45 : memref<6144xf32, #tpu.memory_space<hbm>>) target_semaphore(%run_scoped3A : memref<!tpu.dma_semaphore, #tpu.memory_space<semaphore_mem>>)
      %dma_wait3A = arith.constant 0 : i32
      %dma_wait3A_46 = tpu.memref_slice %arg6[%add3A, %dma_wait3A] : memref<32x6144xf32, #tpu.memory_space<hbm>> -> memref<1x6144xf32, #tpu.memory_space<hbm>>
      %dma_wait3A_47 = tpu.memref_squeeze %dma_wait3A_46 : memref<1x6144xf32, #tpu.memory_space<hbm>> -> memref<6144xf32, #tpu.memory_space<hbm>>
      %dma_wait3A_48 = arith.constant 0 : i32
      %dma_wait3A_49 = tpu.memref_slice %arg6[%add3A, %dma_wait3A_48] : memref<32x6144xf32, #tpu.memory_space<hbm>> -> memref<1x6144xf32, #tpu.memory_space<hbm>>
      %dma_wait3A_50 = tpu.memref_squeeze %dma_wait3A_49 : memref<1x6144xf32, #tpu.memory_space<hbm>> -> memref<6144xf32, #tpu.memory_space<hbm>>
      tpu.wait_dma2 semaphore(%run_scoped3A : memref<!tpu.dma_semaphore, #tpu.memory_space<semaphore_mem>>) src(%arg9 : memref<6144xf32, #tpu.memory_space<vmem>>) dst(%dma_wait3A_50 : memref<6144xf32, #tpu.memory_space<hbm>>)
      tpu.yield
    }) : () -> ()
    "tpu.region"() ({
      %run_scoped3A = tpu.sem_alloc : memref<!tpu.dma_semaphore, #tpu.memory_space<semaphore_mem>>
      %dma_start3A = arith.constant 0 : i32
      %dma_start3A_41 = tpu.memref_slice %arg7[%add3A, %dma_start3A] : memref<32x4096xf32, #tpu.memory_space<hbm>> -> memref<1x4096xf32, #tpu.memory_space<hbm>>
      %dma_start3A_42 = tpu.memref_squeeze %dma_start3A_41 : memref<1x4096xf32, #tpu.memory_space<hbm>> -> memref<4096xf32, #tpu.memory_space<hbm>>
      %dma_start3A_43 = arith.constant 0 : i32
      %dma_start3A_44 = tpu.memref_slice %arg7[%add3A, %dma_start3A_43] : memref<32x4096xf32, #tpu.memory_space<hbm>> -> memref<1x4096xf32, #tpu.memory_space<hbm>>
      %dma_start3A_45 = tpu.memref_squeeze %dma_start3A_44 : memref<1x4096xf32, #tpu.memory_space<hbm>> -> memref<4096xf32, #tpu.memory_space<hbm>>
      tpu.enqueue_dma source(%arg10 : memref<4096xf32, #tpu.memory_space<vmem>>) target(%dma_start3A_45 : memref<4096xf32, #tpu.memory_space<hbm>>) target_semaphore(%run_scoped3A : memref<!tpu.dma_semaphore, #tpu.memory_space<semaphore_mem>>)
      %dma_wait3A = arith.constant 0 : i32
      %dma_wait3A_46 = tpu.memref_slice %arg7[%add3A, %dma_wait3A] : memref<32x4096xf32, #tpu.memory_space<hbm>> -> memref<1x4096xf32, #tpu.memory_space<hbm>>
      %dma_wait3A_47 = tpu.memref_squeeze %dma_wait3A_46 : memref<1x4096xf32, #tpu.memory_space<hbm>> -> memref<4096xf32, #tpu.memory_space<hbm>>
      %dma_wait3A_48 = arith.constant 0 : i32
      %dma_wait3A_49 = tpu.memref_slice %arg7[%add3A, %dma_wait3A_48] : memref<32x4096xf32, #tpu.memory_space<hbm>> -> memref<1x4096xf32, #tpu.memory_space<hbm>>
      %dma_wait3A_50 = tpu.memref_squeeze %dma_wait3A_49 : memref<1x4096xf32, #tpu.memory_space<hbm>> -> memref<4096xf32, #tpu.memory_space<hbm>>
      tpu.wait_dma2 semaphore(%run_scoped3A : memref<!tpu.dma_semaphore, #tpu.memory_space<semaphore_mem>>) src(%arg10 : memref<4096xf32, #tpu.memory_space<vmem>>) dst(%dma_wait3A_50 : memref<4096xf32, #tpu.memory_space<hbm>>)
      tpu.yield
    }) : () -> ()
    return
  }
}

#map = affine_map<(d0, d1) -> (0, 0)>
#map1 = affine_map<(d0, d1) -> (0)>
module attributes {stable_mosaic.version = 14 : i64} {
  func.func @_s2_body(%arg0: i32, %arg1: i32, %arg2: memref<327680x128xf32, #tpu.memory_space<hbm>>, %arg3: memref<327680xi32, #tpu.memory_space<hbm>>, %arg4: memref<128x128xf32, #tpu.memory_space<hbm>>, %arg5: memref<20480x128xf32, #tpu.memory_space<hbm>>, %arg6: memref<10240x128xf32, #tpu.memory_space<vmem_shared>>, %arg7: memref<128xi32, #tpu.memory_space<vmem>>, %arg8: memref<128xi32, #tpu.memory_space<vmem>>, %arg9: memref<128x128xf32, #tpu.memory_space<vmem>>, %arg10: memref<128x128xf32, #tpu.memory_space<vmem>>, %arg11: memref<!tpu.dma_semaphore, #tpu.memory_space<semaphore_mem>>, %arg12: memref<!tpu.dma_semaphore, #tpu.memory_space<semaphore_mem>>, %arg13: memref<!tpu.dma_semaphore, #tpu.memory_space<semaphore_mem>>, %arg14: memref<!tpu.dma_semaphore, #tpu.memory_space<semaphore_mem>>) attributes {dimension_semantics = [#tpu.dimension_semantics<core_parallel>, #tpu.dimension_semantics<subcore_parallel>], iteration_bounds = array<i64: 2, 16>, scalar_prefetch = 0 : i64, scratch_operands = 9 : i64, tpu.core_type = #tpu.core_type<sc_vector_subcore>, window_params = [{transform_indices = #map}, {transform_indices = #map1}, {transform_indices = #map}, {transform_indices = #map}]} {
    %mul3A = arith.constant 2 : i32
    %mul3A_0 = arith.muli %arg1, %mul3A : i32
    %add3A = arith.addi %mul3A_0, %arg0 : i32
    "tpu.region"() ({
      %run_scoped3A = tpu.sem_alloc : memref<!tpu.dma_semaphore, #tpu.memory_space<semaphore_mem>>
      tpu.enqueue_dma source(%arg4 : memref<128x128xf32, #tpu.memory_space<hbm>>) target(%arg9 : memref<128x128xf32, #tpu.memory_space<vmem>>) target_semaphore(%run_scoped3A : memref<!tpu.dma_semaphore, #tpu.memory_space<semaphore_mem>>)
      tpu.wait_dma2 semaphore(%run_scoped3A : memref<!tpu.dma_semaphore, #tpu.memory_space<semaphore_mem>>) src(%arg4 : memref<128x128xf32, #tpu.memory_space<hbm>>) dst(%arg9 : memref<128x128xf32, #tpu.memory_space<vmem>>)
      tpu.yield
    }) : () -> ()
    %scan3A = arith.constant 0 : i32
    %scan3A_1 = arith.constant 5 : i32
    %scan3A_2 = arith.addi %scan3A, %scan3A_1 : i32
    %scan3A_3 = arith.constant 1 : i32
    scf.for %scan3A_50 = %scan3A to %scan3A_2 step %scan3A_3  : i32 {
      %mul3A_51 = arith.constant 1 : i32
      %mul3A_52 = arith.muli %scan3A_50, %mul3A_51 : i32
      %add3A_53 = arith.constant 0 : i32
      %add3A_54 = arith.addi %add3A_53, %mul3A_52 : i32
      %mul3A_55 = arith.constant 640 : i32
      %mul3A_56 = arith.muli %arg1, %mul3A_55 : i32
      %mul3A_57 = arith.constant 128 : i32
      %mul3A_58 = arith.muli %add3A_54, %mul3A_57 : i32
      %add3A_59 = arith.addi %mul3A_56, %mul3A_58 : i32
      "tpu.region"() ({
        %run_scoped3A = tpu.sem_alloc : memref<!tpu.dma_semaphore, #tpu.memory_space<semaphore_mem>>
        %dma_start3A_60 = arith.constant 0 : i32
        %dma_start3A_61 = tpu.memref_slice %arg6[%add3A_59, %dma_start3A_60] : memref<10240x128xf32, #tpu.memory_space<vmem_shared>> -> memref<128x128xf32, #tpu.memory_space<vmem_shared>>
        %dma_start3A_62 = arith.constant 0 : i32
        %dma_start3A_63 = tpu.memref_slice %arg6[%add3A_59, %dma_start3A_62] : memref<10240x128xf32, #tpu.memory_space<vmem_shared>> -> memref<128x128xf32, #tpu.memory_space<vmem_shared>>
        tpu.enqueue_dma source(%arg9 : memref<128x128xf32, #tpu.memory_space<vmem>>) target(%dma_start3A_63 : memref<128x128xf32, #tpu.memory_space<vmem_shared>>) target_semaphore(%run_scoped3A : memref<!tpu.dma_semaphore, #tpu.memory_space<semaphore_mem>>)
        %dma_wait3A_64 = arith.constant 0 : i32
        %dma_wait3A_65 = tpu.memref_slice %arg6[%add3A_59, %dma_wait3A_64] : memref<10240x128xf32, #tpu.memory_space<vmem_shared>> -> memref<128x128xf32, #tpu.memory_space<vmem_shared>>
        %dma_wait3A_66 = arith.constant 0 : i32
        %dma_wait3A_67 = tpu.memref_slice %arg6[%add3A_59, %dma_wait3A_66] : memref<10240x128xf32, #tpu.memory_space<vmem_shared>> -> memref<128x128xf32, #tpu.memory_space<vmem_shared>>
        tpu.wait_dma2 semaphore(%run_scoped3A : memref<!tpu.dma_semaphore, #tpu.memory_space<semaphore_mem>>) src(%arg9 : memref<128x128xf32, #tpu.memory_space<vmem>>) dst(%dma_wait3A_67 : memref<128x128xf32, #tpu.memory_space<vmem_shared>>)
        tpu.yield
      }) : () -> ()
    }
    %scan3A_4 = arith.constant 5 : i32
    %mul3A_5 = arith.constant 10240 : i32
    %mul3A_6 = arith.muli %add3A, %mul3A_5 : i32
    %dma_start3A = tpu.memref_slice %arg3[%mul3A_6] : memref<327680xi32, #tpu.memory_space<hbm>> -> memref<128xi32, #tpu.memory_space<hbm>>
    %dma_start3A_7 = tpu.memref_slice %arg3[%mul3A_6] : memref<327680xi32, #tpu.memory_space<hbm>> -> memref<128xi32, #tpu.memory_space<hbm>>
    tpu.enqueue_dma source(%dma_start3A_7 : memref<128xi32, #tpu.memory_space<hbm>>) target(%arg7 : memref<128xi32, #tpu.memory_space<vmem>>) target_semaphore(%arg11 : memref<!tpu.dma_semaphore, #tpu.memory_space<semaphore_mem>>)
    %dma_start3A_8 = arith.constant 0 : i32
    %dma_start3A_9 = tpu.memref_slice %arg2[%mul3A_6, %dma_start3A_8] : memref<327680x128xf32, #tpu.memory_space<hbm>> -> memref<128x128xf32, #tpu.memory_space<hbm>>
    %dma_start3A_10 = arith.constant 0 : i32
    %dma_start3A_11 = tpu.memref_slice %arg2[%mul3A_6, %dma_start3A_10] : memref<327680x128xf32, #tpu.memory_space<hbm>> -> memref<128x128xf32, #tpu.memory_space<hbm>>
    tpu.enqueue_dma source(%dma_start3A_11 : memref<128x128xf32, #tpu.memory_space<hbm>>) target(%arg9 : memref<128x128xf32, #tpu.memory_space<vmem>>) target_semaphore(%arg13 : memref<!tpu.dma_semaphore, #tpu.memory_space<semaphore_mem>>)
    %add3A_12 = arith.constant 128 : i32
    %add3A_13 = arith.addi %mul3A_6, %add3A_12 : i32
    %dma_start3A_14 = tpu.memref_slice %arg3[%add3A_13] : memref<327680xi32, #tpu.memory_space<hbm>> -> memref<128xi32, #tpu.memory_space<hbm>>
    %dma_start3A_15 = tpu.memref_slice %arg3[%add3A_13] : memref<327680xi32, #tpu.memory_space<hbm>> -> memref<128xi32, #tpu.memory_space<hbm>>
    tpu.enqueue_dma source(%dma_start3A_15 : memref<128xi32, #tpu.memory_space<hbm>>) target(%arg8 : memref<128xi32, #tpu.memory_space<vmem>>) target_semaphore(%arg12 : memref<!tpu.dma_semaphore, #tpu.memory_space<semaphore_mem>>)
    %add3A_16 = arith.constant 128 : i32
    %add3A_17 = arith.addi %mul3A_6, %add3A_16 : i32
    %dma_start3A_18 = arith.constant 0 : i32
    %dma_start3A_19 = tpu.memref_slice %arg2[%add3A_17, %dma_start3A_18] : memref<327680x128xf32, #tpu.memory_space<hbm>> -> memref<128x128xf32, #tpu.memory_space<hbm>>
    %dma_start3A_20 = arith.constant 0 : i32
    %dma_start3A_21 = tpu.memref_slice %arg2[%add3A_17, %dma_start3A_20] : memref<327680x128xf32, #tpu.memory_space<hbm>> -> memref<128x128xf32, #tpu.memory_space<hbm>>
    tpu.enqueue_dma source(%dma_start3A_21 : memref<128x128xf32, #tpu.memory_space<hbm>>) target(%arg10 : memref<128x128xf32, #tpu.memory_space<vmem>>) target_semaphore(%arg14 : memref<!tpu.dma_semaphore, #tpu.memory_space<semaphore_mem>>)
    %barrier3A = arith.constant 0 : index
    tpu.barrier barrier_id(%barrier3A)
    %scan3A_22 = arith.constant 0 : i32
    %scan3A_23 = arith.constant 39 : i32
    %scan3A_24 = arith.addi %scan3A_22, %scan3A_23 : i32
    %scan3A_25 = arith.constant 1 : i32
    scf.for %scan3A_50 = %scan3A_22 to %scan3A_24 step %scan3A_25  : i32 {
      %mul3A_51 = arith.constant 2 : i32
      %mul3A_52 = arith.muli %scan3A_50, %mul3A_51 : i32
      %add3A_53 = arith.constant 0 : i32
      %add3A_54 = arith.addi %add3A_53, %mul3A_52 : i32
      %mul3A_55 = arith.constant 128 : i32
      %mul3A_56 = arith.muli %add3A_54, %mul3A_55 : i32
      %add3A_57 = arith.addi %mul3A_6, %mul3A_56 : i32
      %dma_wait3A_58 = tpu.memref_slice %arg3[%add3A_57] : memref<327680xi32, #tpu.memory_space<hbm>> -> memref<128xi32, #tpu.memory_space<hbm>>
      %dma_wait3A_59 = tpu.memref_slice %arg3[%add3A_57] : memref<327680xi32, #tpu.memory_space<hbm>> -> memref<128xi32, #tpu.memory_space<hbm>>
      tpu.wait_dma2 semaphore(%arg11 : memref<!tpu.dma_semaphore, #tpu.memory_space<semaphore_mem>>) src(%dma_wait3A_59 : memref<128xi32, #tpu.memory_space<hbm>>) dst(%arg7 : memref<128xi32, #tpu.memory_space<vmem>>)
      %dma_wait3A_60 = arith.constant 0 : i32
      %dma_wait3A_61 = tpu.memref_slice %arg2[%add3A_57, %dma_wait3A_60] : memref<327680x128xf32, #tpu.memory_space<hbm>> -> memref<128x128xf32, #tpu.memory_space<hbm>>
      %dma_wait3A_62 = arith.constant 0 : i32
      %dma_wait3A_63 = tpu.memref_slice %arg2[%add3A_57, %dma_wait3A_62] : memref<327680x128xf32, #tpu.memory_space<hbm>> -> memref<128x128xf32, #tpu.memory_space<hbm>>
      tpu.wait_dma2 semaphore(%arg13 : memref<!tpu.dma_semaphore, #tpu.memory_space<semaphore_mem>>) src(%dma_wait3A_63 : memref<128x128xf32, #tpu.memory_space<hbm>>) dst(%arg9 : memref<128x128xf32, #tpu.memory_space<vmem>>)
      "tpu.region"() ({
        %run_scoped3A = tpu.sem_alloc : memref<!tpu.dma_semaphore, #tpu.memory_space<semaphore_mem>>
        %dma_start3A_94 = arith.constant 0 : i32
        %dma_start3A_95 = arith.constant 0 : i32
        %dma_start3A_96 = tpu.memref_slice %arg6[%dma_start3A_94, %dma_start3A_95] : memref<10240x128xf32, #tpu.memory_space<vmem_shared>> -> memref<10240x128xf32, #tpu.memory_space<vmem_shared>>
        tpu.enqueue_indirect_dma source(%arg9 : memref<128x128xf32, #tpu.memory_space<vmem>>) target(%dma_start3A_96 : memref<10240x128xf32, #tpu.memory_space<vmem_shared>>) offsets(%arg7 : memref<128xi32, #tpu.memory_space<vmem>>) semaphore(%run_scoped3A : memref<!tpu.dma_semaphore, #tpu.memory_space<semaphore_mem>>) {add = true}
        %dma_wait3A_97 = arith.constant 0 : i32
        %dma_wait3A_98 = arith.constant 0 : i32
        %dma_wait3A_99 = tpu.memref_slice %arg6[%dma_wait3A_97, %dma_wait3A_98] : memref<10240x128xf32, #tpu.memory_space<vmem_shared>> -> memref<10240x128xf32, #tpu.memory_space<vmem_shared>>
        tpu.wait_indirect_dma semaphore(%run_scoped3A : memref<!tpu.dma_semaphore, #tpu.memory_space<semaphore_mem>>) src(%arg9 : memref<128x128xf32, #tpu.memory_space<vmem>>) dst(%dma_wait3A_99 : memref<10240x128xf32, #tpu.memory_space<vmem_shared>>)
        tpu.yield
      }) : () -> ()
      %add3A_64 = arith.constant 256 : i32
      %add3A_65 = arith.addi %add3A_57, %add3A_64 : i32
      %dma_start3A_66 = tpu.memref_slice %arg3[%add3A_65] : memref<327680xi32, #tpu.memory_space<hbm>> -> memref<128xi32, #tpu.memory_space<hbm>>
      %dma_start3A_67 = tpu.memref_slice %arg3[%add3A_65] : memref<327680xi32, #tpu.memory_space<hbm>> -> memref<128xi32, #tpu.memory_space<hbm>>
      tpu.enqueue_dma source(%dma_start3A_67 : memref<128xi32, #tpu.memory_space<hbm>>) target(%arg7 : memref<128xi32, #tpu.memory_space<vmem>>) target_semaphore(%arg11 : memref<!tpu.dma_semaphore, #tpu.memory_space<semaphore_mem>>)
      %add3A_68 = arith.constant 256 : i32
      %add3A_69 = arith.addi %add3A_57, %add3A_68 : i32
      %dma_start3A_70 = arith.constant 0 : i32
      %dma_start3A_71 = tpu.memref_slice %arg2[%add3A_69, %dma_start3A_70] : memref<327680x128xf32, #tpu.memory_space<hbm>> -> memref<128x128xf32, #tpu.memory_space<hbm>>
      %dma_start3A_72 = arith.constant 0 : i32
      %dma_start3A_73 = tpu.memref_slice %arg2[%add3A_69, %dma_start3A_72] : memref<327680x128xf32, #tpu.memory_space<hbm>> -> memref<128x128xf32, #tpu.memory_space<hbm>>
      tpu.enqueue_dma source(%dma_start3A_73 : memref<128x128xf32, #tpu.memory_space<hbm>>) target(%arg9 : memref<128x128xf32, #tpu.memory_space<vmem>>) target_semaphore(%arg13 : memref<!tpu.dma_semaphore, #tpu.memory_space<semaphore_mem>>)
      %add3A_74 = arith.constant 128 : i32
      %add3A_75 = arith.addi %add3A_57, %add3A_74 : i32
      %dma_wait3A_76 = tpu.memref_slice %arg3[%add3A_75] : memref<327680xi32, #tpu.memory_space<hbm>> -> memref<128xi32, #tpu.memory_space<hbm>>
      %dma_wait3A_77 = tpu.memref_slice %arg3[%add3A_75] : memref<327680xi32, #tpu.memory_space<hbm>> -> memref<128xi32, #tpu.memory_space<hbm>>
      tpu.wait_dma2 semaphore(%arg12 : memref<!tpu.dma_semaphore, #tpu.memory_space<semaphore_mem>>) src(%dma_wait3A_77 : memref<128xi32, #tpu.memory_space<hbm>>) dst(%arg8 : memref<128xi32, #tpu.memory_space<vmem>>)
      %add3A_78 = arith.constant 128 : i32
      %add3A_79 = arith.addi %add3A_57, %add3A_78 : i32
      %dma_wait3A_80 = arith.constant 0 : i32
      %dma_wait3A_81 = tpu.memref_slice %arg2[%add3A_79, %dma_wait3A_80] : memref<327680x128xf32, #tpu.memory_space<hbm>> -> memref<128x128xf32, #tpu.memory_space<hbm>>
      %dma_wait3A_82 = arith.constant 0 : i32
      %dma_wait3A_83 = tpu.memref_slice %arg2[%add3A_79, %dma_wait3A_82] : memref<327680x128xf32, #tpu.memory_space<hbm>> -> memref<128x128xf32, #tpu.memory_space<hbm>>
      tpu.wait_dma2 semaphore(%arg14 : memref<!tpu.dma_semaphore, #tpu.memory_space<semaphore_mem>>) src(%dma_wait3A_83 : memref<128x128xf32, #tpu.memory_space<hbm>>) dst(%arg10 : memref<128x128xf32, #tpu.memory_space<vmem>>)
      "tpu.region"() ({
        %run_scoped3A = tpu.sem_alloc : memref<!tpu.dma_semaphore, #tpu.memory_space<semaphore_mem>>
        %dma_start3A_94 = arith.constant 0 : i32
        %dma_start3A_95 = arith.constant 0 : i32
        %dma_start3A_96 = tpu.memref_slice %arg6[%dma_start3A_94, %dma_start3A_95] : memref<10240x128xf32, #tpu.memory_space<vmem_shared>> -> memref<10240x128xf32, #tpu.memory_space<vmem_shared>>
        tpu.enqueue_indirect_dma source(%arg10 : memref<128x128xf32, #tpu.memory_space<vmem>>) target(%dma_start3A_96 : memref<10240x128xf32, #tpu.memory_space<vmem_shared>>) offsets(%arg8 : memref<128xi32, #tpu.memory_space<vmem>>) semaphore(%run_scoped3A : memref<!tpu.dma_semaphore, #tpu.memory_space<semaphore_mem>>) {add = true}
        %dma_wait3A_97 = arith.constant 0 : i32
        %dma_wait3A_98 = arith.constant 0 : i32
        %dma_wait3A_99 = tpu.memref_slice %arg6[%dma_wait3A_97, %dma_wait3A_98] : memref<10240x128xf32, #tpu.memory_space<vmem_shared>> -> memref<10240x128xf32, #tpu.memory_space<vmem_shared>>
        tpu.wait_indirect_dma semaphore(%run_scoped3A : memref<!tpu.dma_semaphore, #tpu.memory_space<semaphore_mem>>) src(%arg10 : memref<128x128xf32, #tpu.memory_space<vmem>>) dst(%dma_wait3A_99 : memref<10240x128xf32, #tpu.memory_space<vmem_shared>>)
        tpu.yield
      }) : () -> ()
      %add3A_84 = arith.constant 384 : i32
      %add3A_85 = arith.addi %add3A_57, %add3A_84 : i32
      %dma_start3A_86 = tpu.memref_slice %arg3[%add3A_85] : memref<327680xi32, #tpu.memory_space<hbm>> -> memref<128xi32, #tpu.memory_space<hbm>>
      %dma_start3A_87 = tpu.memref_slice %arg3[%add3A_85] : memref<327680xi32, #tpu.memory_space<hbm>> -> memref<128xi32, #tpu.memory_space<hbm>>
      tpu.enqueue_dma source(%dma_start3A_87 : memref<128xi32, #tpu.memory_space<hbm>>) target(%arg8 : memref<128xi32, #tpu.memory_space<vmem>>) target_semaphore(%arg12 : memref<!tpu.dma_semaphore, #tpu.memory_space<semaphore_mem>>)
      %add3A_88 = arith.constant 384 : i32
      %add3A_89 = arith.addi %add3A_57, %add3A_88 : i32
      %dma_start3A_90 = arith.constant 0 : i32
      %dma_start3A_91 = tpu.memref_slice %arg2[%add3A_89, %dma_start3A_90] : memref<327680x128xf32, #tpu.memory_space<hbm>> -> memref<128x128xf32, #tpu.memory_space<hbm>>
      %dma_start3A_92 = arith.constant 0 : i32
      %dma_start3A_93 = tpu.memref_slice %arg2[%add3A_89, %dma_start3A_92] : memref<327680x128xf32, #tpu.memory_space<hbm>> -> memref<128x128xf32, #tpu.memory_space<hbm>>
      tpu.enqueue_dma source(%dma_start3A_93 : memref<128x128xf32, #tpu.memory_space<hbm>>) target(%arg10 : memref<128x128xf32, #tpu.memory_space<vmem>>) target_semaphore(%arg14 : memref<!tpu.dma_semaphore, #tpu.memory_space<semaphore_mem>>)
    }
    %scan3A_26 = arith.constant 39 : i32
    %add3A_27 = arith.constant 9984 : i32
    %add3A_28 = arith.addi %mul3A_6, %add3A_27 : i32
    %dma_wait3A = tpu.memref_slice %arg3[%add3A_28] : memref<327680xi32, #tpu.memory_space<hbm>> -> memref<128xi32, #tpu.memory_space<hbm>>
    %dma_wait3A_29 = tpu.memref_slice %arg3[%add3A_28] : memref<327680xi32, #tpu.memory_space<hbm>> -> memref<128xi32, #tpu.memory_space<hbm>>
    tpu.wait_dma2 semaphore(%arg11 : memref<!tpu.dma_semaphore, #tpu.memory_space<semaphore_mem>>) src(%dma_wait3A_29 : memref<128xi32, #tpu.memory_space<hbm>>) dst(%arg7 : memref<128xi32, #tpu.memory_space<vmem>>)
    %dma_wait3A_30 = arith.constant 0 : i32
    %dma_wait3A_31 = tpu.memref_slice %arg2[%add3A_28, %dma_wait3A_30] : memref<327680x128xf32, #tpu.memory_space<hbm>> -> memref<128x128xf32, #tpu.memory_space<hbm>>
    %dma_wait3A_32 = arith.constant 0 : i32
    %dma_wait3A_33 = tpu.memref_slice %arg2[%add3A_28, %dma_wait3A_32] : memref<327680x128xf32, #tpu.memory_space<hbm>> -> memref<128x128xf32, #tpu.memory_space<hbm>>
    tpu.wait_dma2 semaphore(%arg13 : memref<!tpu.dma_semaphore, #tpu.memory_space<semaphore_mem>>) src(%dma_wait3A_33 : memref<128x128xf32, #tpu.memory_space<hbm>>) dst(%arg9 : memref<128x128xf32, #tpu.memory_space<vmem>>)
    "tpu.region"() ({
      %run_scoped3A = tpu.sem_alloc : memref<!tpu.dma_semaphore, #tpu.memory_space<semaphore_mem>>
      %dma_start3A_50 = arith.constant 0 : i32
      %dma_start3A_51 = arith.constant 0 : i32
      %dma_start3A_52 = tpu.memref_slice %arg6[%dma_start3A_50, %dma_start3A_51] : memref<10240x128xf32, #tpu.memory_space<vmem_shared>> -> memref<10240x128xf32, #tpu.memory_space<vmem_shared>>
      tpu.enqueue_indirect_dma source(%arg9 : memref<128x128xf32, #tpu.memory_space<vmem>>) target(%dma_start3A_52 : memref<10240x128xf32, #tpu.memory_space<vmem_shared>>) offsets(%arg7 : memref<128xi32, #tpu.memory_space<vmem>>) semaphore(%run_scoped3A : memref<!tpu.dma_semaphore, #tpu.memory_space<semaphore_mem>>) {add = true}
      %dma_wait3A_53 = arith.constant 0 : i32
      %dma_wait3A_54 = arith.constant 0 : i32
      %dma_wait3A_55 = tpu.memref_slice %arg6[%dma_wait3A_53, %dma_wait3A_54] : memref<10240x128xf32, #tpu.memory_space<vmem_shared>> -> memref<10240x128xf32, #tpu.memory_space<vmem_shared>>
      tpu.wait_indirect_dma semaphore(%run_scoped3A : memref<!tpu.dma_semaphore, #tpu.memory_space<semaphore_mem>>) src(%arg9 : memref<128x128xf32, #tpu.memory_space<vmem>>) dst(%dma_wait3A_55 : memref<10240x128xf32, #tpu.memory_space<vmem_shared>>)
      tpu.yield
    }) : () -> ()
    %add3A_34 = arith.constant 128 : i32
    %add3A_35 = arith.addi %add3A_28, %add3A_34 : i32
    %dma_wait3A_36 = tpu.memref_slice %arg3[%add3A_35] : memref<327680xi32, #tpu.memory_space<hbm>> -> memref<128xi32, #tpu.memory_space<hbm>>
    %dma_wait3A_37 = tpu.memref_slice %arg3[%add3A_35] : memref<327680xi32, #tpu.memory_space<hbm>> -> memref<128xi32, #tpu.memory_space<hbm>>
    tpu.wait_dma2 semaphore(%arg12 : memref<!tpu.dma_semaphore, #tpu.memory_space<semaphore_mem>>) src(%dma_wait3A_37 : memref<128xi32, #tpu.memory_space<hbm>>) dst(%arg8 : memref<128xi32, #tpu.memory_space<vmem>>)
    %add3A_38 = arith.constant 128 : i32
    %add3A_39 = arith.addi %add3A_28, %add3A_38 : i32
    %dma_wait3A_40 = arith.constant 0 : i32
    %dma_wait3A_41 = tpu.memref_slice %arg2[%add3A_39, %dma_wait3A_40] : memref<327680x128xf32, #tpu.memory_space<hbm>> -> memref<128x128xf32, #tpu.memory_space<hbm>>
    %dma_wait3A_42 = arith.constant 0 : i32
    %dma_wait3A_43 = tpu.memref_slice %arg2[%add3A_39, %dma_wait3A_42] : memref<327680x128xf32, #tpu.memory_space<hbm>> -> memref<128x128xf32, #tpu.memory_space<hbm>>
    tpu.wait_dma2 semaphore(%arg14 : memref<!tpu.dma_semaphore, #tpu.memory_space<semaphore_mem>>) src(%dma_wait3A_43 : memref<128x128xf32, #tpu.memory_space<hbm>>) dst(%arg10 : memref<128x128xf32, #tpu.memory_space<vmem>>)
    "tpu.region"() ({
      %run_scoped3A = tpu.sem_alloc : memref<!tpu.dma_semaphore, #tpu.memory_space<semaphore_mem>>
      %dma_start3A_50 = arith.constant 0 : i32
      %dma_start3A_51 = arith.constant 0 : i32
      %dma_start3A_52 = tpu.memref_slice %arg6[%dma_start3A_50, %dma_start3A_51] : memref<10240x128xf32, #tpu.memory_space<vmem_shared>> -> memref<10240x128xf32, #tpu.memory_space<vmem_shared>>
      tpu.enqueue_indirect_dma source(%arg10 : memref<128x128xf32, #tpu.memory_space<vmem>>) target(%dma_start3A_52 : memref<10240x128xf32, #tpu.memory_space<vmem_shared>>) offsets(%arg8 : memref<128xi32, #tpu.memory_space<vmem>>) semaphore(%run_scoped3A : memref<!tpu.dma_semaphore, #tpu.memory_space<semaphore_mem>>) {add = true}
      %dma_wait3A_53 = arith.constant 0 : i32
      %dma_wait3A_54 = arith.constant 0 : i32
      %dma_wait3A_55 = tpu.memref_slice %arg6[%dma_wait3A_53, %dma_wait3A_54] : memref<10240x128xf32, #tpu.memory_space<vmem_shared>> -> memref<10240x128xf32, #tpu.memory_space<vmem_shared>>
      tpu.wait_indirect_dma semaphore(%run_scoped3A : memref<!tpu.dma_semaphore, #tpu.memory_space<semaphore_mem>>) src(%arg10 : memref<128x128xf32, #tpu.memory_space<vmem>>) dst(%dma_wait3A_55 : memref<10240x128xf32, #tpu.memory_space<vmem_shared>>)
      tpu.yield
    }) : () -> ()
    %barrier3A_44 = arith.constant 0 : index
    tpu.barrier barrier_id(%barrier3A_44)
    %scan3A_45 = arith.constant 0 : i32
    %scan3A_46 = arith.constant 5 : i32
    %scan3A_47 = arith.addi %scan3A_45, %scan3A_46 : i32
    %scan3A_48 = arith.constant 1 : i32
    scf.for %scan3A_50 = %scan3A_45 to %scan3A_47 step %scan3A_48  : i32 {
      %mul3A_51 = arith.constant 1 : i32
      %mul3A_52 = arith.muli %scan3A_50, %mul3A_51 : i32
      %add3A_53 = arith.constant 0 : i32
      %add3A_54 = arith.addi %add3A_53, %mul3A_52 : i32
      %mul3A_55 = arith.constant 640 : i32
      %mul3A_56 = arith.muli %arg1, %mul3A_55 : i32
      %mul3A_57 = arith.constant 128 : i32
      %mul3A_58 = arith.muli %add3A_54, %mul3A_57 : i32
      %add3A_59 = arith.addi %mul3A_56, %mul3A_58 : i32
      "tpu.region"() ({
        %run_scoped3A = tpu.sem_alloc : memref<!tpu.dma_semaphore, #tpu.memory_space<semaphore_mem>>
        %dma_start3A_63 = arith.constant 0 : i32
        %dma_start3A_64 = tpu.memref_slice %arg6[%add3A_59, %dma_start3A_63] : memref<10240x128xf32, #tpu.memory_space<vmem_shared>> -> memref<128x128xf32, #tpu.memory_space<vmem_shared>>
        %dma_start3A_65 = arith.constant 0 : i32
        %dma_start3A_66 = tpu.memref_slice %arg6[%add3A_59, %dma_start3A_65] : memref<10240x128xf32, #tpu.memory_space<vmem_shared>> -> memref<128x128xf32, #tpu.memory_space<vmem_shared>>
        tpu.enqueue_dma source(%dma_start3A_66 : memref<128x128xf32, #tpu.memory_space<vmem_shared>>) target(%arg9 : memref<128x128xf32, #tpu.memory_space<vmem>>) target_semaphore(%run_scoped3A : memref<!tpu.dma_semaphore, #tpu.memory_space<semaphore_mem>>)
        %dma_wait3A_67 = arith.constant 0 : i32
        %dma_wait3A_68 = tpu.memref_slice %arg6[%add3A_59, %dma_wait3A_67] : memref<10240x128xf32, #tpu.memory_space<vmem_shared>> -> memref<128x128xf32, #tpu.memory_space<vmem_shared>>
        %dma_wait3A_69 = arith.constant 0 : i32
        %dma_wait3A_70 = tpu.memref_slice %arg6[%add3A_59, %dma_wait3A_69] : memref<10240x128xf32, #tpu.memory_space<vmem_shared>> -> memref<128x128xf32, #tpu.memory_space<vmem_shared>>
        tpu.wait_dma2 semaphore(%run_scoped3A : memref<!tpu.dma_semaphore, #tpu.memory_space<semaphore_mem>>) src(%dma_wait3A_70 : memref<128x128xf32, #tpu.memory_space<vmem_shared>>) dst(%arg9 : memref<128x128xf32, #tpu.memory_space<vmem>>)
        tpu.yield
      }) : () -> ()
      %mul3A_60 = arith.constant 10240 : i32
      %mul3A_61 = arith.muli %arg0, %mul3A_60 : i32
      %add3A_62 = arith.addi %mul3A_61, %add3A_59 : i32
      "tpu.region"() ({
        %run_scoped3A = tpu.sem_alloc : memref<!tpu.dma_semaphore, #tpu.memory_space<semaphore_mem>>
        %dma_start3A_63 = arith.constant 0 : i32
        %dma_start3A_64 = tpu.memref_slice %arg5[%add3A_62, %dma_start3A_63] : memref<20480x128xf32, #tpu.memory_space<hbm>> -> memref<128x128xf32, #tpu.memory_space<hbm>>
        %dma_start3A_65 = arith.constant 0 : i32
        %dma_start3A_66 = tpu.memref_slice %arg5[%add3A_62, %dma_start3A_65] : memref<20480x128xf32, #tpu.memory_space<hbm>> -> memref<128x128xf32, #tpu.memory_space<hbm>>
        tpu.enqueue_dma source(%arg9 : memref<128x128xf32, #tpu.memory_space<vmem>>) target(%dma_start3A_66 : memref<128x128xf32, #tpu.memory_space<hbm>>) target_semaphore(%run_scoped3A : memref<!tpu.dma_semaphore, #tpu.memory_space<semaphore_mem>>)
        %dma_wait3A_67 = arith.constant 0 : i32
        %dma_wait3A_68 = tpu.memref_slice %arg5[%add3A_62, %dma_wait3A_67] : memref<20480x128xf32, #tpu.memory_space<hbm>> -> memref<128x128xf32, #tpu.memory_space<hbm>>
        %dma_wait3A_69 = arith.constant 0 : i32
        %dma_wait3A_70 = tpu.memref_slice %arg5[%add3A_62, %dma_wait3A_69] : memref<20480x128xf32, #tpu.memory_space<hbm>> -> memref<128x128xf32, #tpu.memory_space<hbm>>
        tpu.wait_dma2 semaphore(%run_scoped3A : memref<!tpu.dma_semaphore, #tpu.memory_space<semaphore_mem>>) src(%arg9 : memref<128x128xf32, #tpu.memory_space<vmem>>) dst(%dma_wait3A_70 : memref<128x128xf32, #tpu.memory_space<hbm>>)
        tpu.yield
      }) : () -> ()
    }
    %scan3A_49 = arith.constant 5 : i32
    return
  }
}

#map = affine_map<(d0, d1) -> (0, 0)>
#map1 = affine_map<(d0, d1) -> (0, 0, 0)>
module attributes {stable_mosaic.version = 14 : i64} {
  func.func @_s3_body(%arg0: i32, %arg1: i32, %arg2: memref<4000x128xf32, #tpu.memory_space<hbm>>, %arg3: memref<32x30x128xi32, #tpu.memory_space<hbm>>, %arg4: memref<32x30x128xi32, #tpu.memory_space<hbm>>, %arg5: memref<128x128xf32, #tpu.memory_space<hbm>>, %arg6: memref<12288x128xf32, #tpu.memory_space<hbm>>, %arg7: memref<6144x128xf32, #tpu.memory_space<vmem_shared>>, %arg8: memref<30x128xi32, #tpu.memory_space<vmem>>, %arg9: memref<30x128xi32, #tpu.memory_space<vmem>>, %arg10: memref<128x128xf32, #tpu.memory_space<vmem>>, %arg11: memref<128x128xf32, #tpu.memory_space<vmem>>, %arg12: memref<!tpu.dma_semaphore, #tpu.memory_space<semaphore_mem>>, %arg13: memref<!tpu.dma_semaphore, #tpu.memory_space<semaphore_mem>>) attributes {dimension_semantics = [#tpu.dimension_semantics<core_parallel>, #tpu.dimension_semantics<subcore_parallel>], iteration_bounds = array<i64: 2, 16>, scalar_prefetch = 0 : i64, scratch_operands = 7 : i64, tpu.core_type = #tpu.core_type<sc_vector_subcore>, window_params = [{transform_indices = #map}, {transform_indices = #map1}, {transform_indices = #map1}, {transform_indices = #map}, {transform_indices = #map}]} {
    %mul3A = arith.constant 2 : i32
    %mul3A_0 = arith.muli %arg1, %mul3A : i32
    %add3A = arith.addi %mul3A_0, %arg0 : i32
    "tpu.region"() ({
      %run_scoped3A_75 = tpu.sem_alloc : memref<!tpu.dma_semaphore, #tpu.memory_space<semaphore_mem>>
      tpu.enqueue_dma source(%arg5 : memref<128x128xf32, #tpu.memory_space<hbm>>) target(%arg10 : memref<128x128xf32, #tpu.memory_space<vmem>>) target_semaphore(%run_scoped3A_75 : memref<!tpu.dma_semaphore, #tpu.memory_space<semaphore_mem>>)
      tpu.wait_dma2 semaphore(%run_scoped3A_75 : memref<!tpu.dma_semaphore, #tpu.memory_space<semaphore_mem>>) src(%arg5 : memref<128x128xf32, #tpu.memory_space<hbm>>) dst(%arg10 : memref<128x128xf32, #tpu.memory_space<vmem>>)
      tpu.yield
    }) : () -> ()
    %scan3A = arith.constant 0 : i32
    %scan3A_1 = arith.constant 3 : i32
    %scan3A_2 = arith.addi %scan3A, %scan3A_1 : i32
    %scan3A_3 = arith.constant 1 : i32
    scf.for %scan3A_75 = %scan3A to %scan3A_2 step %scan3A_3  : i32 {
      %mul3A_76 = arith.constant 1 : i32
      %mul3A_77 = arith.muli %scan3A_75, %mul3A_76 : i32
      %add3A_78 = arith.constant 0 : i32
      %add3A_79 = arith.addi %add3A_78, %mul3A_77 : i32
      %mul3A_80 = arith.constant 384 : i32
      %mul3A_81 = arith.muli %arg1, %mul3A_80 : i32
      %mul3A_82 = arith.constant 128 : i32
      %mul3A_83 = arith.muli %add3A_79, %mul3A_82 : i32
      %add3A_84 = arith.addi %mul3A_81, %mul3A_83 : i32
      "tpu.region"() ({
        %run_scoped3A_85 = tpu.sem_alloc : memref<!tpu.dma_semaphore, #tpu.memory_space<semaphore_mem>>
        %dma_start3A_86 = arith.constant 0 : i32
        %dma_start3A_87 = tpu.memref_slice %arg7[%add3A_84, %dma_start3A_86] : memref<6144x128xf32, #tpu.memory_space<vmem_shared>> -> memref<128x128xf32, #tpu.memory_space<vmem_shared>>
        %dma_start3A_88 = arith.constant 0 : i32
        %dma_start3A_89 = tpu.memref_slice %arg7[%add3A_84, %dma_start3A_88] : memref<6144x128xf32, #tpu.memory_space<vmem_shared>> -> memref<128x128xf32, #tpu.memory_space<vmem_shared>>
        tpu.enqueue_dma source(%arg10 : memref<128x128xf32, #tpu.memory_space<vmem>>) target(%dma_start3A_89 : memref<128x128xf32, #tpu.memory_space<vmem_shared>>) target_semaphore(%run_scoped3A_85 : memref<!tpu.dma_semaphore, #tpu.memory_space<semaphore_mem>>)
        %dma_wait3A_90 = arith.constant 0 : i32
        %dma_wait3A_91 = tpu.memref_slice %arg7[%add3A_84, %dma_wait3A_90] : memref<6144x128xf32, #tpu.memory_space<vmem_shared>> -> memref<128x128xf32, #tpu.memory_space<vmem_shared>>
        %dma_wait3A_92 = arith.constant 0 : i32
        %dma_wait3A_93 = tpu.memref_slice %arg7[%add3A_84, %dma_wait3A_92] : memref<6144x128xf32, #tpu.memory_space<vmem_shared>> -> memref<128x128xf32, #tpu.memory_space<vmem_shared>>
        tpu.wait_dma2 semaphore(%run_scoped3A_85 : memref<!tpu.dma_semaphore, #tpu.memory_space<semaphore_mem>>) src(%arg10 : memref<128x128xf32, #tpu.memory_space<vmem>>) dst(%dma_wait3A_93 : memref<128x128xf32, #tpu.memory_space<vmem_shared>>)
        tpu.yield
      }) : () -> ()
    }
    %scan3A_4 = arith.constant 3 : i32
    %dma_start3A = arith.constant 0 : i32
    %dma_start3A_5 = arith.constant 0 : i32
    %dma_start3A_6 = tpu.memref_slice %arg3[%add3A, %dma_start3A, %dma_start3A_5] : memref<32x30x128xi32, #tpu.memory_space<hbm>> -> memref<1x30x128xi32, #tpu.memory_space<hbm>>
    %dma_start3A_7 = tpu.memref_squeeze %dma_start3A_6 : memref<1x30x128xi32, #tpu.memory_space<hbm>> -> memref<30x128xi32, #tpu.memory_space<hbm>>
    %dma_start3A_8 = arith.constant 0 : i32
    %dma_start3A_9 = arith.constant 0 : i32
    %dma_start3A_10 = tpu.memref_slice %arg3[%add3A, %dma_start3A_8, %dma_start3A_9] : memref<32x30x128xi32, #tpu.memory_space<hbm>> -> memref<1x30x128xi32, #tpu.memory_space<hbm>>
    %dma_start3A_11 = tpu.memref_squeeze %dma_start3A_10 : memref<1x30x128xi32, #tpu.memory_space<hbm>> -> memref<30x128xi32, #tpu.memory_space<hbm>>
    tpu.enqueue_dma source(%dma_start3A_11 : memref<30x128xi32, #tpu.memory_space<hbm>>) target(%arg8 : memref<30x128xi32, #tpu.memory_space<vmem>>) target_semaphore(%arg12 : memref<!tpu.dma_semaphore, #tpu.memory_space<semaphore_mem>>)
    %dma_wait3A = arith.constant 0 : i32
    %dma_wait3A_12 = arith.constant 0 : i32
    %dma_wait3A_13 = tpu.memref_slice %arg3[%add3A, %dma_wait3A, %dma_wait3A_12] : memref<32x30x128xi32, #tpu.memory_space<hbm>> -> memref<1x30x128xi32, #tpu.memory_space<hbm>>
    %dma_wait3A_14 = tpu.memref_squeeze %dma_wait3A_13 : memref<1x30x128xi32, #tpu.memory_space<hbm>> -> memref<30x128xi32, #tpu.memory_space<hbm>>
    %dma_wait3A_15 = arith.constant 0 : i32
    %dma_wait3A_16 = arith.constant 0 : i32
    %dma_wait3A_17 = tpu.memref_slice %arg3[%add3A, %dma_wait3A_15, %dma_wait3A_16] : memref<32x30x128xi32, #tpu.memory_space<hbm>> -> memref<1x30x128xi32, #tpu.memory_space<hbm>>
    %dma_wait3A_18 = tpu.memref_squeeze %dma_wait3A_17 : memref<1x30x128xi32, #tpu.memory_space<hbm>> -> memref<30x128xi32, #tpu.memory_space<hbm>>
    tpu.wait_dma2 semaphore(%arg12 : memref<!tpu.dma_semaphore, #tpu.memory_space<semaphore_mem>>) src(%dma_wait3A_18 : memref<30x128xi32, #tpu.memory_space<hbm>>) dst(%arg8 : memref<30x128xi32, #tpu.memory_space<vmem>>)
    %dma_start3A_19 = arith.constant 0 : i32
    %dma_start3A_20 = arith.constant 0 : i32
    %dma_start3A_21 = tpu.memref_slice %arg4[%add3A, %dma_start3A_19, %dma_start3A_20] : memref<32x30x128xi32, #tpu.memory_space<hbm>> -> memref<1x30x128xi32, #tpu.memory_space<hbm>>
    %dma_start3A_22 = tpu.memref_squeeze %dma_start3A_21 : memref<1x30x128xi32, #tpu.memory_space<hbm>> -> memref<30x128xi32, #tpu.memory_space<hbm>>
    %dma_start3A_23 = arith.constant 0 : i32
    %dma_start3A_24 = arith.constant 0 : i32
    %dma_start3A_25 = tpu.memref_slice %arg4[%add3A, %dma_start3A_23, %dma_start3A_24] : memref<32x30x128xi32, #tpu.memory_space<hbm>> -> memref<1x30x128xi32, #tpu.memory_space<hbm>>
    %dma_start3A_26 = tpu.memref_squeeze %dma_start3A_25 : memref<1x30x128xi32, #tpu.memory_space<hbm>> -> memref<30x128xi32, #tpu.memory_space<hbm>>
    tpu.enqueue_dma source(%dma_start3A_26 : memref<30x128xi32, #tpu.memory_space<hbm>>) target(%arg9 : memref<30x128xi32, #tpu.memory_space<vmem>>) target_semaphore(%arg13 : memref<!tpu.dma_semaphore, #tpu.memory_space<semaphore_mem>>)
    %dma_wait3A_27 = arith.constant 0 : i32
    %dma_wait3A_28 = arith.constant 0 : i32
    %dma_wait3A_29 = tpu.memref_slice %arg4[%add3A, %dma_wait3A_27, %dma_wait3A_28] : memref<32x30x128xi32, #tpu.memory_space<hbm>> -> memref<1x30x128xi32, #tpu.memory_space<hbm>>
    %dma_wait3A_30 = tpu.memref_squeeze %dma_wait3A_29 : memref<1x30x128xi32, #tpu.memory_space<hbm>> -> memref<30x128xi32, #tpu.memory_space<hbm>>
    %dma_wait3A_31 = arith.constant 0 : i32
    %dma_wait3A_32 = arith.constant 0 : i32
    %dma_wait3A_33 = tpu.memref_slice %arg4[%add3A, %dma_wait3A_31, %dma_wait3A_32] : memref<32x30x128xi32, #tpu.memory_space<hbm>> -> memref<1x30x128xi32, #tpu.memory_space<hbm>>
    %dma_wait3A_34 = tpu.memref_squeeze %dma_wait3A_33 : memref<1x30x128xi32, #tpu.memory_space<hbm>> -> memref<30x128xi32, #tpu.memory_space<hbm>>
    tpu.wait_dma2 semaphore(%arg13 : memref<!tpu.dma_semaphore, #tpu.memory_space<semaphore_mem>>) src(%dma_wait3A_34 : memref<30x128xi32, #tpu.memory_space<hbm>>) dst(%arg9 : memref<30x128xi32, #tpu.memory_space<vmem>>)
    %dma_start3A_35 = arith.constant 0 : i32
    %dma_start3A_36 = arith.constant 0 : i32
    %dma_start3A_37 = tpu.memref_slice %arg8[%dma_start3A_35, %dma_start3A_36] : memref<30x128xi32, #tpu.memory_space<vmem>> -> memref<1x128xi32, #tpu.memory_space<vmem>>
    %dma_start3A_38 = tpu.memref_squeeze %dma_start3A_37 : memref<1x128xi32, #tpu.memory_space<vmem>> -> memref<128xi32, #tpu.memory_space<vmem>>
    %dma_start3A_39 = arith.constant 0 : i32
    %dma_start3A_40 = arith.constant 0 : i32
    %dma_start3A_41 = tpu.memref_slice %arg2[%dma_start3A_39, %dma_start3A_40] : memref<4000x128xf32, #tpu.memory_space<hbm>> -> memref<4000x128xf32, #tpu.memory_space<hbm>>
    tpu.enqueue_indirect_dma source(%dma_start3A_41 : memref<4000x128xf32, #tpu.memory_space<hbm>>) target(%arg10 : memref<128x128xf32, #tpu.memory_space<vmem>>) offsets(%dma_start3A_38 : memref<128xi32, #tpu.memory_space<vmem>>) semaphore(%arg12 : memref<!tpu.dma_semaphore, #tpu.memory_space<semaphore_mem>>)
    %dma_start3A_42 = arith.constant 1 : i32
    %dma_start3A_43 = arith.constant 0 : i32
    %dma_start3A_44 = tpu.memref_slice %arg8[%dma_start3A_42, %dma_start3A_43] : memref<30x128xi32, #tpu.memory_space<vmem>> -> memref<1x128xi32, #tpu.memory_space<vmem>>
    %dma_start3A_45 = tpu.memref_squeeze %dma_start3A_44 : memref<1x128xi32, #tpu.memory_space<vmem>> -> memref<128xi32, #tpu.memory_space<vmem>>
    %dma_start3A_46 = arith.constant 0 : i32
    %dma_start3A_47 = arith.constant 0 : i32
    %dma_start3A_48 = tpu.memref_slice %arg2[%dma_start3A_46, %dma_start3A_47] : memref<4000x128xf32, #tpu.memory_space<hbm>> -> memref<4000x128xf32, #tpu.memory_space<hbm>>
    tpu.enqueue_indirect_dma source(%dma_start3A_48 : memref<4000x128xf32, #tpu.memory_space<hbm>>) target(%arg11 : memref<128x128xf32, #tpu.memory_space<vmem>>) offsets(%dma_start3A_45 : memref<128xi32, #tpu.memory_space<vmem>>) semaphore(%arg13 : memref<!tpu.dma_semaphore, #tpu.memory_space<semaphore_mem>>)
    %barrier3A = arith.constant 0 : index
    tpu.barrier barrier_id(%barrier3A)
    %scan3A_49 = arith.constant 0 : i32
    %scan3A_50 = arith.constant 14 : i32
    %scan3A_51 = arith.addi %scan3A_49, %scan3A_50 : i32
    %scan3A_52 = arith.constant 1 : i32
    scf.for %scan3A_75 = %scan3A_49 to %scan3A_51 step %scan3A_52  : i32 {
      %mul3A_76 = arith.constant 2 : i32
      %mul3A_77 = arith.muli %scan3A_75, %mul3A_76 : i32
      %add3A_78 = arith.constant 0 : i32
      %add3A_79 = arith.addi %add3A_78, %mul3A_77 : i32
      %dma_wait3A_80 = arith.constant 0 : i32
      %dma_wait3A_81 = tpu.memref_slice %arg8[%add3A_79, %dma_wait3A_80] : memref<30x128xi32, #tpu.memory_space<vmem>> -> memref<1x128xi32, #tpu.memory_space<vmem>>
      %dma_wait3A_82 = tpu.memref_squeeze %dma_wait3A_81 : memref<1x128xi32, #tpu.memory_space<vmem>> -> memref<128xi32, #tpu.memory_space<vmem>>
      %dma_wait3A_83 = arith.constant 0 : i32
      %dma_wait3A_84 = arith.constant 0 : i32
      %dma_wait3A_85 = tpu.memref_slice %arg2[%dma_wait3A_83, %dma_wait3A_84] : memref<4000x128xf32, #tpu.memory_space<hbm>> -> memref<4000x128xf32, #tpu.memory_space<hbm>>
      tpu.wait_indirect_dma semaphore(%arg12 : memref<!tpu.dma_semaphore, #tpu.memory_space<semaphore_mem>>) src(%dma_wait3A_85 : memref<4000x128xf32, #tpu.memory_space<hbm>>) dst(%arg10 : memref<128x128xf32, #tpu.memory_space<vmem>>)
      "tpu.region"() ({
        %run_scoped3A_112 = tpu.sem_alloc : memref<!tpu.dma_semaphore, #tpu.memory_space<semaphore_mem>>
        %dma_start3A_113 = arith.constant 0 : i32
        %dma_start3A_114 = tpu.memref_slice %arg9[%add3A_79, %dma_start3A_113] : memref<30x128xi32, #tpu.memory_space<vmem>> -> memref<1x128xi32, #tpu.memory_space<vmem>>
        %dma_start3A_115 = tpu.memref_squeeze %dma_start3A_114 : memref<1x128xi32, #tpu.memory_space<vmem>> -> memref<128xi32, #tpu.memory_space<vmem>>
        %dma_start3A_116 = arith.constant 0 : i32
        %dma_start3A_117 = arith.constant 0 : i32
        %dma_start3A_118 = tpu.memref_slice %arg7[%dma_start3A_116, %dma_start3A_117] : memref<6144x128xf32, #tpu.memory_space<vmem_shared>> -> memref<6144x128xf32, #tpu.memory_space<vmem_shared>>
        tpu.enqueue_indirect_dma source(%arg10 : memref<128x128xf32, #tpu.memory_space<vmem>>) target(%dma_start3A_118 : memref<6144x128xf32, #tpu.memory_space<vmem_shared>>) offsets(%dma_start3A_115 : memref<128xi32, #tpu.memory_space<vmem>>) semaphore(%run_scoped3A_112 : memref<!tpu.dma_semaphore, #tpu.memory_space<semaphore_mem>>) {add = true}
        %dma_wait3A_119 = arith.constant 0 : i32
        %dma_wait3A_120 = tpu.memref_slice %arg9[%add3A_79, %dma_wait3A_119] : memref<30x128xi32, #tpu.memory_space<vmem>> -> memref<1x128xi32, #tpu.memory_space<vmem>>
        %dma_wait3A_121 = tpu.memref_squeeze %dma_wait3A_120 : memref<1x128xi32, #tpu.memory_space<vmem>> -> memref<128xi32, #tpu.memory_space<vmem>>
        %dma_wait3A_122 = arith.constant 0 : i32
        %dma_wait3A_123 = arith.constant 0 : i32
        %dma_wait3A_124 = tpu.memref_slice %arg7[%dma_wait3A_122, %dma_wait3A_123] : memref<6144x128xf32, #tpu.memory_space<vmem_shared>> -> memref<6144x128xf32, #tpu.memory_space<vmem_shared>>
        tpu.wait_indirect_dma semaphore(%run_scoped3A_112 : memref<!tpu.dma_semaphore, #tpu.memory_space<semaphore_mem>>) src(%arg10 : memref<128x128xf32, #tpu.memory_space<vmem>>) dst(%dma_wait3A_124 : memref<6144x128xf32, #tpu.memory_space<vmem_shared>>)
        tpu.yield
      }) : () -> ()
      %add3A_86 = arith.constant 2 : i32
      %add3A_87 = arith.addi %add3A_79, %add3A_86 : i32
      %dma_start3A_88 = arith.constant 0 : i32
      %dma_start3A_89 = tpu.memref_slice %arg8[%add3A_87, %dma_start3A_88] : memref<30x128xi32, #tpu.memory_space<vmem>> -> memref<1x128xi32, #tpu.memory_space<vmem>>
      %dma_start3A_90 = tpu.memref_squeeze %dma_start3A_89 : memref<1x128xi32, #tpu.memory_space<vmem>> -> memref<128xi32, #tpu.memory_space<vmem>>
      %dma_start3A_91 = arith.constant 0 : i32
      %dma_start3A_92 = arith.constant 0 : i32
      %dma_start3A_93 = tpu.memref_slice %arg2[%dma_start3A_91, %dma_start3A_92] : memref<4000x128xf32, #tpu.memory_space<hbm>> -> memref<4000x128xf32, #tpu.memory_space<hbm>>
      tpu.enqueue_indirect_dma source(%dma_start3A_93 : memref<4000x128xf32, #tpu.memory_space<hbm>>) target(%arg10 : memref<128x128xf32, #tpu.memory_space<vmem>>) offsets(%dma_start3A_90 : memref<128xi32, #tpu.memory_space<vmem>>) semaphore(%arg12 : memref<!tpu.dma_semaphore, #tpu.memory_space<semaphore_mem>>)
      %add3A_94 = arith.constant 1 : i32
      %add3A_95 = arith.addi %add3A_79, %add3A_94 : i32
      %dma_wait3A_96 = arith.constant 0 : i32
      %dma_wait3A_97 = tpu.memref_slice %arg8[%add3A_95, %dma_wait3A_96] : memref<30x128xi32, #tpu.memory_space<vmem>> -> memref<1x128xi32, #tpu.memory_space<vmem>>
      %dma_wait3A_98 = tpu.memref_squeeze %dma_wait3A_97 : memref<1x128xi32, #tpu.memory_space<vmem>> -> memref<128xi32, #tpu.memory_space<vmem>>
      %dma_wait3A_99 = arith.constant 0 : i32
      %dma_wait3A_100 = arith.constant 0 : i32
      %dma_wait3A_101 = tpu.memref_slice %arg2[%dma_wait3A_99, %dma_wait3A_100] : memref<4000x128xf32, #tpu.memory_space<hbm>> -> memref<4000x128xf32, #tpu.memory_space<hbm>>
      tpu.wait_indirect_dma semaphore(%arg13 : memref<!tpu.dma_semaphore, #tpu.memory_space<semaphore_mem>>) src(%dma_wait3A_101 : memref<4000x128xf32, #tpu.memory_space<hbm>>) dst(%arg11 : memref<128x128xf32, #tpu.memory_space<vmem>>)
      %add3A_102 = arith.constant 1 : i32
      %add3A_103 = arith.addi %add3A_79, %add3A_102 : i32
      "tpu.region"() ({
        %run_scoped3A_112 = tpu.sem_alloc : memref<!tpu.dma_semaphore, #tpu.memory_space<semaphore_mem>>
        %dma_start3A_113 = arith.constant 0 : i32
        %dma_start3A_114 = tpu.memref_slice %arg9[%add3A_103, %dma_start3A_113] : memref<30x128xi32, #tpu.memory_space<vmem>> -> memref<1x128xi32, #tpu.memory_space<vmem>>
        %dma_start3A_115 = tpu.memref_squeeze %dma_start3A_114 : memref<1x128xi32, #tpu.memory_space<vmem>> -> memref<128xi32, #tpu.memory_space<vmem>>
        %dma_start3A_116 = arith.constant 0 : i32
        %dma_start3A_117 = arith.constant 0 : i32
        %dma_start3A_118 = tpu.memref_slice %arg7[%dma_start3A_116, %dma_start3A_117] : memref<6144x128xf32, #tpu.memory_space<vmem_shared>> -> memref<6144x128xf32, #tpu.memory_space<vmem_shared>>
        tpu.enqueue_indirect_dma source(%arg11 : memref<128x128xf32, #tpu.memory_space<vmem>>) target(%dma_start3A_118 : memref<6144x128xf32, #tpu.memory_space<vmem_shared>>) offsets(%dma_start3A_115 : memref<128xi32, #tpu.memory_space<vmem>>) semaphore(%run_scoped3A_112 : memref<!tpu.dma_semaphore, #tpu.memory_space<semaphore_mem>>) {add = true}
        %dma_wait3A_119 = arith.constant 0 : i32
        %dma_wait3A_120 = tpu.memref_slice %arg9[%add3A_103, %dma_wait3A_119] : memref<30x128xi32, #tpu.memory_space<vmem>> -> memref<1x128xi32, #tpu.memory_space<vmem>>
        %dma_wait3A_121 = tpu.memref_squeeze %dma_wait3A_120 : memref<1x128xi32, #tpu.memory_space<vmem>> -> memref<128xi32, #tpu.memory_space<vmem>>
        %dma_wait3A_122 = arith.constant 0 : i32
        %dma_wait3A_123 = arith.constant 0 : i32
        %dma_wait3A_124 = tpu.memref_slice %arg7[%dma_wait3A_122, %dma_wait3A_123] : memref<6144x128xf32, #tpu.memory_space<vmem_shared>> -> memref<6144x128xf32, #tpu.memory_space<vmem_shared>>
        tpu.wait_indirect_dma semaphore(%run_scoped3A_112 : memref<!tpu.dma_semaphore, #tpu.memory_space<semaphore_mem>>) src(%arg11 : memref<128x128xf32, #tpu.memory_space<vmem>>) dst(%dma_wait3A_124 : memref<6144x128xf32, #tpu.memory_space<vmem_shared>>)
        tpu.yield
      }) : () -> ()
      %add3A_104 = arith.constant 3 : i32
      %add3A_105 = arith.addi %add3A_79, %add3A_104 : i32
      %dma_start3A_106 = arith.constant 0 : i32
      %dma_start3A_107 = tpu.memref_slice %arg8[%add3A_105, %dma_start3A_106] : memref<30x128xi32, #tpu.memory_space<vmem>> -> memref<1x128xi32, #tpu.memory_space<vmem>>
      %dma_start3A_108 = tpu.memref_squeeze %dma_start3A_107 : memref<1x128xi32, #tpu.memory_space<vmem>> -> memref<128xi32, #tpu.memory_space<vmem>>
      %dma_start3A_109 = arith.constant 0 : i32
      %dma_start3A_110 = arith.constant 0 : i32
      %dma_start3A_111 = tpu.memref_slice %arg2[%dma_start3A_109, %dma_start3A_110] : memref<4000x128xf32, #tpu.memory_space<hbm>> -> memref<4000x128xf32, #tpu.memory_space<hbm>>
      tpu.enqueue_indirect_dma source(%dma_start3A_111 : memref<4000x128xf32, #tpu.memory_space<hbm>>) target(%arg11 : memref<128x128xf32, #tpu.memory_space<vmem>>) offsets(%dma_start3A_108 : memref<128xi32, #tpu.memory_space<vmem>>) semaphore(%arg13 : memref<!tpu.dma_semaphore, #tpu.memory_space<semaphore_mem>>)
    }
    %scan3A_53 = arith.constant 14 : i32
    %dma_wait3A_54 = arith.constant 28 : i32
    %dma_wait3A_55 = arith.constant 0 : i32
    %dma_wait3A_56 = tpu.memref_slice %arg8[%dma_wait3A_54, %dma_wait3A_55] : memref<30x128xi32, #tpu.memory_space<vmem>> -> memref<1x128xi32, #tpu.memory_space<vmem>>
    %dma_wait3A_57 = tpu.memref_squeeze %dma_wait3A_56 : memref<1x128xi32, #tpu.memory_space<vmem>> -> memref<128xi32, #tpu.memory_space<vmem>>
    %dma_wait3A_58 = arith.constant 0 : i32
    %dma_wait3A_59 = arith.constant 0 : i32
    %dma_wait3A_60 = tpu.memref_slice %arg2[%dma_wait3A_58, %dma_wait3A_59] : memref<4000x128xf32, #tpu.memory_space<hbm>> -> memref<4000x128xf32, #tpu.memory_space<hbm>>
    tpu.wait_indirect_dma semaphore(%arg12 : memref<!tpu.dma_semaphore, #tpu.memory_space<semaphore_mem>>) src(%dma_wait3A_60 : memref<4000x128xf32, #tpu.memory_space<hbm>>) dst(%arg10 : memref<128x128xf32, #tpu.memory_space<vmem>>)
    %run_scoped3A = arith.constant 28 : i32
    "tpu.region"() ({
      %run_scoped3A_75 = tpu.sem_alloc : memref<!tpu.dma_semaphore, #tpu.memory_space<semaphore_mem>>
      %dma_start3A_76 = arith.constant 0 : i32
      %dma_start3A_77 = tpu.memref_slice %arg9[%run_scoped3A, %dma_start3A_76] : memref<30x128xi32, #tpu.memory_space<vmem>> -> memref<1x128xi32, #tpu.memory_space<vmem>>
      %dma_start3A_78 = tpu.memref_squeeze %dma_start3A_77 : memref<1x128xi32, #tpu.memory_space<vmem>> -> memref<128xi32, #tpu.memory_space<vmem>>
      %dma_start3A_79 = arith.constant 0 : i32
      %dma_start3A_80 = arith.constant 0 : i32
      %dma_start3A_81 = tpu.memref_slice %arg7[%dma_start3A_79, %dma_start3A_80] : memref<6144x128xf32, #tpu.memory_space<vmem_shared>> -> memref<6144x128xf32, #tpu.memory_space<vmem_shared>>
      tpu.enqueue_indirect_dma source(%arg10 : memref<128x128xf32, #tpu.memory_space<vmem>>) target(%dma_start3A_81 : memref<6144x128xf32, #tpu.memory_space<vmem_shared>>) offsets(%dma_start3A_78 : memref<128xi32, #tpu.memory_space<vmem>>) semaphore(%run_scoped3A_75 : memref<!tpu.dma_semaphore, #tpu.memory_space<semaphore_mem>>) {add = true}
      %dma_wait3A_82 = arith.constant 0 : i32
      %dma_wait3A_83 = tpu.memref_slice %arg9[%run_scoped3A, %dma_wait3A_82] : memref<30x128xi32, #tpu.memory_space<vmem>> -> memref<1x128xi32, #tpu.memory_space<vmem>>
      %dma_wait3A_84 = tpu.memref_squeeze %dma_wait3A_83 : memref<1x128xi32, #tpu.memory_space<vmem>> -> memref<128xi32, #tpu.memory_space<vmem>>
      %dma_wait3A_85 = arith.constant 0 : i32
      %dma_wait3A_86 = arith.constant 0 : i32
      %dma_wait3A_87 = tpu.memref_slice %arg7[%dma_wait3A_85, %dma_wait3A_86] : memref<6144x128xf32, #tpu.memory_space<vmem_shared>> -> memref<6144x128xf32, #tpu.memory_space<vmem_shared>>
      tpu.wait_indirect_dma semaphore(%run_scoped3A_75 : memref<!tpu.dma_semaphore, #tpu.memory_space<semaphore_mem>>) src(%arg10 : memref<128x128xf32, #tpu.memory_space<vmem>>) dst(%dma_wait3A_87 : memref<6144x128xf32, #tpu.memory_space<vmem_shared>>)
      tpu.yield
    }) : () -> ()
    %dma_wait3A_61 = arith.constant 29 : i32
    %dma_wait3A_62 = arith.constant 0 : i32
    %dma_wait3A_63 = tpu.memref_slice %arg8[%dma_wait3A_61, %dma_wait3A_62] : memref<30x128xi32, #tpu.memory_space<vmem>> -> memref<1x128xi32, #tpu.memory_space<vmem>>
    %dma_wait3A_64 = tpu.memref_squeeze %dma_wait3A_63 : memref<1x128xi32, #tpu.memory_space<vmem>> -> memref<128xi32, #tpu.memory_space<vmem>>
    %dma_wait3A_65 = arith.constant 0 : i32
    %dma_wait3A_66 = arith.constant 0 : i32
    %dma_wait3A_67 = tpu.memref_slice %arg2[%dma_wait3A_65, %dma_wait3A_66] : memref<4000x128xf32, #tpu.memory_space<hbm>> -> memref<4000x128xf32, #tpu.memory_space<hbm>>
    tpu.wait_indirect_dma semaphore(%arg13 : memref<!tpu.dma_semaphore, #tpu.memory_space<semaphore_mem>>) src(%dma_wait3A_67 : memref<4000x128xf32, #tpu.memory_space<hbm>>) dst(%arg11 : memref<128x128xf32, #tpu.memory_space<vmem>>)
    %run_scoped3A_68 = arith.constant 29 : i32
    "tpu.region"() ({
      %run_scoped3A_75 = tpu.sem_alloc : memref<!tpu.dma_semaphore, #tpu.memory_space<semaphore_mem>>
      %dma_start3A_76 = arith.constant 0 : i32
      %dma_start3A_77 = tpu.memref_slice %arg9[%run_scoped3A_68, %dma_start3A_76] : memref<30x128xi32, #tpu.memory_space<vmem>> -> memref<1x128xi32, #tpu.memory_space<vmem>>
      %dma_start3A_78 = tpu.memref_squeeze %dma_start3A_77 : memref<1x128xi32, #tpu.memory_space<vmem>> -> memref<128xi32, #tpu.memory_space<vmem>>
      %dma_start3A_79 = arith.constant 0 : i32
      %dma_start3A_80 = arith.constant 0 : i32
      %dma_start3A_81 = tpu.memref_slice %arg7[%dma_start3A_79, %dma_start3A_80] : memref<6144x128xf32, #tpu.memory_space<vmem_shared>> -> memref<6144x128xf32, #tpu.memory_space<vmem_shared>>
      tpu.enqueue_indirect_dma source(%arg11 : memref<128x128xf32, #tpu.memory_space<vmem>>) target(%dma_start3A_81 : memref<6144x128xf32, #tpu.memory_space<vmem_shared>>) offsets(%dma_start3A_78 : memref<128xi32, #tpu.memory_space<vmem>>) semaphore(%run_scoped3A_75 : memref<!tpu.dma_semaphore, #tpu.memory_space<semaphore_mem>>) {add = true}
      %dma_wait3A_82 = arith.constant 0 : i32
      %dma_wait3A_83 = tpu.memref_slice %arg9[%run_scoped3A_68, %dma_wait3A_82] : memref<30x128xi32, #tpu.memory_space<vmem>> -> memref<1x128xi32, #tpu.memory_space<vmem>>
      %dma_wait3A_84 = tpu.memref_squeeze %dma_wait3A_83 : memref<1x128xi32, #tpu.memory_space<vmem>> -> memref<128xi32, #tpu.memory_space<vmem>>
      %dma_wait3A_85 = arith.constant 0 : i32
      %dma_wait3A_86 = arith.constant 0 : i32
      %dma_wait3A_87 = tpu.memref_slice %arg7[%dma_wait3A_85, %dma_wait3A_86] : memref<6144x128xf32, #tpu.memory_space<vmem_shared>> -> memref<6144x128xf32, #tpu.memory_space<vmem_shared>>
      tpu.wait_indirect_dma semaphore(%run_scoped3A_75 : memref<!tpu.dma_semaphore, #tpu.memory_space<semaphore_mem>>) src(%arg11 : memref<128x128xf32, #tpu.memory_space<vmem>>) dst(%dma_wait3A_87 : memref<6144x128xf32, #tpu.memory_space<vmem_shared>>)
      tpu.yield
    }) : () -> ()
    %barrier3A_69 = arith.constant 0 : index
    tpu.barrier barrier_id(%barrier3A_69)
    %scan3A_70 = arith.constant 0 : i32
    %scan3A_71 = arith.constant 3 : i32
    %scan3A_72 = arith.addi %scan3A_70, %scan3A_71 : i32
    %scan3A_73 = arith.constant 1 : i32
    scf.for %scan3A_75 = %scan3A_70 to %scan3A_72 step %scan3A_73  : i32 {
      %mul3A_76 = arith.constant 1 : i32
      %mul3A_77 = arith.muli %scan3A_75, %mul3A_76 : i32
      %add3A_78 = arith.constant 0 : i32
      %add3A_79 = arith.addi %add3A_78, %mul3A_77 : i32
      %mul3A_80 = arith.constant 384 : i32
      %mul3A_81 = arith.muli %arg1, %mul3A_80 : i32
      %mul3A_82 = arith.constant 128 : i32
      %mul3A_83 = arith.muli %add3A_79, %mul3A_82 : i32
      %add3A_84 = arith.addi %mul3A_81, %mul3A_83 : i32
      "tpu.region"() ({
        %run_scoped3A_88 = tpu.sem_alloc : memref<!tpu.dma_semaphore, #tpu.memory_space<semaphore_mem>>
        %dma_start3A_89 = arith.constant 0 : i32
        %dma_start3A_90 = tpu.memref_slice %arg7[%add3A_84, %dma_start3A_89] : memref<6144x128xf32, #tpu.memory_space<vmem_shared>> -> memref<128x128xf32, #tpu.memory_space<vmem_shared>>
        %dma_start3A_91 = arith.constant 0 : i32
        %dma_start3A_92 = tpu.memref_slice %arg7[%add3A_84, %dma_start3A_91] : memref<6144x128xf32, #tpu.memory_space<vmem_shared>> -> memref<128x128xf32, #tpu.memory_space<vmem_shared>>
        tpu.enqueue_dma source(%dma_start3A_92 : memref<128x128xf32, #tpu.memory_space<vmem_shared>>) target(%arg10 : memref<128x128xf32, #tpu.memory_space<vmem>>) target_semaphore(%run_scoped3A_88 : memref<!tpu.dma_semaphore, #tpu.memory_space<semaphore_mem>>)
        %dma_wait3A_93 = arith.constant 0 : i32
        %dma_wait3A_94 = tpu.memref_slice %arg7[%add3A_84, %dma_wait3A_93] : memref<6144x128xf32, #tpu.memory_space<vmem_shared>> -> memref<128x128xf32, #tpu.memory_space<vmem_shared>>
        %dma_wait3A_95 = arith.constant 0 : i32
        %dma_wait3A_96 = tpu.memref_slice %arg7[%add3A_84, %dma_wait3A_95] : memref<6144x128xf32, #tpu.memory_space<vmem_shared>> -> memref<128x128xf32, #tpu.memory_space<vmem_shared>>
        tpu.wait_dma2 semaphore(%run_scoped3A_88 : memref<!tpu.dma_semaphore, #tpu.memory_space<semaphore_mem>>) src(%dma_wait3A_96 : memref<128x128xf32, #tpu.memory_space<vmem_shared>>) dst(%arg10 : memref<128x128xf32, #tpu.memory_space<vmem>>)
        tpu.yield
      }) : () -> ()
      %mul3A_85 = arith.constant 6144 : i32
      %mul3A_86 = arith.muli %arg0, %mul3A_85 : i32
      %add3A_87 = arith.addi %mul3A_86, %add3A_84 : i32
      "tpu.region"() ({
        %run_scoped3A_88 = tpu.sem_alloc : memref<!tpu.dma_semaphore, #tpu.memory_space<semaphore_mem>>
        %dma_start3A_89 = arith.constant 0 : i32
        %dma_start3A_90 = tpu.memref_slice %arg6[%add3A_87, %dma_start3A_89] : memref<12288x128xf32, #tpu.memory_space<hbm>> -> memref<128x128xf32, #tpu.memory_space<hbm>>
        %dma_start3A_91 = arith.constant 0 : i32
        %dma_start3A_92 = tpu.memref_slice %arg6[%add3A_87, %dma_start3A_91] : memref<12288x128xf32, #tpu.memory_space<hbm>> -> memref<128x128xf32, #tpu.memory_space<hbm>>
        tpu.enqueue_dma source(%arg10 : memref<128x128xf32, #tpu.memory_space<vmem>>) target(%dma_start3A_92 : memref<128x128xf32, #tpu.memory_space<hbm>>) target_semaphore(%run_scoped3A_88 : memref<!tpu.dma_semaphore, #tpu.memory_space<semaphore_mem>>)
        %dma_wait3A_93 = arith.constant 0 : i32
        %dma_wait3A_94 = tpu.memref_slice %arg6[%add3A_87, %dma_wait3A_93] : memref<12288x128xf32, #tpu.memory_space<hbm>> -> memref<128x128xf32, #tpu.memory_space<hbm>>
        %dma_wait3A_95 = arith.constant 0 : i32
        %dma_wait3A_96 = tpu.memref_slice %arg6[%add3A_87, %dma_wait3A_95] : memref<12288x128xf32, #tpu.memory_space<hbm>> -> memref<128x128xf32, #tpu.memory_space<hbm>>
        tpu.wait_dma2 semaphore(%run_scoped3A_88 : memref<!tpu.dma_semaphore, #tpu.memory_space<semaphore_mem>>) src(%arg10 : memref<128x128xf32, #tpu.memory_space<vmem>>) dst(%dma_wait3A_96 : memref<128x128xf32, #tpu.memory_space<hbm>>)
        tpu.yield
      }) : () -> ()
    }
    %scan3A_74 = arith.constant 3 : i32
    return
  }
}

module attributes {stable_mosaic.version = 14 : i64} {
  func.func @_t0_body(%arg0: memref<10000x128xf32, #tpu.memory_space<vmem>>, %arg1: memref<6000x128xf32, #tpu.memory_space<vmem>>, %arg2: memref<10000x128xf32, #tpu.memory_space<vmem>>, %arg3: memref<6000x128xf32, #tpu.memory_space<vmem>>) attributes {dimension_semantics = [], scalar_prefetch = 0 : i64, scratch_operands = 0 : i64, tpu.core_type = #tpu.core_type<tc>} {
    %get3A = arith.constant 0 : index
    %get3A_0 = arith.constant 0 : index
    %get3A_1 = vector.load %arg0[%get3A, %get3A_0] : memref<10000x128xf32, #tpu.memory_space<vmem>>, vector<10000x128xf32>
    %mul3A = arith.mulf %get3A_1, %get3A_1 : vector<10000x128xf32>
    %reduce_sum3A = arith.constant dense<0.000000e+00> : vector<10000xf32>
    %reduce_sum3A_2 = vector.multi_reduction <add>, %mul3A, %reduce_sum3A [1] : vector<10000x128xf32> to vector<10000xf32>
    %broadcast_in_dim3A = vector.shape_cast %reduce_sum3A_2 : vector<10000xf32> to vector<10000x1xf32>
    %jit3A = arith.constant 1.000000e-15 : f32
    %max3A = vector.broadcast %jit3A : f32 to vector<10000x1xf32>
    %max3A_3 = arith.maximumf %max3A, %broadcast_in_dim3A : vector<10000x1xf32>
    %sqrt3A = math.sqrt %max3A_3 : vector<10000x1xf32>
    %jit3A_4 = arith.constant 1.000000e-07 : f32
    %max3A_5 = vector.broadcast %jit3A_4 : f32 to vector<10000x1xf32>
    %max3A_6 = arith.maximumf %max3A_5, %sqrt3A : vector<10000x1xf32>
    %tanh3A = math.tanh %max3A_6 : vector<10000x1xf32>
    %mul3A_7 = vector.broadcast %tanh3A : vector<10000x1xf32> to vector<10000x128xf32>
    %mul3A_8 = arith.mulf %mul3A_7, %get3A_1 : vector<10000x128xf32>
    %div3A = vector.broadcast %max3A_6 : vector<10000x1xf32> to vector<10000x128xf32>
    %div3A_9 = arith.divf %mul3A_8, %div3A : vector<10000x128xf32>
    %swap3A = arith.constant 0 : index
    %swap3A_10 = arith.constant 0 : index
    %swap3A_11 = vector.load %arg2[%swap3A, %swap3A_10] : memref<10000x128xf32, #tpu.memory_space<vmem>>, vector<10000x128xf32>
    tpu.vector_store %arg2[%swap3A, %swap3A_10], %div3A_9 {strides = array<i32>} : memref<10000x128xf32, #tpu.memory_space<vmem>>, vector<10000x128xf32>,
    %get3A_12 = arith.constant 0 : index
    %get3A_13 = arith.constant 0 : index
    %get3A_14 = vector.load %arg1[%get3A_12, %get3A_13] : memref<6000x128xf32, #tpu.memory_space<vmem>>, vector<6000x128xf32>
    %mul3A_15 = arith.mulf %get3A_14, %get3A_14 : vector<6000x128xf32>
    %reduce_sum3A_16 = arith.constant dense<0.000000e+00> : vector<6000xf32>
    %reduce_sum3A_17 = vector.multi_reduction <add>, %mul3A_15, %reduce_sum3A_16 [1] : vector<6000x128xf32> to vector<6000xf32>
    %broadcast_in_dim3A_18 = vector.shape_cast %reduce_sum3A_17 : vector<6000xf32> to vector<6000x1xf32>
    %add3A = arith.constant 9.99999997E-7 : f32
    %add3A_19 = vector.broadcast %add3A : f32 to vector<6000x1xf32>
    %add3A_20 = arith.addf %broadcast_in_dim3A_18, %add3A_19 : vector<6000x1xf32>
    %div3A_21 = vector.broadcast %add3A_20 : vector<6000x1xf32> to vector<6000x128xf32>
    %div3A_22 = arith.divf %get3A_14, %div3A_21 : vector<6000x128xf32>
    %swap3A_23 = arith.constant 0 : index
    %swap3A_24 = arith.constant 0 : index
    %swap3A_25 = vector.load %arg3[%swap3A_23, %swap3A_24] : memref<6000x128xf32, #tpu.memory_space<vmem>>, vector<6000x128xf32>
    tpu.vector_store %arg3[%swap3A_23, %swap3A_24], %div3A_22 {strides = array<i32>} : memref<6000x128xf32, #tpu.memory_space<vmem>>, vector<6000x128xf32>,
    return
  }
}

module attributes {stable_mosaic.version = 14 : i64} {
  func.func @_t1_body(%arg0: i32, %arg1: memref<512x128xf32, #tpu.memory_space<vmem>>, %arg2: memref<512x128xf32, #tpu.memory_space<vmem>>, %arg3: memref<512x1xi32, #tpu.memory_space<vmem>>, %arg4: memref<8x128xf32, #tpu.memory_space<vmem>>, %arg5: memref<512x128xf32, #tpu.memory_space<vmem>>) attributes {dimension_semantics = [#tpu.dimension_semantics<arbitrary>], iteration_bounds = array<i64: 640>, scalar_prefetch = 0 : i64, scratch_operands = 0 : i64, tpu.core_type = #tpu.core_type<tc>, window_params = [{transform_indices = @transform_0, window_bounds = array<i64: 512, 128>}, {transform_indices = @transform_1, window_bounds = array<i64: 512, 128>}, {transform_indices = @transform_2, window_bounds = array<i64: 512, 1>}, {pipeline_mode = #tpu.pipeline_mode<synchronous>, transform_indices = @transform_3, window_bounds = array<i64: 8, 128>}, {transform_indices = @transform_4, window_bounds = array<i64: 512, 128>}]} {
    %get3A = arith.constant 0 : index
    %get3A_0 = arith.constant 0 : index
    %get3A_1 = vector.load %arg1[%get3A, %get3A_0] : memref<512x128xf32, #tpu.memory_space<vmem>>, vector<512x128xf32>
    %get3A_2 = arith.constant 0 : index
    %get3A_3 = arith.constant 0 : index
    %get3A_4 = vector.load %arg2[%get3A_2, %get3A_3] : memref<512x128xf32, #tpu.memory_space<vmem>>, vector<512x128xf32>
    %get3A_5 = arith.constant 0 : index
    %get3A_6 = arith.constant 0 : index
    %get3A_7 = vector.load %arg3[%get3A_5, %get3A_6] : memref<512x1xi32, #tpu.memory_space<vmem>>, vector<512x1xi32>
    %get3A_8 = arith.constant 0 : index
    %get3A_9 = arith.constant 0 : index
    %get3A_10 = vector.load %arg4[%get3A_8, %get3A_9] : memref<8x128xf32, #tpu.memory_space<vmem>>, vector<1x128xf32>
    %broadcast_in_dim3A = vector.shape_cast %get3A_10 : vector<1x128xf32> to vector<1x128xf32>
    %broadcast_in_dim3A_11 = vector.broadcast %broadcast_in_dim3A : vector<1x128xf32> to vector<512x128xf32>
    %eq3A = arith.constant 1 : i32
    %eq3A_12 = vector.broadcast %eq3A : i32 to vector<512x1xi32>
    %eq3A_13 = arith.cmpi eq, %get3A_7, %eq3A_12 : vector<512x1xi32>
    %get3A_14 = arith.constant 1 : index
    %get3A_15 = arith.constant 0 : index
    %get3A_16 = vector.load %arg4[%get3A_14, %get3A_15] : memref<8x128xf32, #tpu.memory_space<vmem>>, vector<1x128xf32>
    %broadcast_in_dim3A_17 = vector.shape_cast %eq3A_13 : vector<512x1xi1> to vector<512x1xi1>
    %broadcast_in_dim3A_18 = vector.broadcast %broadcast_in_dim3A_17 : vector<512x1xi1> to vector<512x128xi1>
    %broadcast_in_dim3A_19 = vector.shape_cast %get3A_16 : vector<1x128xf32> to vector<1x128xf32>
    %broadcast_in_dim3A_20 = vector.broadcast %broadcast_in_dim3A_19 : vector<1x128xf32> to vector<512x128xf32>
    %select_n3A = arith.select %broadcast_in_dim3A_18, %broadcast_in_dim3A_20, %broadcast_in_dim3A_11 : vector<512x128xi1>, vector<512x128xf32>
    %eq3A_21 = arith.constant 2 : i32
    %eq3A_22 = vector.broadcast %eq3A_21 : i32 to vector<512x1xi32>
    %eq3A_23 = arith.cmpi eq, %get3A_7, %eq3A_22 : vector<512x1xi32>
    %get3A_24 = arith.constant 2 : index
    %get3A_25 = arith.constant 0 : index
    %get3A_26 = vector.load %arg4[%get3A_24, %get3A_25] : memref<8x128xf32, #tpu.memory_space<vmem>>, vector<1x128xf32>
    %broadcast_in_dim3A_27 = vector.shape_cast %eq3A_23 : vector<512x1xi1> to vector<512x1xi1>
    %broadcast_in_dim3A_28 = vector.broadcast %broadcast_in_dim3A_27 : vector<512x1xi1> to vector<512x128xi1>
    %broadcast_in_dim3A_29 = vector.shape_cast %get3A_26 : vector<1x128xf32> to vector<1x128xf32>
    %broadcast_in_dim3A_30 = vector.broadcast %broadcast_in_dim3A_29 : vector<1x128xf32> to vector<512x128xf32>
    %select_n3A_31 = arith.select %broadcast_in_dim3A_28, %broadcast_in_dim3A_30, %select_n3A : vector<512x128xi1>, vector<512x128xf32>
    %eq3A_32 = arith.constant 3 : i32
    %eq3A_33 = vector.broadcast %eq3A_32 : i32 to vector<512x1xi32>
    %eq3A_34 = arith.cmpi eq, %get3A_7, %eq3A_33 : vector<512x1xi32>
    %get3A_35 = arith.constant 3 : index
    %get3A_36 = arith.constant 0 : index
    %get3A_37 = vector.load %arg4[%get3A_35, %get3A_36] : memref<8x128xf32, #tpu.memory_space<vmem>>, vector<1x128xf32>
    %broadcast_in_dim3A_38 = vector.shape_cast %eq3A_34 : vector<512x1xi1> to vector<512x1xi1>
    %broadcast_in_dim3A_39 = vector.broadcast %broadcast_in_dim3A_38 : vector<512x1xi1> to vector<512x128xi1>
    %broadcast_in_dim3A_40 = vector.shape_cast %get3A_37 : vector<1x128xf32> to vector<1x128xf32>
    %broadcast_in_dim3A_41 = vector.broadcast %broadcast_in_dim3A_40 : vector<1x128xf32> to vector<512x128xf32>
    %select_n3A_42 = arith.select %broadcast_in_dim3A_39, %broadcast_in_dim3A_41, %select_n3A_31 : vector<512x128xi1>, vector<512x128xf32>
    %eq3A_43 = arith.constant 4 : i32
    %eq3A_44 = vector.broadcast %eq3A_43 : i32 to vector<512x1xi32>
    %eq3A_45 = arith.cmpi eq, %get3A_7, %eq3A_44 : vector<512x1xi32>
    %get3A_46 = arith.constant 4 : index
    %get3A_47 = arith.constant 0 : index
    %get3A_48 = vector.load %arg4[%get3A_46, %get3A_47] : memref<8x128xf32, #tpu.memory_space<vmem>>, vector<1x128xf32>
    %broadcast_in_dim3A_49 = vector.shape_cast %eq3A_45 : vector<512x1xi1> to vector<512x1xi1>
    %broadcast_in_dim3A_50 = vector.broadcast %broadcast_in_dim3A_49 : vector<512x1xi1> to vector<512x128xi1>
    %broadcast_in_dim3A_51 = vector.shape_cast %get3A_48 : vector<1x128xf32> to vector<1x128xf32>
    %broadcast_in_dim3A_52 = vector.broadcast %broadcast_in_dim3A_51 : vector<1x128xf32> to vector<512x128xf32>
    %select_n3A_53 = arith.select %broadcast_in_dim3A_50, %broadcast_in_dim3A_52, %select_n3A_42 : vector<512x128xi1>, vector<512x128xf32>
    %eq3A_54 = arith.constant 5 : i32
    %eq3A_55 = vector.broadcast %eq3A_54 : i32 to vector<512x1xi32>
    %eq3A_56 = arith.cmpi eq, %get3A_7, %eq3A_55 : vector<512x1xi32>
    %get3A_57 = arith.constant 5 : index
    %get3A_58 = arith.constant 0 : index
    %get3A_59 = vector.load %arg4[%get3A_57, %get3A_58] : memref<8x128xf32, #tpu.memory_space<vmem>>, vector<1x128xf32>
    %broadcast_in_dim3A_60 = vector.shape_cast %eq3A_56 : vector<512x1xi1> to vector<512x1xi1>
    %broadcast_in_dim3A_61 = vector.broadcast %broadcast_in_dim3A_60 : vector<512x1xi1> to vector<512x128xi1>
    %broadcast_in_dim3A_62 = vector.shape_cast %get3A_59 : vector<1x128xf32> to vector<1x128xf32>
    %broadcast_in_dim3A_63 = vector.broadcast %broadcast_in_dim3A_62 : vector<1x128xf32> to vector<512x128xf32>
    %select_n3A_64 = arith.select %broadcast_in_dim3A_61, %broadcast_in_dim3A_63, %select_n3A_53 : vector<512x128xi1>, vector<512x128xf32>
    %eq3A_65 = arith.constant 6 : i32
    %eq3A_66 = vector.broadcast %eq3A_65 : i32 to vector<512x1xi32>
    %eq3A_67 = arith.cmpi eq, %get3A_7, %eq3A_66 : vector<512x1xi32>
    %get3A_68 = arith.constant 6 : index
    %get3A_69 = arith.constant 0 : index
    %get3A_70 = vector.load %arg4[%get3A_68, %get3A_69] : memref<8x128xf32, #tpu.memory_space<vmem>>, vector<1x128xf32>
    %broadcast_in_dim3A_71 = vector.shape_cast %eq3A_67 : vector<512x1xi1> to vector<512x1xi1>
    %broadcast_in_dim3A_72 = vector.broadcast %broadcast_in_dim3A_71 : vector<512x1xi1> to vector<512x128xi1>
    %broadcast_in_dim3A_73 = vector.shape_cast %get3A_70 : vector<1x128xf32> to vector<1x128xf32>
    %broadcast_in_dim3A_74 = vector.broadcast %broadcast_in_dim3A_73 : vector<1x128xf32> to vector<512x128xf32>
    %select_n3A_75 = arith.select %broadcast_in_dim3A_72, %broadcast_in_dim3A_74, %select_n3A_64 : vector<512x128xi1>, vector<512x128xf32>
    %eq3A_76 = arith.constant 7 : i32
    %eq3A_77 = vector.broadcast %eq3A_76 : i32 to vector<512x1xi32>
    %eq3A_78 = arith.cmpi eq, %get3A_7, %eq3A_77 : vector<512x1xi32>
    %get3A_79 = arith.constant 7 : index
    %get3A_80 = arith.constant 0 : index
    %get3A_81 = vector.load %arg4[%get3A_79, %get3A_80] : memref<8x128xf32, #tpu.memory_space<vmem>>, vector<1x128xf32>
    %broadcast_in_dim3A_82 = vector.shape_cast %eq3A_78 : vector<512x1xi1> to vector<512x1xi1>
    %broadcast_in_dim3A_83 = vector.broadcast %broadcast_in_dim3A_82 : vector<512x1xi1> to vector<512x128xi1>
    %broadcast_in_dim3A_84 = vector.shape_cast %get3A_81 : vector<1x128xf32> to vector<1x128xf32>
    %broadcast_in_dim3A_85 = vector.broadcast %broadcast_in_dim3A_84 : vector<1x128xf32> to vector<512x128xf32>
    %select_n3A_86 = arith.select %broadcast_in_dim3A_83, %broadcast_in_dim3A_85, %select_n3A_75 : vector<512x128xi1>, vector<512x128xf32>
    %mul3A = arith.mulf %get3A_1, %get3A_1 : vector<512x128xf32>
    %reduce_sum3A = arith.constant dense<0.000000e+00> : vector<512xf32>
    %reduce_sum3A_87 = vector.multi_reduction <add>, %mul3A, %reduce_sum3A [1] : vector<512x128xf32> to vector<512xf32>
    %broadcast_in_dim3A_88 = vector.shape_cast %reduce_sum3A_87 : vector<512xf32> to vector<512x1xf32>
    %mul3A_89 = arith.mulf %get3A_4, %get3A_4 : vector<512x128xf32>
    %reduce_sum3A_90 = arith.constant dense<0.000000e+00> : vector<512xf32>
    %reduce_sum3A_91 = vector.multi_reduction <add>, %mul3A_89, %reduce_sum3A_90 [1] : vector<512x128xf32> to vector<512xf32>
    %broadcast_in_dim3A_92 = vector.shape_cast %reduce_sum3A_91 : vector<512xf32> to vector<512x1xf32>
    %mul3A_93 = arith.mulf %select_n3A_86, %select_n3A_86 : vector<512x128xf32>
    %reduce_sum3A_94 = arith.constant dense<0.000000e+00> : vector<512xf32>
    %reduce_sum3A_95 = vector.multi_reduction <add>, %mul3A_93, %reduce_sum3A_94 [1] : vector<512x128xf32> to vector<512xf32>
    %broadcast_in_dim3A_96 = vector.shape_cast %reduce_sum3A_95 : vector<512xf32> to vector<512x1xf32>
    %mul3A_97 = arith.mulf %get3A_1, %get3A_4 : vector<512x128xf32>
    %reduce_sum3A_98 = arith.constant dense<0.000000e+00> : vector<512xf32>
    %reduce_sum3A_99 = vector.multi_reduction <add>, %mul3A_97, %reduce_sum3A_98 [1] : vector<512x128xf32> to vector<512xf32>
    %broadcast_in_dim3A_100 = vector.shape_cast %reduce_sum3A_99 : vector<512xf32> to vector<512x1xf32>
    %mul3A_101 = arith.mulf %get3A_1, %select_n3A_86 : vector<512x128xf32>
    %reduce_sum3A_102 = arith.constant dense<0.000000e+00> : vector<512xf32>
    %reduce_sum3A_103 = vector.multi_reduction <add>, %mul3A_101, %reduce_sum3A_102 [1] : vector<512x128xf32> to vector<512xf32>
    %broadcast_in_dim3A_104 = vector.shape_cast %reduce_sum3A_103 : vector<512xf32> to vector<512x1xf32>
    %mul3A_105 = arith.mulf %get3A_4, %select_n3A_86 : vector<512x128xf32>
    %reduce_sum3A_106 = arith.constant dense<0.000000e+00> : vector<512xf32>
    %reduce_sum3A_107 = vector.multi_reduction <add>, %mul3A_105, %reduce_sum3A_106 [1] : vector<512x128xf32> to vector<512xf32>
    %broadcast_in_dim3A_108 = vector.shape_cast %reduce_sum3A_107 : vector<512xf32> to vector<512x1xf32>
    %sub3A = arith.constant 1.000000e+00 : f32
    %sub3A_109 = vector.broadcast %sub3A : f32 to vector<512x1xf32>
    %sub3A_110 = arith.subf %sub3A_109, %broadcast_in_dim3A_88 : vector<512x1xf32>
    %jit3A = arith.constant 1.000000e-07 : f32
    %max3A = vector.broadcast %jit3A : f32 to vector<512x1xf32>
    %max3A_111 = arith.maximumf %max3A, %sub3A_110 : vector<512x1xf32>
    %div3A = arith.constant 2.000000e+00 : f32
    %div3A_112 = vector.broadcast %div3A : f32 to vector<512x1xf32>
    %div3A_113 = arith.divf %div3A_112, %max3A_111 : vector<512x1xf32>
    %jit3A_114 = arith.constant 1.000000e-15 : f32
    %max3A_115 = vector.broadcast %jit3A_114 : f32 to vector<512x1xf32>
    %max3A_116 = arith.maximumf %max3A_115, %broadcast_in_dim3A_92 : vector<512x1xf32>
    %sqrt3A = math.sqrt %max3A_116 : vector<512x1xf32>
    %jit3A_117 = arith.constant 1.000000e-07 : f32
    %max3A_118 = vector.broadcast %jit3A_117 : f32 to vector<512x1xf32>
    %max3A_119 = arith.maximumf %max3A_118, %sqrt3A : vector<512x1xf32>
    %mul3A_120 = arith.mulf %div3A_113, %max3A_119 : vector<512x1xf32>
    %div3A_121 = arith.constant 2.000000e+00 : f32
    %div3A_122 = vector.broadcast %div3A_121 : f32 to vector<512x1xf32>
    %div3A_123 = arith.divf %mul3A_120, %div3A_122 : vector<512x1xf32>
    %tanh3A = math.tanh %div3A_123 : vector<512x1xf32>
    %div3A_124 = arith.divf %tanh3A, %max3A_119 : vector<512x1xf32>
    %mul3A_125 = arith.mulf %div3A_124, %div3A_124 : vector<512x1xf32>
    %mul3A_126 = arith.mulf %mul3A_125, %broadcast_in_dim3A_92 : vector<512x1xf32>
    %mul3A_127 = arith.mulf %div3A_124, %broadcast_in_dim3A_100 : vector<512x1xf32>
    %mul3A_128 = arith.constant 2.000000e+00 : f32
    %mul3A_129 = vector.broadcast %mul3A_128 : f32 to vector<512x1xf32>
    %mul3A_130 = arith.mulf %mul3A_129, %mul3A_127 : vector<512x1xf32>
    %add3A = arith.constant 1.000000e+00 : f32
    %add3A_131 = vector.broadcast %add3A : f32 to vector<512x1xf32>
    %add3A_132 = arith.addf %add3A_131, %mul3A_130 : vector<512x1xf32>
    %mul3A_133 = arith.mulf %broadcast_in_dim3A_88, %mul3A_126 : vector<512x1xf32>
    %add3A_134 = arith.addf %add3A_132, %mul3A_133 : vector<512x1xf32>
    %jit3A_135 = arith.constant 1.000000e-15 : f32
    %max3A_136 = vector.broadcast %jit3A_135 : f32 to vector<512x1xf32>
    %max3A_137 = arith.maximumf %max3A_136, %add3A_134 : vector<512x1xf32>
    %mul3A_138 = arith.constant 2.000000e+00 : f32
    %mul3A_139 = vector.broadcast %mul3A_138 : f32 to vector<512x1xf32>
    %mul3A_140 = arith.mulf %mul3A_139, %mul3A_127 : vector<512x1xf32>
    %add3A_141 = arith.constant 1.000000e+00 : f32
    %add3A_142 = vector.broadcast %add3A_141 : f32 to vector<512x1xf32>
    %add3A_143 = arith.addf %add3A_142, %mul3A_140 : vector<512x1xf32>
    %add3A_144 = arith.addf %add3A_143, %mul3A_126 : vector<512x1xf32>
    %div3A_145 = arith.divf %add3A_144, %max3A_137 : vector<512x1xf32>
    %sub3A_146 = arith.constant 1.000000e+00 : f32
    %sub3A_147 = vector.broadcast %sub3A_146 : f32 to vector<512x1xf32>
    %sub3A_148 = arith.subf %sub3A_147, %broadcast_in_dim3A_88 : vector<512x1xf32>
    %mul3A_149 = arith.mulf %sub3A_148, %div3A_124 : vector<512x1xf32>
    %div3A_150 = arith.divf %mul3A_149, %max3A_137 : vector<512x1xf32>
    %jit3A_151 = arith.constant 1.000000e-15 : f32
    %max3A_152 = vector.broadcast %jit3A_151 : f32 to vector<512x1xf32>
    %max3A_153 = arith.maximumf %max3A_152, %broadcast_in_dim3A_96 : vector<512x1xf32>
    %sqrt3A_154 = math.sqrt %max3A_153 : vector<512x1xf32>
    %jit3A_155 = arith.constant 1.000000e-07 : f32
    %max3A_156 = vector.broadcast %jit3A_155 : f32 to vector<512x1xf32>
    %max3A_157 = arith.maximumf %max3A_156, %sqrt3A_154 : vector<512x1xf32>
    %mul3A_158 = arith.mulf %div3A_113, %max3A_157 : vector<512x1xf32>
    %div3A_159 = arith.constant 2.000000e+00 : f32
    %div3A_160 = vector.broadcast %div3A_159 : f32 to vector<512x1xf32>
    %div3A_161 = arith.divf %mul3A_158, %div3A_160 : vector<512x1xf32>
    %tanh3A_162 = math.tanh %div3A_161 : vector<512x1xf32>
    %div3A_163 = arith.divf %tanh3A_162, %max3A_157 : vector<512x1xf32>
    %mul3A_164 = arith.mulf %div3A_163, %div3A_163 : vector<512x1xf32>
    %mul3A_165 = arith.mulf %mul3A_164, %broadcast_in_dim3A_96 : vector<512x1xf32>
    %mul3A_166 = arith.mulf %div3A_163, %broadcast_in_dim3A_104 : vector<512x1xf32>
    %mul3A_167 = arith.constant 2.000000e+00 : f32
    %mul3A_168 = vector.broadcast %mul3A_167 : f32 to vector<512x1xf32>
    %mul3A_169 = arith.mulf %mul3A_168, %mul3A_166 : vector<512x1xf32>
    %add3A_170 = arith.constant 1.000000e+00 : f32
    %add3A_171 = vector.broadcast %add3A_170 : f32 to vector<512x1xf32>
    %add3A_172 = arith.addf %add3A_171, %mul3A_169 : vector<512x1xf32>
    %mul3A_173 = arith.mulf %broadcast_in_dim3A_88, %mul3A_165 : vector<512x1xf32>
    %add3A_174 = arith.addf %add3A_172, %mul3A_173 : vector<512x1xf32>
    %jit3A_175 = arith.constant 1.000000e-15 : f32
    %max3A_176 = vector.broadcast %jit3A_175 : f32 to vector<512x1xf32>
    %max3A_177 = arith.maximumf %max3A_176, %add3A_174 : vector<512x1xf32>
    %mul3A_178 = arith.constant 2.000000e+00 : f32
    %mul3A_179 = vector.broadcast %mul3A_178 : f32 to vector<512x1xf32>
    %mul3A_180 = arith.mulf %mul3A_179, %mul3A_166 : vector<512x1xf32>
    %add3A_181 = arith.constant 1.000000e+00 : f32
    %add3A_182 = vector.broadcast %add3A_181 : f32 to vector<512x1xf32>
    %add3A_183 = arith.addf %add3A_182, %mul3A_180 : vector<512x1xf32>
    %add3A_184 = arith.addf %add3A_183, %mul3A_165 : vector<512x1xf32>
    %div3A_185 = arith.divf %add3A_184, %max3A_177 : vector<512x1xf32>
    %sub3A_186 = arith.constant 1.000000e+00 : f32
    %sub3A_187 = vector.broadcast %sub3A_186 : f32 to vector<512x1xf32>
    %sub3A_188 = arith.subf %sub3A_187, %broadcast_in_dim3A_88 : vector<512x1xf32>
    %mul3A_189 = arith.mulf %sub3A_188, %div3A_163 : vector<512x1xf32>
    %div3A_190 = arith.divf %mul3A_189, %max3A_177 : vector<512x1xf32>
    %mul3A_191 = arith.mulf %div3A_145, %div3A_145 : vector<512x1xf32>
    %mul3A_192 = arith.mulf %mul3A_191, %broadcast_in_dim3A_88 : vector<512x1xf32>
    %mul3A_193 = arith.mulf %div3A_150, %div3A_150 : vector<512x1xf32>
    %mul3A_194 = arith.mulf %mul3A_193, %broadcast_in_dim3A_92 : vector<512x1xf32>
    %add3A_195 = arith.addf %mul3A_192, %mul3A_194 : vector<512x1xf32>
    %mul3A_196 = arith.constant 2.000000e+00 : f32
    %mul3A_197 = vector.broadcast %mul3A_196 : f32 to vector<512x1xf32>
    %mul3A_198 = arith.mulf %mul3A_197, %div3A_145 : vector<512x1xf32>
    %mul3A_199 = arith.mulf %mul3A_198, %div3A_150 : vector<512x1xf32>
    %mul3A_200 = arith.mulf %mul3A_199, %broadcast_in_dim3A_100 : vector<512x1xf32>
    %add3A_201 = arith.addf %add3A_195, %mul3A_200 : vector<512x1xf32>
    %mul3A_202 = arith.mulf %div3A_185, %div3A_185 : vector<512x1xf32>
    %mul3A_203 = arith.mulf %mul3A_202, %broadcast_in_dim3A_88 : vector<512x1xf32>
    %mul3A_204 = arith.mulf %div3A_190, %div3A_190 : vector<512x1xf32>
    %mul3A_205 = arith.mulf %mul3A_204, %broadcast_in_dim3A_96 : vector<512x1xf32>
    %add3A_206 = arith.addf %mul3A_203, %mul3A_205 : vector<512x1xf32>
    %mul3A_207 = arith.constant 2.000000e+00 : f32
    %mul3A_208 = vector.broadcast %mul3A_207 : f32 to vector<512x1xf32>
    %mul3A_209 = arith.mulf %mul3A_208, %div3A_185 : vector<512x1xf32>
    %mul3A_210 = arith.mulf %mul3A_209, %div3A_190 : vector<512x1xf32>
    %mul3A_211 = arith.mulf %mul3A_210, %broadcast_in_dim3A_104 : vector<512x1xf32>
    %add3A_212 = arith.addf %add3A_206, %mul3A_211 : vector<512x1xf32>
    %mul3A_213 = arith.mulf %div3A_145, %div3A_185 : vector<512x1xf32>
    %mul3A_214 = arith.mulf %mul3A_213, %broadcast_in_dim3A_88 : vector<512x1xf32>
    %mul3A_215 = arith.mulf %div3A_145, %div3A_190 : vector<512x1xf32>
    %mul3A_216 = arith.mulf %mul3A_215, %broadcast_in_dim3A_104 : vector<512x1xf32>
    %add3A_217 = arith.addf %mul3A_214, %mul3A_216 : vector<512x1xf32>
    %mul3A_218 = arith.mulf %div3A_150, %div3A_185 : vector<512x1xf32>
    %mul3A_219 = arith.mulf %mul3A_218, %broadcast_in_dim3A_100 : vector<512x1xf32>
    %add3A_220 = arith.addf %add3A_217, %mul3A_219 : vector<512x1xf32>
    %mul3A_221 = arith.mulf %div3A_150, %div3A_190 : vector<512x1xf32>
    %mul3A_222 = arith.mulf %mul3A_221, %broadcast_in_dim3A_108 : vector<512x1xf32>
    %add3A_223 = arith.addf %add3A_220, %mul3A_222 : vector<512x1xf32>
    %mul3A_224 = arith.constant 2.000000e+00 : f32
    %mul3A_225 = vector.broadcast %mul3A_224 : f32 to vector<512x1xf32>
    %mul3A_226 = arith.mulf %mul3A_225, %add3A_223 : vector<512x1xf32>
    %add3A_227 = arith.constant 1.000000e+00 : f32
    %add3A_228 = vector.broadcast %add3A_227 : f32 to vector<512x1xf32>
    %add3A_229 = arith.addf %add3A_228, %mul3A_226 : vector<512x1xf32>
    %mul3A_230 = arith.mulf %add3A_201, %add3A_212 : vector<512x1xf32>
    %add3A_231 = arith.addf %add3A_229, %mul3A_230 : vector<512x1xf32>
    %jit3A_232 = arith.constant 1.000000e-15 : f32
    %max3A_233 = vector.broadcast %jit3A_232 : f32 to vector<512x1xf32>
    %max3A_234 = arith.maximumf %max3A_233, %add3A_231 : vector<512x1xf32>
    %mul3A_235 = arith.constant 2.000000e+00 : f32
    %mul3A_236 = vector.broadcast %mul3A_235 : f32 to vector<512x1xf32>
    %mul3A_237 = arith.mulf %mul3A_236, %add3A_223 : vector<512x1xf32>
    %add3A_238 = arith.constant 1.000000e+00 : f32
    %add3A_239 = vector.broadcast %add3A_238 : f32 to vector<512x1xf32>
    %add3A_240 = arith.addf %add3A_239, %mul3A_237 : vector<512x1xf32>
    %add3A_241 = arith.addf %add3A_240, %add3A_212 : vector<512x1xf32>
    %div3A_242 = arith.divf %add3A_241, %max3A_234 : vector<512x1xf32>
    %sub3A_243 = arith.constant 1.000000e+00 : f32
    %sub3A_244 = vector.broadcast %sub3A_243 : f32 to vector<512x1xf32>
    %sub3A_245 = arith.subf %sub3A_244, %add3A_201 : vector<512x1xf32>
    %div3A_246 = arith.divf %sub3A_245, %max3A_234 : vector<512x1xf32>
    %mul3A_247 = arith.mulf %div3A_242, %div3A_145 : vector<512x1xf32>
    %mul3A_248 = arith.mulf %div3A_246, %div3A_185 : vector<512x1xf32>
    %add3A_249 = arith.addf %mul3A_247, %mul3A_248 : vector<512x1xf32>
    %mul3A_250 = arith.mulf %div3A_242, %div3A_150 : vector<512x1xf32>
    %mul3A_251 = arith.mulf %div3A_246, %div3A_190 : vector<512x1xf32>
    %mul3A_252 = arith.mulf %add3A_249, %add3A_249 : vector<512x1xf32>
    %mul3A_253 = arith.mulf %mul3A_252, %broadcast_in_dim3A_88 : vector<512x1xf32>
    %mul3A_254 = arith.mulf %mul3A_250, %mul3A_250 : vector<512x1xf32>
    %mul3A_255 = arith.mulf %mul3A_254, %broadcast_in_dim3A_92 : vector<512x1xf32>
    %add3A_256 = arith.addf %mul3A_253, %mul3A_255 : vector<512x1xf32>
    %mul3A_257 = arith.mulf %mul3A_251, %mul3A_251 : vector<512x1xf32>
    %mul3A_258 = arith.mulf %mul3A_257, %broadcast_in_dim3A_96 : vector<512x1xf32>
    %add3A_259 = arith.addf %add3A_256, %mul3A_258 : vector<512x1xf32>
    %mul3A_260 = arith.mulf %add3A_249, %mul3A_250 : vector<512x1xf32>
    %mul3A_261 = arith.mulf %mul3A_260, %broadcast_in_dim3A_100 : vector<512x1xf32>
    %mul3A_262 = arith.mulf %add3A_249, %mul3A_251 : vector<512x1xf32>
    %mul3A_263 = arith.mulf %mul3A_262, %broadcast_in_dim3A_104 : vector<512x1xf32>
    %add3A_264 = arith.addf %mul3A_261, %mul3A_263 : vector<512x1xf32>
    %mul3A_265 = arith.mulf %mul3A_250, %mul3A_251 : vector<512x1xf32>
    %mul3A_266 = arith.mulf %mul3A_265, %broadcast_in_dim3A_108 : vector<512x1xf32>
    %add3A_267 = arith.addf %add3A_264, %mul3A_266 : vector<512x1xf32>
    %mul3A_268 = arith.constant 2.000000e+00 : f32
    %mul3A_269 = vector.broadcast %mul3A_268 : f32 to vector<512x1xf32>
    %mul3A_270 = arith.mulf %mul3A_269, %add3A_267 : vector<512x1xf32>
    %add3A_271 = arith.addf %add3A_259, %mul3A_270 : vector<512x1xf32>
    %jit3A_272 = arith.constant 1.000000e-15 : f32
    %max3A_273 = vector.broadcast %jit3A_272 : f32 to vector<512x1xf32>
    %max3A_274 = arith.maximumf %max3A_273, %add3A_271 : vector<512x1xf32>
    %sqrt3A_275 = math.sqrt %max3A_274 : vector<512x1xf32>
    %gt3A = arith.constant 0.999989986 : f32
    %gt3A_276 = vector.broadcast %gt3A : f32 to vector<512x1xf32>
    %gt3A_277 = arith.cmpf ogt, %sqrt3A_275, %gt3A_276 : vector<512x1xf32>
    %div3A_278 = arith.constant 0.999989986 : f32
    %div3A_279 = vector.broadcast %div3A_278 : f32 to vector<512x1xf32>
    %div3A_280 = arith.divf %div3A_279, %sqrt3A_275 : vector<512x1xf32>
    %jit3A_281 = arith.constant 1.000000e+00 : f32
    %broadcast_in_dim3A_282 = vector.broadcast %jit3A_281 : f32 to vector<512x1xf32>
    %select_n3A_283 = arith.select %gt3A_277, %div3A_280, %broadcast_in_dim3A_282 : vector<512x1xi1>, vector<512x1xf32>
    %mul3A_284 = arith.mulf %add3A_249, %broadcast_in_dim3A_88 : vector<512x1xf32>
    %mul3A_285 = arith.mulf %mul3A_250, %broadcast_in_dim3A_100 : vector<512x1xf32>
    %add3A_286 = arith.addf %mul3A_284, %mul3A_285 : vector<512x1xf32>
    %mul3A_287 = arith.mulf %mul3A_251, %broadcast_in_dim3A_104 : vector<512x1xf32>
    %add3A_288 = arith.addf %add3A_286, %mul3A_287 : vector<512x1xf32>
    %mul3A_289 = arith.mulf %select_n3A_283, %select_n3A_283 : vector<512x1xf32>
    %mul3A_290 = arith.mulf %mul3A_289, %add3A_271 : vector<512x1xf32>
    %neg3A = arith.constant 0.000000e+00 : f32
    %neg3A_291 = vector.broadcast %neg3A : f32 to vector<512x1xf32>
    %neg3A_292 = arith.subf %neg3A_291, %select_n3A_283 : vector<512x1xf32>
    %mul3A_293 = arith.mulf %neg3A_292, %add3A_288 : vector<512x1xf32>
    %mul3A_294 = arith.constant 2.000000e+00 : f32
    %mul3A_295 = vector.broadcast %mul3A_294 : f32 to vector<512x1xf32>
    %mul3A_296 = arith.mulf %mul3A_295, %mul3A_293 : vector<512x1xf32>
    %add3A_297 = arith.constant 1.000000e+00 : f32
    %add3A_298 = vector.broadcast %add3A_297 : f32 to vector<512x1xf32>
    %add3A_299 = arith.addf %add3A_298, %mul3A_296 : vector<512x1xf32>
    %mul3A_300 = arith.mulf %broadcast_in_dim3A_88, %mul3A_290 : vector<512x1xf32>
    %add3A_301 = arith.addf %add3A_299, %mul3A_300 : vector<512x1xf32>
    %jit3A_302 = arith.constant 1.000000e-15 : f32
    %max3A_303 = vector.broadcast %jit3A_302 : f32 to vector<512x1xf32>
    %max3A_304 = arith.maximumf %max3A_303, %add3A_301 : vector<512x1xf32>
    %mul3A_305 = arith.constant 2.000000e+00 : f32
    %mul3A_306 = vector.broadcast %mul3A_305 : f32 to vector<512x1xf32>
    %mul3A_307 = arith.mulf %mul3A_306, %mul3A_293 : vector<512x1xf32>
    %add3A_308 = arith.constant 1.000000e+00 : f32
    %add3A_309 = vector.broadcast %add3A_308 : f32 to vector<512x1xf32>
    %add3A_310 = arith.addf %add3A_309, %mul3A_307 : vector<512x1xf32>
    %add3A_311 = arith.addf %add3A_310, %mul3A_290 : vector<512x1xf32>
    %div3A_312 = arith.divf %add3A_311, %max3A_304 : vector<512x1xf32>
    %sub3A_313 = arith.constant 1.000000e+00 : f32
    %sub3A_314 = vector.broadcast %sub3A_313 : f32 to vector<512x1xf32>
    %sub3A_315 = arith.subf %sub3A_314, %broadcast_in_dim3A_88 : vector<512x1xf32>
    %mul3A_316 = arith.mulf %sub3A_315, %select_n3A_283 : vector<512x1xf32>
    %div3A_317 = arith.divf %mul3A_316, %max3A_304 : vector<512x1xf32>
    %mul3A_318 = arith.mulf %div3A_317, %add3A_249 : vector<512x1xf32>
    %sub3A_319 = arith.subf %mul3A_318, %div3A_312 : vector<512x1xf32>
    %mul3A_320 = arith.mulf %div3A_317, %mul3A_250 : vector<512x1xf32>
    %mul3A_321 = arith.mulf %div3A_317, %mul3A_251 : vector<512x1xf32>
    %mul3A_322 = vector.broadcast %sub3A_319 : vector<512x1xf32> to vector<512x128xf32>
    %mul3A_323 = arith.mulf %mul3A_322, %get3A_1 : vector<512x128xf32>
    %mul3A_324 = vector.broadcast %mul3A_320 : vector<512x1xf32> to vector<512x128xf32>
    %mul3A_325 = arith.mulf %mul3A_324, %get3A_4 : vector<512x128xf32>
    %add3A_326 = arith.addf %mul3A_323, %mul3A_325 : vector<512x128xf32>
    %mul3A_327 = vector.broadcast %mul3A_321 : vector<512x1xf32> to vector<512x128xf32>
    %mul3A_328 = arith.mulf %mul3A_327, %select_n3A_86 : vector<512x128xf32>
    %add3A_329 = arith.addf %add3A_326, %mul3A_328 : vector<512x128xf32>
    %mul3A_330 = arith.mulf %add3A_329, %add3A_329 : vector<512x128xf32>
    %reduce_sum3A_331 = arith.constant dense<0.000000e+00> : vector<512xf32>
    %reduce_sum3A_332 = vector.multi_reduction <add>, %mul3A_330, %reduce_sum3A_331 [1] : vector<512x128xf32> to vector<512xf32>
    %broadcast_in_dim3A_333 = vector.shape_cast %reduce_sum3A_332 : vector<512xf32> to vector<512x1xf32>
    %jit3A_334 = arith.constant 1.000000e-15 : f32
    %max3A_335 = vector.broadcast %jit3A_334 : f32 to vector<512x1xf32>
    %max3A_336 = arith.maximumf %max3A_335, %broadcast_in_dim3A_333 : vector<512x1xf32>
    %sqrt3A_337 = math.sqrt %max3A_336 : vector<512x1xf32>
    %jit3A_338 = arith.constant 1.000000e-07 : f32
    %max3A_339 = vector.broadcast %jit3A_338 : f32 to vector<512x1xf32>
    %max3A_340 = arith.maximumf %max3A_339, %sqrt3A_337 : vector<512x1xf32>
    %jit3A_341 = arith.constant -0.99999988 : f32
    %jit3A_342 = arith.constant 0.99999988 : f32
    %max3A_343 = vector.broadcast %jit3A_341 : f32 to vector<512x1xf32>
    %max3A_344 = arith.maximumf %max3A_343, %max3A_340 : vector<512x1xf32>
    %min3A = vector.broadcast %jit3A_342 : f32 to vector<512x1xf32>
    %min3A_345 = arith.minimumf %min3A, %max3A_344 : vector<512x1xf32>
    %add3A_346 = arith.constant 1.000000e+00 : f32
    %add3A_347 = vector.broadcast %add3A_346 : f32 to vector<512x1xf32>
    %add3A_348 = arith.addf %add3A_347, %min3A_345 : vector<512x1xf32>
    %sub3A_349 = arith.constant 1.000000e+00 : f32
    %sub3A_350 = vector.broadcast %sub3A_349 : f32 to vector<512x1xf32>
    %sub3A_351 = arith.subf %sub3A_350, %min3A_345 : vector<512x1xf32>
    %div3A_352 = arith.divf %add3A_348, %sub3A_351 : vector<512x1xf32>
    %log3A = math.log %div3A_352 : vector<512x1xf32>
    %mul3A_353 = arith.constant 5.000000e-01 : f32
    %mul3A_354 = vector.broadcast %mul3A_353 : f32 to vector<512x1xf32>
    %mul3A_355 = arith.mulf %mul3A_354, %log3A : vector<512x1xf32>
    %div3A_356 = arith.constant 2.000000e+00 : f32
    %div3A_357 = vector.broadcast %div3A_356 : f32 to vector<512x1xf32>
    %div3A_358 = arith.divf %div3A_357, %div3A_113 : vector<512x1xf32>
    %mul3A_359 = arith.mulf %div3A_358, %mul3A_355 : vector<512x1xf32>
    %div3A_360 = arith.divf %mul3A_359, %max3A_340 : vector<512x1xf32>
    %mul3A_361 = vector.broadcast %div3A_360 : vector<512x1xf32> to vector<512x128xf32>
    %mul3A_362 = arith.mulf %mul3A_361, %add3A_329 : vector<512x128xf32>
    %swap3A = arith.constant 0 : index
    %swap3A_363 = arith.constant 0 : index
    %swap3A_364 = vector.load %arg5[%swap3A, %swap3A_363] : memref<512x128xf32, #tpu.memory_space<vmem>>, vector<512x128xf32>
    tpu.vector_store %arg5[%swap3A, %swap3A_363], %mul3A_362 {strides = array<i32>} : memref<512x128xf32, #tpu.memory_space<vmem>>, vector<512x128xf32>,
    return
  }
  func.func @transform_0(%arg0: i32) -> (i32, i32) {
    %c0_i32 = arith.constant 0 : i32
    %c0_i32_0 = arith.constant 0 : i32
    return %arg0, %c0_i32 : i32, i32
  }
  func.func @transform_1(%arg0: i32) -> (i32, i32) {
    %add3A = arith.constant 640 : i32
    %add3A_0 = arith.addi %arg0, %add3A : i32
    %c0_i32 = arith.constant 0 : i32
    %c0_i32_1 = arith.constant 0 : i32
    return %add3A_0, %c0_i32 : i32, i32
  }
  func.func @transform_2(%arg0: i32) -> (i32, i32) {
    %c0_i32 = arith.constant 0 : i32
    %c0_i32_0 = arith.constant 0 : i32
    return %arg0, %c0_i32 : i32, i32
  }
  func.func @transform_3(%arg0: i32) -> (i32, i32) {
    %c0_i32 = arith.constant 0 : i32
    %c0_i32_0 = arith.constant 0 : i32
    %c0_i32_1 = arith.constant 0 : i32
    return %c0_i32, %c0_i32_0 : i32, i32
  }
  func.func @transform_4(%arg0: i32) -> (i32, i32) {
    %c0_i32 = arith.constant 0 : i32
    %c0_i32_0 = arith.constant 0 : i32
    return %arg0, %c0_i32 : i32, i32
  }
}

module attributes {stable_mosaic.version = 14 : i64} {
  func.func @_t2_body(%arg0: memref<20480x128xf32, #tpu.memory_space<vmem>>, %arg1: memref<32x10240xf32, #tpu.memory_space<vmem>>, %arg2: memref<10240x128xf32, #tpu.memory_space<vmem>>) attributes {dimension_semantics = [], scalar_prefetch = 0 : i64, scratch_operands = 0 : i64, tpu.core_type = #tpu.core_type<tc>} {
    %get3A = arith.constant 0 : index
    %get3A_0 = arith.constant 0 : index
    %get3A_1 = vector.load %arg0[%get3A, %get3A_0] : memref<20480x128xf32, #tpu.memory_space<vmem>>, vector<10240x128xf32>
    %get3A_2 = arith.constant 10240 : index
    %get3A_3 = arith.constant 0 : index
    %get3A_4 = vector.load %arg0[%get3A_2, %get3A_3] : memref<20480x128xf32, #tpu.memory_space<vmem>>, vector<10240x128xf32>
    %add3A = arith.addf %get3A_1, %get3A_4 : vector<10240x128xf32>
    %get3A_5 = arith.constant 0 : index
    %get3A_6 = arith.constant 0 : index
    %get3A_7 = vector.load %arg1[%get3A_5, %get3A_6] : memref<32x10240xf32, #tpu.memory_space<vmem>>, vector<32x10240xf32>
    %broadcast_in_dim3A = arith.constant 1.000000e+00 : f32
    %broadcast_in_dim3A_8 = vector.broadcast %broadcast_in_dim3A : f32 to vector<32x1xf32>
    %dot_general3A = arith.constant dense<0.000000e+00> : vector<10240x1xf32>
    %dot_general3A_9 = tpu.matmul %get3A_7, %broadcast_in_dim3A_8, %dot_general3A {dimension_numbers = #tpu.dot_dimension_numbers<[0], [0], [1], [1], [0, 1, 1, 1], [], []>, transpose_lhs_hint = false} : vector<32x10240xf32>, vector<32x1xf32>, vector<10240x1xf32> -> vector<10240x1xf32>
    %max3A = arith.constant 1.000000e+00 : f32
    %max3A_10 = vector.broadcast %max3A : f32 to vector<10240x1xf32>
    %max3A_11 = arith.maximumf %dot_general3A_9, %max3A_10 : vector<10240x1xf32>
    %div3A = vector.broadcast %max3A_11 : vector<10240x1xf32> to vector<10240x128xf32>
    %div3A_12 = arith.divf %add3A, %div3A : vector<10240x128xf32>
    %swap3A = arith.constant 0 : index
    %swap3A_13 = arith.constant 0 : index
    %swap3A_14 = vector.load %arg2[%swap3A, %swap3A_13] : memref<10240x128xf32, #tpu.memory_space<vmem>>, vector<10240x128xf32>
    tpu.vector_store %arg2[%swap3A, %swap3A_13], %div3A_12 {strides = array<i32>} : memref<10240x128xf32, #tpu.memory_space<vmem>>, vector<10240x128xf32>,
    return
  }
}

module attributes {stable_mosaic.version = 14 : i64} {
  func.func @_t3i_body(%arg0: memref<8192x128xf32, #tpu.memory_space<vmem>>, %arg1: memref<32x4096xf32, #tpu.memory_space<vmem>>, %arg2: memref<4000x128xf32, #tpu.memory_space<vmem>>, %arg3: memref<128x128xf32, #tpu.memory_space<vmem>>, %arg4: memref<128x128xf32, #tpu.memory_space<vmem>>, %arg5: memref<4000x128xf32, #tpu.memory_space<vmem>>) attributes {dimension_semantics = [], scalar_prefetch = 0 : i64, scratch_operands = 0 : i64, tpu.core_type = #tpu.core_type<tc>} {
    %get3A = arith.constant 0 : index
    %get3A_0 = arith.constant 0 : index
    %get3A_1 = vector.load %arg2[%get3A, %get3A_0] : memref<4000x128xf32, #tpu.memory_space<vmem>>, vector<4000x128xf32>
    %get3A_2 = arith.constant 0 : index
    %get3A_3 = arith.constant 0 : index
    %get3A_4 = vector.load %arg0[%get3A_2, %get3A_3] : memref<8192x128xf32, #tpu.memory_space<vmem>>, vector<4000x128xf32>
    %get3A_5 = arith.constant 4096 : index
    %get3A_6 = arith.constant 0 : index
    %get3A_7 = vector.load %arg0[%get3A_5, %get3A_6] : memref<8192x128xf32, #tpu.memory_space<vmem>>, vector<4000x128xf32>
    %add3A = arith.addf %get3A_4, %get3A_7 : vector<4000x128xf32>
    %get3A_8 = arith.constant 0 : index
    %get3A_9 = arith.constant 0 : index
    %get3A_10 = vector.load %arg1[%get3A_8, %get3A_9] : memref<32x4096xf32, #tpu.memory_space<vmem>>, vector<32x4096xf32>
    %broadcast_in_dim3A = arith.constant 1.000000e+00 : f32
    %broadcast_in_dim3A_11 = vector.broadcast %broadcast_in_dim3A : f32 to vector<32x1xf32>
    %dot_general3A = arith.constant dense<0.000000e+00> : vector<4096x1xf32>
    %dot_general3A_12 = tpu.matmul %get3A_10, %broadcast_in_dim3A_11, %dot_general3A {dimension_numbers = #tpu.dot_dimension_numbers<[0], [0], [1], [1], [0, 1, 1, 1], [], []>, transpose_lhs_hint = false} : vector<32x4096xf32>, vector<32x1xf32>, vector<4096x1xf32> -> vector<4096x1xf32>
    %slice3A = vector.extract_strided_slice %dot_general3A_12 {offsets = [0, 0], sizes = [4000, 1], strides = [1, 1]} : vector<4096x1xf32> to vector<4000x1xf32>
    %max3A = arith.constant 1.000000e+00 : f32
    %max3A_13 = vector.broadcast %max3A : f32 to vector<4000x1xf32>
    %max3A_14 = arith.maximumf %slice3A, %max3A_13 : vector<4000x1xf32>
    %mul3A = arith.mulf %get3A_1, %get3A_1 : vector<4000x128xf32>
    %reduce_sum3A = arith.constant dense<0.000000e+00> : vector<4000xf32>
    %reduce_sum3A_15 = vector.multi_reduction <add>, %mul3A, %reduce_sum3A [1] : vector<4000x128xf32> to vector<4000xf32>
    %broadcast_in_dim3A_16 = vector.shape_cast %reduce_sum3A_15 : vector<4000xf32> to vector<4000x1xf32>
    %div3A = vector.broadcast %max3A_14 : vector<4000x1xf32> to vector<4000x128xf32>
    %div3A_17 = arith.divf %add3A, %div3A : vector<4000x128xf32>
    %mul3A_18 = vector.broadcast %broadcast_in_dim3A_16 : vector<4000x1xf32> to vector<4000x128xf32>
    %mul3A_19 = arith.mulf %div3A_17, %mul3A_18 : vector<4000x128xf32>
    %get3A_20 = arith.constant 0 : index
    %get3A_21 = arith.constant 0 : index
    %get3A_22 = vector.load %arg3[%get3A_20, %get3A_21] : memref<128x128xf32, #tpu.memory_space<vmem>>, vector<128x128xf32>
    %dot_general3A_23 = arith.constant dense<0.000000e+00> : vector<4000x128xf32>
    %dot_general3A_24 = tpu.matmul %get3A_1, %get3A_22, %dot_general3A_23 {dimension_numbers = #tpu.dot_dimension_numbers<[1], [1], [0], [0], [0, 0, 1, 0], [], []>, transpose_lhs_hint = false} : vector<4000x128xf32>, vector<128x128xf32>, vector<4000x128xf32> -> vector<4000x128xf32>
    %get3A_25 = arith.constant 0 : index
    %get3A_26 = arith.constant 0 : index
    %get3A_27 = vector.load %arg4[%get3A_25, %get3A_26] : memref<128x128xf32, #tpu.memory_space<vmem>>, vector<128x128xf32>
    %dot_general3A_28 = arith.constant dense<0.000000e+00> : vector<4000x128xf32>
    %dot_general3A_29 = tpu.matmul %mul3A_19, %get3A_27, %dot_general3A_28 {dimension_numbers = #tpu.dot_dimension_numbers<[1], [1], [0], [0], [0, 0, 1, 0], [], []>, transpose_lhs_hint = false} : vector<4000x128xf32>, vector<128x128xf32>, vector<4000x128xf32> -> vector<4000x128xf32>
    %add3A_30 = arith.addf %dot_general3A_24, %dot_general3A_29 : vector<4000x128xf32>
    %logistic3A = arith.negf %add3A_30 : vector<4000x128xf32>
    %logistic3A_31 = math.exp %logistic3A : vector<4000x128xf32>
    %logistic3A_32 = arith.constant 1.000000e+00 : f32
    %logistic3A_33 = vector.broadcast %logistic3A_32 : f32 to vector<4000x128xf32>
    %logistic3A_34 = arith.addf %logistic3A_33, %logistic3A_31 : vector<4000x128xf32>
    %logistic3A_35 = arith.divf %logistic3A_33, %logistic3A_34 : vector<4000x128xf32>
    %mul3A_36 = arith.mulf %logistic3A_35, %get3A_1 : vector<4000x128xf32>
    %sub3A = arith.constant 1.000000e+00 : f32
    %sub3A_37 = vector.broadcast %sub3A : f32 to vector<4000x128xf32>
    %sub3A_38 = arith.subf %sub3A_37, %logistic3A_35 : vector<4000x128xf32>
    %mul3A_39 = arith.mulf %sub3A_38, %mul3A_19 : vector<4000x128xf32>
    %add3A_40 = arith.addf %mul3A_36, %mul3A_39 : vector<4000x128xf32>
    %swap3A = arith.constant 0 : index
    %swap3A_41 = arith.constant 0 : index
    %swap3A_42 = vector.load %arg5[%swap3A, %swap3A_41] : memref<4000x128xf32, #tpu.memory_space<vmem>>, vector<4000x128xf32>
    tpu.vector_store %arg5[%swap3A, %swap3A_41], %add3A_40 {strides = array<i32>} : memref<4000x128xf32, #tpu.memory_space<vmem>>, vector<4000x128xf32>,
    return
  }
}

module attributes {stable_mosaic.version = 14 : i64} {
  func.func @_t3u_body(%arg0: memref<12288x128xf32, #tpu.memory_space<vmem>>, %arg1: memref<32x6144xf32, #tpu.memory_space<vmem>>, %arg2: memref<6000x128xf32, #tpu.memory_space<vmem>>) attributes {dimension_semantics = [], scalar_prefetch = 0 : i64, scratch_operands = 0 : i64, tpu.core_type = #tpu.core_type<tc>} {
    %get3A = arith.constant 0 : index
    %get3A_0 = arith.constant 0 : index
    %get3A_1 = vector.load %arg0[%get3A, %get3A_0] : memref<12288x128xf32, #tpu.memory_space<vmem>>, vector<6000x128xf32>
    %get3A_2 = arith.constant 6144 : index
    %get3A_3 = arith.constant 0 : index
    %get3A_4 = vector.load %arg0[%get3A_2, %get3A_3] : memref<12288x128xf32, #tpu.memory_space<vmem>>, vector<6000x128xf32>
    %add3A = arith.addf %get3A_1, %get3A_4 : vector<6000x128xf32>
    %get3A_5 = arith.constant 0 : index
    %get3A_6 = arith.constant 0 : index
    %get3A_7 = vector.load %arg1[%get3A_5, %get3A_6] : memref<32x6144xf32, #tpu.memory_space<vmem>>, vector<32x6144xf32>
    %broadcast_in_dim3A = arith.constant 1.000000e+00 : f32
    %broadcast_in_dim3A_8 = vector.broadcast %broadcast_in_dim3A : f32 to vector<32x1xf32>
    %dot_general3A = arith.constant dense<0.000000e+00> : vector<6144x1xf32>
    %dot_general3A_9 = tpu.matmul %get3A_7, %broadcast_in_dim3A_8, %dot_general3A {dimension_numbers = #tpu.dot_dimension_numbers<[0], [0], [1], [1], [0, 1, 1, 1], [], []>, transpose_lhs_hint = false} : vector<32x6144xf32>, vector<32x1xf32>, vector<6144x1xf32> -> vector<6144x1xf32>
    %slice3A = vector.extract_strided_slice %dot_general3A_9 {offsets = [0, 0], sizes = [6000, 1], strides = [1, 1]} : vector<6144x1xf32> to vector<6000x1xf32>
    %max3A = arith.constant 1.000000e+00 : f32
    %max3A_10 = vector.broadcast %max3A : f32 to vector<6000x1xf32>
    %max3A_11 = arith.maximumf %slice3A, %max3A_10 : vector<6000x1xf32>
    %div3A = vector.broadcast %max3A_11 : vector<6000x1xf32> to vector<6000x128xf32>
    %div3A_12 = arith.divf %add3A, %div3A : vector<6000x128xf32>
    %swap3A = arith.constant 0 : index
    %swap3A_13 = arith.constant 0 : index
    %swap3A_14 = vector.load %arg2[%swap3A, %swap3A_13] : memref<6000x128xf32, #tpu.memory_space<vmem>>, vector<6000x128xf32>
    tpu.vector_store %arg2[%swap3A, %swap3A_13], %div3A_12 {strides = array<i32>} : memref<6000x128xf32, #tpu.memory_space<vmem>>, vector<6000x128xf32>,
    return
  }
}

</mosaic_0001>

<sc_bundles>
// kernel: kernel.12.cloned.1.call-start
scs
__scs_entry_jumppad:
0x0: {  	(pc) =	sbr.rel $0x88, $3  }
0x1: {  	(tag) =	ssettag $0x0;
	lr =	simm.s32 $0x1  }
0x2: {  	[smem:$0x3F98] =	sst lr;
	_ =	strace $0xD0000000  }
0x3: {  	_ = 	snop  }
0x4: {  	_ = 	snop  }
0x5: {  	_ = 	snop  }
0x6: {  	_ = 	snop  }
0x7: {  	_ = 	snop  }
__scs_overlays_trampoline_lowered:
0x8: {  	[smem:$0x3FA7] =	sst s0  }
0x9: {  	[smem:$0x3FA8] =	sst s1  }
0xa: {  	[smem:$0x3FA9] =	sst s2  }
0xb: {  	[smem:$0x3FAA] =	sst s3  }
0xc: {  	[smem:$0x3FAB] =	sst s4  }
0xd: {  	[smem:$0x3FAC] =	sst s5  }
0xe: {  	[smem:$0x3FAD] =	sst s6  }
0xf: {  	[smem:$0x3FAE] =	sst s7  }
0x10: {  	[smem:$0x3FAF] =	sst s8  }
0x11: {  	[smem:$0x3FB0] =	sst s9;
	s0 =	simm.s32 @!p0 $0x0  }
0x12: {  	s1 =	sld [smem:$0x3F96];
	s0 =	simm.s32 @p0 $0x1  }
0x13: {  	[smem:$0x3FB1] =	sst s0;
	s0 =	simm.s32 @!p1 $0x0  }
0x14: {  	s2 =	sld [smem:$0x3F95];
	s0 =	simm.s32 @p1 $0x1  }
0x15: {  	[smem:$0x3FB2] =	sst s0;
	s0 =	simm.s32 @!p2 $0x0  }
0x16: {  	s3 =	sld [smem:$0x3FDB];
	s0 =	simm.s32 @p2 $0x1  }
0x17: {  	s4 =	simm.s32 $0x1BF5;
	[smem:$0x3FB4] =	sst s0  }
0x18: {  	s0 =	sld [smem:$0x3F97];
	_ =	swait.ge [sflag:s4], $0x0  }
0x19: {  	s7 =	sld [smem:$0x3F98]  }
0x1a: {  	s8 =	sadd.s32 $0xFFFFE003, lr  }
0x1b: {  	s9 =	sadd.s32 $0xFFFFFEF7, lr;
	s5 =	simm.s32 $0xFFFFFFFF;
	p2 =	slt.u32 s8, $0xFFFFF086  }
0x1c: {  	p1 =	slt.u32 s9, $0xF7A;
	s5 =	simm.s32 @!p2 $0x0  }
0x1d: {  	s5 =	simm.s32 @p1 $0x1;
	p0 =	seq.s32 s7, s2  }
0x1e: {  	s7 =	smul.u32 @!p0 $0xF7A, s2;
	p2 =	seq.s32 @!p0 s5, $0x0  }
0x1f: {  	s9 =	smul.u32 $0xF7A, s1;
	s8 =	simm.s32 @!p0 $0x1BF5;
	p2 =	por !p2, p0  }
0x20: {  	[sflag:s8] =	ssyncset.s32 @!p0 $0xFFFFF086;
	s6 =	sadd.s32 @!p0 s3, s7;
	s7 =	simm.s32 @!p0 $0x108  }
0x21: {  	s3 =	sadd.s32 s3, s9;
	s6 =	sadd.s32 @!p0 $0x88, s6;
	s7 =	simm.s32 @p2 $0x1082  }
0x22: {  	[simem:s7], [sflag:s8] =	dma.local @!p0 [hbm:s6], $0xF7A  }
0x23: {  	s9 =	sor.u32 $0xD0000000, s2;
	s6 =	simm.s32 $0x108;
	_ =	swait.ge @!p0 [sflag:s8], $0x0  }
0x24: {  	s3 =	sadd.s32 $0x88, s3;
	s6 =	simm.s32 @!p1 $0x1082;
	[sflag:s4] =	ssyncset.s32 $0xFFFFF086  }
0x25: {  	[simem:s6], [sflag:s4] =	dma.local [hbm:s3], $0xF7A  }
0x26: {  	[smem:$0x3F98] =	sst s1;
	(tag) =	ssettag s2;
	_ =	strace s9  }
0x27: {  	s1 =	sld [smem:$0x3FA8]  }
0x28: {  	s2 =	sld [smem:$0x3FA9]  }
0x29: {  	s4 =	sld [smem:$0x3FAB]  }
0x2a: {  	p0 =	seq.s32 s5, $0x0;
	s5 =	sld [smem:$0x3FAC]  }
0x2b: {  	s6 =	sld [smem:$0x3FAD]  }
0x2c: {  	s7 =	sld [smem:$0x3FAE]  }
0x2d: {  	s3 =	simm.s32 $0x108;
	s8 =	sld [smem:$0x3FAF]  }
0x2e: {  	s3 =	simm.s32 @!p0 $0x1082;
	s9 =	sld [smem:$0x3FB0]  }
0x2f: {  	lr =	sadd.s32 s0, s3;
	s0 =	sld [smem:$0x3FA7]  }
0x30: {  	s3 =	sld [smem:$0x3FAA]  }
0x31: {  	[smem:$0x3FB3] =	sst s10  }
0x32: {  	s10 =	sld [smem:$0x3FB1];
	_ =	sdelay $0x3  }
0x33: {  	p0 =	seq.s32 s10, $0x1;
	s10 =	sld [smem:$0x3FB3];
	_ =	sdelay $0x3  }
0x34: {  	[smem:$0x3FB3] =	sst s10  }
0x35: {  	s10 =	sld [smem:$0x3FB2];
	_ =	sdelay $0x3  }
0x36: {  	p1 =	seq.s32 s10, $0x1;
	s10 =	sld [smem:$0x3FB3];
	_ =	sdelay $0x3  }
0x37: {  	[smem:$0x3FB3] =	sst s10  }
0x38: {  	s10 =	sld [smem:$0x3FB4]  }
0x39: {  	_ = 	snop;
	(pc) =	sbr.ind lr, $3  }
0x3a: {  	_ = 	snop  }
0x3b: {  	_ = 	snop  }
0x3c: {  	p2 =	seq.s32 s10, $0x1;
	s10 =	sld [smem:$0x3FB3]  }
0x3d: {  	_ =	shalt  }
0x3e: {  	_ =	shalt  }
0x3f: {  	_ =	shalt  }
0x40: {  	_ =	shalt  }
0x41: {  	_ =	shalt  }
0x42: {  	_ =	shalt  }
0x43: {  	_ =	shalt  }
0x44: {  	_ =	shalt  }
0x45: {  	_ =	shalt  }
0x46: {  	_ =	shalt  }
0x47: {  	_ =	shalt  }
0x48: {  	_ =	shalt  }
0x49: {  	_ =	shalt  }
0x4a: {  	_ =	shalt  }
0x4b: {  	_ =	shalt  }
0x4c: {  	_ =	shalt  }
0x4d: {  	_ =	shalt  }
0x4e: {  	_ =	shalt  }
0x4f: {  	_ =	shalt  }
0x50: {  	_ =	shalt  }
0x51: {  	_ =	shalt  }
0x52: {  	_ =	shalt  }
0x53: {  	_ =	shalt  }
0x54: {  	_ =	shalt  }
0x55: {  	_ =	shalt  }
0x56: {  	_ =	shalt  }
0x57: {  	_ =	shalt  }
0x58: {  	_ =	shalt  }
0x59: {  	_ =	shalt  }
0x5a: {  	_ =	shalt  }
0x5b: {  	_ =	shalt  }
0x5c: {  	_ =	shalt  }
0x5d: {  	_ =	shalt  }
0x5e: {  	_ =	shalt  }
0x5f: {  	_ =	shalt  }
0x60: {  	_ =	shalt  }
0x61: {  	_ =	shalt  }
0x62: {  	_ =	shalt  }
0x63: {  	_ =	shalt  }
0x64: {  	_ =	shalt  }
0x65: {  	_ =	shalt  }
0x66: {  	_ =	shalt  }
0x67: {  	_ =	shalt  }
0x68: {  	_ =	shalt  }
0x69: {  	_ =	shalt  }
0x6a: {  	_ =	shalt  }
0x6b: {  	_ =	shalt  }
0x6c: {  	_ =	shalt  }
0x6d: {  	_ =	shalt  }
0x6e: {  	_ =	shalt  }
0x6f: {  	_ =	shalt  }
0x70: {  	_ =	shalt  }
0x71: {  	_ =	shalt  }
0x72: {  	_ =	shalt  }
0x73: {  	_ =	shalt  }
0x74: {  	_ =	shalt  }
0x75: {  	_ =	shalt  }
0x76: {  	_ =	shalt  }
0x77: {  	_ =	shalt  }
0x78: {  	_ =	shalt  }
0x79: {  	_ =	shalt  }
0x7a: {  	_ =	shalt  }
0x7b: {  	_ =	shalt  }
0x7c: {  	_ =	shalt  }
0x7d: {  	_ =	shalt  }
0x7e: {  	_ =	shalt  }
0x7f: {  	_ =	shalt  }
0x80: {  	_ =	shalt  }
0x81: {  	_ =	shalt  }
0x82: {  	_ =	shalt  }
0x83: {  	_ =	shalt  }
0x84: {  	_ =	shalt  }
0x85: {  	_ =	shalt  }
0x86: {  	_ =	shalt  }
0x87: {  	_ =	shalt  }
.Lfunc_end0:
.L_simem_size_0:
called_computation_lowered:
.L_overlay_start_0:
0x88: {  	s2 =	sld [smem:$0x3FD9]  }
0x89: {  	s3 =	sld [smem:$0x3FFE];
	_ =	sdelay $0x1  }
0x8a: {  	s1 =	srdreg.scid  }
0x8b: {  	s0 =	sand.u32 $0x1, s1  }
0x8c: {  	s15 =	sshll.u32 s0, $0xA;
	s2 =	sadd.s32 s3, s2  }
0x8d: {  	s2 =	sadd.s32 s2, s15  }
0x8e: {  	[smem:$0x3FBF] =	sst s2  }
0x8f: {  	_ = 	snop  }
0x90: {  	s2 =	sld [smem:$0x3FD0];
	_ =	sdelay $0x2  }
0x91: {  	s16 =	simm.s32 $0xC;
	s4 =	simm.s32 $0x10  }
0x92: {  	[smem:s4], [sflag:s16] =	dma.local [hbm:s2], $0x1  }
0x93: {  	_ =	swait.eq [sflag:s16], $0x1  }
0x94: {  	[sflag:s16] =	ssyncset.done $0x0  }
0x95: {  	[sflag:s16] =	ssyncadd.s32 $0xFFFFFFFF  }
0x96: {  	s17 =	sld [smem:$0x12];
	(tm) =	ssettm $0x1  }
0x97: {  	s18 =	sld [smem:$0x3FFB];
	_ =	sdelay $0x3  }
0x98: {  	_ =	strace s18  }
0x99: {  	s2 =	sld [smem:$0x3FFC];
	_ =	sdelay $0x3  }
0x9a: {  	_ =	strace s2  }
0x9b: {  	s2 =	sld [smem:$0x3FFD];
	_ =	sdelay $0x3  }
0x9c: {  	_ =	strace s2  }
0x9d: {  	_ =	strace $0x8FFFFFFF  }
0x9e: {  	s19 =	sld [smem:$0x3FDB];
	_ =	sdelay $0x1  }
0x9f: {  	s20 =	simm.s32 $_scs_section_size  }
0xa0: {  	s5 =	simm.s32 $_size__tile_overlayer_lowered;
	s6 =	simm.s32 $_tile_overlayer_lowered  }
0xa1: {  	s7 =	simm.s32 $0x1BFF;
	s21 =	sshll.u32 s6, $0x1;
	s4 =	sadd.s32 s20, s19  }
0xa2: {  	s22 =	simm.s32 $0x0;
	s5 =	sshll.u32 s5, $0x1;
	s6 =	sadd.s32 s21, s4  }
0xa3: {  	[timem:s22], [sflag:s7] =	dma.local [hbm:s6], s5  }
0xa4: {  	_ =	swait.ge [sflag:s7], s5  }
0xa5: {  	s5 =	ssub.s32 $0x0, s5;
	[sflag:s7] =	ssyncset.done $0x0  }
0xa6: {  	[sflag:s7] =	ssyncadd.s32 s5;
	_ =	sdelay $0x1  }
0xa7: {  	s23 =	simm.s32 $0x1B8B  }
0xa8: {  	_ =	swait.ge [sflag:s23], $0x1  }
0xa9: {  	[sflag:s23] =	ssyncset.done $0x0  }
0xaa: {  	[sflag:s23] =	ssyncadd.s32 $0xFFFFFFFF  }
0xab: {  	s5 =	sld [smem:$0x0]  }
0xac: {  	s6 =	sand.u32 $0xFFFFFFFE, s1  }
0xad: {  	p0 =	sne.s32 s1, s6  }
0xae: {  	s6 =	sshll.u32 @p0 s6, $0xE  }
0xaf: {  	s6 =	sadd.s32 @p0 $0x11B8D, s6;
	s7 =	sshll.u32 @p0 s5, $0x11  }
0xb0: {  	s6 =	sor.u32 @p0 s7, s6  }
0xb1: {  	[sflag:s6] =	ssyncadd.remote.s32 @p0 $0x1;
	_ =	sdelay $0x1  }
0xb2: {  	s6 =	simm.s32 @p0 $0x1B8D  }
0xb3: {  	_ =	swait.eq @p0 [sflag:s6], $0x1  }
0xb4: {  	[sflag:s6] =	ssyncadd.s32 @p0 $0xFFFFFFFF  }
0xb5: {  	s7 =	sshll.u32 @!p0 s1, $0xE  }
0xb6: {  	s7 =	sor.u32 @!p0 $0x4000, s7;
	s6 =	simm.s32 @!p0 $0x1B8D  }
0xb7: {  	s5 =	sshll.u32 @!p0 s5, $0x11;
	s7 =	sadd.s32 @!p0 $0x11B8D, s7;
	_ =	swait.eq @!p0 [sflag:s6], $0x1  }
0xb8: {  	s5 =	sor.u32 @!p0 s5, s7;
	[sflag:s6] =	ssyncadd.s32 @!p0 $0xFFFFFFFF  }
0xb9: {  	s25 =	simm.s32 $0x1B8E;
	s24 =	sld [smem:$0x3FFE];
	[sflag:s5] =	ssyncadd.remote.s32 @!p0 $0x1  }
0xba: {  	s26 =	simm.s32 $execute0_lowered;
	[smem:$0x3FD2] =	sst s25  }
0xbb: {  	s6 =	sshll.u32 s26, $0x1;
	_ =	strace $0x80000049;
	[dreg:$0x1] =	wrdreg $0xFFFFFFFF  }
0xbc: {  	s28 =	simm.s32 $_size_execute0_lowered;
	s4 =	sadd.s32 s4, s6;
	[dreg:$0x0] =	wrdreg $0x0  }
0xbd: {  	s6 =	sshll.u32 s28, $0x1;
	[dreg:$0x2] =	wrdreg s4  }
0xbe: {  	[dreg:$0x3] =	wrdreg s6  }
0xbf: {  	[dreg:$0x4] =	wrdreg $0xC0  }
0xc0: {  	_ =	task [dreg:s22], $0x5FFFF  }
0xc1: {  	[dreg:$0x1] =	wrdreg $0xFFFFFFFF  }
0xc2: {  	[dreg:$0x0] =	wrdreg $0x60  }
0xc3: {  	[dreg:$0x2] =	wrdreg s17  }
0xc4: {  	[dreg:$0x3] =	wrdreg s24  }
0xc5: {  	[dreg:$0x4] =	wrdreg $0x9  }
0xc6: {  	_ =	task.clear_ibuf [dreg:s22], $0x5FFFF;
	_ =	strace $0x90000049  }
0xc7: {  	s29 =	simm.s32 $0x9;
	_ =	strace $0x8000004B  }
0xc8: {  	_ =	swait.ge [sflag:s29], $0x1  }
0xc9: {  	[sflag:s29] =	ssyncadd.s32 $0xFFFFFFFF  }
0xca: {  	_ =	strace $0x9000004B  }
0xcb: {  	_ =	sfence  }
0xcc: {  	s30 =	sld [smem:$0x0];
	_ =	sdelay $0x2  }
0xcd: {  	s31 =	sshll.u32 s1, $0xD;
	s1 =	sshrl.u32 s1, $0x2  }
0xce: {  	s4 =	sand.u32 $0x4000, s31;
	s1 =	sadd.s32 s1, s30  }
0xcf: {  	s0 =	sor.u32 s4, s0;
	s1 =	sshll.u32 s1, $0x11  }
0xd0: {  	s0 =	sor.u32 s1, s0  }
0xd1: {  	s0 =	sadd.s32 $0x8F2B, s0  }
0xd2: {  	[sflag:s0] =	ssyncadd.remote.s32 $0x1  }
0xd3: {  	_ =	sfence.sel $0xFFFF  }
0xd4: {  	[dreg:$0x0] =	wrdreg $0xFFFFFFFF;
	(pc) =	sbr.abs _section_cstart, $3  }
0xd5: {  	[dreg:$0x1] =	wrdreg $0xFFFFFFFF  }
0xd6: {  	_ =	task.clear_ibuf [dreg:s22], $0x2FFFF;
	_ =	strace $0x9FFFFFFF  }
0xd7: {  	(tm) =	ssettm $0x7FFFFFFF  }
tec
execute0_lowered:
.L_overlay_start_1:
0x0: {  	(tag) =	ssettag $0x1  }
0x1: {  	s6 =	rddreg [dreg:$0x0]  }
0x2: {  	s3 =	rddreg [dreg:$0x1]  }
0x3: {  	s0 =	rddreg [dreg:$0x2]  }
0x4: {  	s2 =	simm.s32 $0x0;
	s1 =	stileid.u32;
	s4 =	srdreg.scid  }
0x5: {  	s14 =	simm.s32 $0x80;
	s15 =	simm.s32 $0x400;
	s5 =	smul.u32 $0x3C0, s1  }
0x6: {  	s16 =	simm.s32 $0x2;
	s21 =	sshrl.u32 s1, $0x2;
	s29 =	smul.u32 $0xA00, s1  }
0x7: {  	s17 =	simm.s32 $0x0;
	s7 =	sand.u32 $0x1, s4;
	s10 =	smul.u32 $0x14000, s21  }
0x8: {  	s8 =	sshll.u32 s1, $0x8;
	[smem:$0x7FF] =	sst s2;
	s22 =	smul.u32 $0xC000, s21  }
0x9: {  	s9 =	sshll.u32 s7, $0x7;
	_ =	strace $0x8000004A;
	s13 =	smul.u32 $0x1E0, s7  }
0xa: {  	s4 =	sshll.u32 s21, $0xF;
	s28 =	ssub.s32 $0x2, s7;
	s7 =	smul.u32 $0x500, s7  }
0xb: {  	s8 =	sor.u32 s9, s8;
	s11 =	sadd.s32 s5, s3;
	s12 =	sshrl.u32 s28, $0x1  }
0xc: {  	s30 =	sadd.s32 s29, s6;
	s23 =	sand.u32 $0x380, s8;
	s12 =	ssub.s32 s28, s12  }
0xd: {  	s31 =	sadd.s32 s13, s11;
	s7 =	sadd.s32 s7, s30;
	s13 =	simm.s32 $0x4000  }
0xe: {  	s8 =	sor.u32 s10, s23;
	s9 =	sor.u32 s22, s23;
	s4 =	sor.u32 s4, s23  }
0xf: {  	s6 =	smax.u32 s12, $0x1;
	s10 =	simm.s32 $0x5000;
	s12 =	simm.s32 $0x2800  }
0x10: {  	s8 =	sshrl.u32 s8, $0x3;
	s9 =	sshrl.u32 s9, $0x3;
	s4 =	sshrl.u32 s4, $0x3  }
0x11: {  	s24 =	sadd.s32 s8, s3;
	s25 =	sadd.s32 s9, s3;
	s8 =	sadd.s32 $0xA5DE00, s31  }
0x12: {  	s26 =	sadd.s32 s4, s3;
	s9 =	sadd.s32 $0xA5A200, s31;
	s3 =	sadd.s32 $0xA61A00, s24  }
0x13: {  	v0 =	vimm.f32 $0.0e+00;
	v1 =	vimm.f32 $1.000000000e+00;
	s11 =	simm.s32 $0x1;
	s4 =	sadd.s32 $0xA6FA00, s25;
	s5 =	sadd.s32 $0xA6BA00, s26  }
.LBB2_1:
0x14: {  	s18 =	simm.s32 $0x40;
	s19 =	simm.s32 $0x0  }
.LBB2_2:
0x15: {  	p0 =	sne.s32 s18, $0x9FC0;
	[tilespmem:s19+$0x0] =	vst v0;
	s19 =	smov.u32 s18;
	s18 =	sadd.s32 $0x40, s18  }
.Ltmp0:
0x16: {  	(pc) =	sbr.rel @p0 .LBB2_2-.Ltmp0, $2  }
0x17: {  	_ =	sdelay $0x2  }
0x18: {  	s19 =	sshra.s32 s19, $0x2  }
0x19: {  	[tilespmem:s19+$0x0] =	vst v0;
	s18 =	simm.s32 $0x40;
	s19 =	simm.s32 $0x0  }
.LBB2_4:
0x1a: {  	p0 =	sne.s32 s18, $0x5FC0;
	[tilespmem:s19+$0x2800] =	vst v0;
	s19 =	smov.u32 s18;
	s18 =	sadd.s32 $0x40, s18  }
.Ltmp1:
0x1b: {  	(pc) =	sbr.rel @p0 .LBB2_4-.Ltmp1, $2  }
0x1c: {  	_ =	sdelay $0x2  }
0x1d: {  	s19 =	sshra.s32 s19, $0x2  }
0x1e: {  	[tilespmem:s19+$0x2800] =	vst v0;
	s18 =	simm.s32 $0x40;
	s19 =	simm.s32 $0x0  }
.LBB2_6:
0x1f: {  	p0 =	sne.s32 s18, $0x3FC0;
	[tilespmem:s19+$0x4000] =	vst v0;
	s19 =	smov.u32 s18;
	s18 =	sadd.s32 $0x40, s18  }
.Ltmp2:
0x20: {  	(pc) =	sbr.rel @p0 .LBB2_6-.Ltmp2, $2  }
0x21: {  	_ =	sdelay $0x2  }
0x22: {  	s19 =	sshra.s32 s19, $0x2  }
0x23: {  	[tilespmem:s19+$0x4000] =	vst v0;
	s18 =	simm.s32 $0x0;
	s19 =	simm.s32 $0x0  }
.LBB2_8:
0x24: {  	s20 =	sadd.s32 s19, s7  }
0x25: {  	[tilespmem:s10], [sflag:$0x1] =	stream.linear.gather [hbm4b:s20+s18], $0x80, $0x38;
	[tilespmem:$0x5080] =	vst v63  }
0x26: {  	_ =	swait.ge [sflag:s11], $0x80  }
0x27: {  	[sflag:s11] =	ssyncset.done $0x0  }
0x28: {  	[sflag:s11] =	ssyncadd.s32 $0xFFFFFF80  }
0x29: {  	v2 =	vld [tilespmem:$0x5000];
	_ =	sdelay $0x7  }
0x2a: {  	[tilespmem:v2+s18+$0x0] =	vst.idx.add.f32.msk $0xffff, v1  }
0x2b: {  	v2 =	vld [tilespmem:$0x5010];
	_ =	sdelay $0x7  }
0x2c: {  	[tilespmem:v2+s18+$0x0] =	vst.idx.add.f32.msk $0xffff, v1  }
0x2d: {  	v2 =	vld [tilespmem:$0x5020];
	_ =	sdelay $0x7  }
0x2e: {  	[tilespmem:v2+s18+$0x0] =	vst.idx.add.f32.msk $0xffff, v1  }
0x2f: {  	v2 =	vld [tilespmem:$0x5030];
	_ =	sdelay $0x7  }
0x30: {  	[tilespmem:v2+s18+$0x0] =	vst.idx.add.f32.msk $0xffff, v1  }
0x31: {  	v2 =	vld [tilespmem:$0x5040];
	_ =	sdelay $0x7  }
0x32: {  	[tilespmem:v2+s18+$0x0] =	vst.idx.add.f32.msk $0xffff, v1  }
0x33: {  	v2 =	vld [tilespmem:$0x5050];
	_ =	sdelay $0x7  }
0x34: {  	[tilespmem:v2+s18+$0x0] =	vst.idx.add.f32.msk $0xffff, v1  }
0x35: {  	v2 =	vld [tilespmem:$0x5060];
	_ =	sdelay $0x7  }
0x36: {  	[tilespmem:v2+s18+$0x0] =	vst.idx.add.f32.msk $0xffff, v1  }
0x37: {  	v2 =	vld [tilespmem:$0x5070];
	_ =	sdelay $0x2  }
0x38: {  	p0 =	sne.s32 s19, $0x4F0  }
.Ltmp3:
0x39: {  	_ = 	snop;
	(pc) =	sbr.rel @p0 .LBB2_8-.Ltmp3, $2  }
0x3a: {  	_ =	sdelay $0x2  }
0x3b: {  	s19 =	sadd.s32 $0x10, s19;
	[tilespmem:v2+s18+$0x0] =	vst.idx.add.f32.msk $0xffff, v1  }
.LBB2_9:
0x3c: {  	s20 =	sadd.s32 s18, s8;
	s19 =	simm.s32 $0x0  }
0x3d: {  	[tilespmem:s10], [sflag:$0x1] =	stream.linear.gather [hbm4b:s20+s19], $0x80, $0x38;
	[tilespmem:$0x5080] =	vst v63  }
0x3e: {  	_ =	swait.ge [sflag:s11], $0x80  }
0x3f: {  	[sflag:s11] =	ssyncset.done $0x0  }
0x40: {  	[sflag:s11] =	ssyncadd.s32 $0xFFFFFF80  }
0x41: {  	v2 =	vld [tilespmem:$0x5000];
	_ =	sdelay $0x7  }
0x42: {  	[tilespmem:v2+s12+$0x0] =	vst.idx.add.f32.msk $0xffff, v1  }
0x43: {  	v2 =	vld [tilespmem:$0x5010];
	_ =	sdelay $0x7  }
0x44: {  	[tilespmem:v2+s12+$0x0] =	vst.idx.add.f32.msk $0xffff, v1  }
0x45: {  	v2 =	vld [tilespmem:$0x5020];
	_ =	sdelay $0x7  }
0x46: {  	[tilespmem:v2+s12+$0x0] =	vst.idx.add.f32.msk $0xffff, v1  }
0x47: {  	v2 =	vld [tilespmem:$0x5030];
	_ =	sdelay $0x7  }
0x48: {  	[tilespmem:v2+s12+$0x0] =	vst.idx.add.f32.msk $0xffff, v1  }
0x49: {  	v2 =	vld [tilespmem:$0x5040];
	_ =	sdelay $0x7  }
0x4a: {  	[tilespmem:v2+s12+$0x0] =	vst.idx.add.f32.msk $0xffff, v1  }
0x4b: {  	v2 =	vld [tilespmem:$0x5050];
	_ =	sdelay $0x7  }
0x4c: {  	[tilespmem:v2+s12+$0x0] =	vst.idx.add.f32.msk $0xffff, v1  }
0x4d: {  	v2 =	vld [tilespmem:$0x5060];
	_ =	sdelay $0x7  }
0x4e: {  	[tilespmem:v2+s12+$0x0] =	vst.idx.add.f32.msk $0xffff, v1  }
0x4f: {  	v2 =	vld [tilespmem:$0x5070];
	_ =	sdelay $0x2  }
0x50: {  	p0 =	sne.s32 s18, $0x1D0  }
.Ltmp4:
0x51: {  	_ = 	snop;
	(pc) =	sbr.rel @p0 .LBB2_9-.Ltmp4, $2  }
0x52: {  	_ =	sdelay $0x2  }
0x53: {  	s18 =	sadd.s32 $0x10, s18;
	[tilespmem:v2+s12+$0x0] =	vst.idx.add.f32.msk $0xffff, v1  }
.LBB2_10:
0x54: {  	s18 =	sadd.s32 s19, s9  }
0x55: {  	[tilespmem:s10], [sflag:$0x1] =	stream.linear.gather [hbm4b:s18+s2], $0x80, $0x38;
	[tilespmem:$0x5080] =	vst v63  }
0x56: {  	_ =	swait.ge [sflag:s11], $0x80  }
0x57: {  	[sflag:s11] =	ssyncset.done $0x0  }
0x58: {  	[sflag:s11] =	ssyncadd.s32 $0xFFFFFF80  }
0x59: {  	v2 =	vld [tilespmem:$0x5000];
	_ =	sdelay $0x7  }
0x5a: {  	[tilespmem:v2+s13+$0x0] =	vst.idx.add.f32.msk $0xffff, v1  }
0x5b: {  	v2 =	vld [tilespmem:$0x5010];
	_ =	sdelay $0x7  }
0x5c: {  	[tilespmem:v2+s13+$0x0] =	vst.idx.add.f32.msk $0xffff, v1  }
0x5d: {  	v2 =	vld [tilespmem:$0x5020];
	_ =	sdelay $0x7  }
0x5e: {  	[tilespmem:v2+s13+$0x0] =	vst.idx.add.f32.msk $0xffff, v1  }
0x5f: {  	v2 =	vld [tilespmem:$0x5030];
	_ =	sdelay $0x7  }
0x60: {  	[tilespmem:v2+s13+$0x0] =	vst.idx.add.f32.msk $0xffff, v1  }
0x61: {  	v2 =	vld [tilespmem:$0x5040];
	_ =	sdelay $0x7  }
0x62: {  	[tilespmem:v2+s13+$0x0] =	vst.idx.add.f32.msk $0xffff, v1  }
0x63: {  	v2 =	vld [tilespmem:$0x5050];
	_ =	sdelay $0x7  }
0x64: {  	[tilespmem:v2+s13+$0x0] =	vst.idx.add.f32.msk $0xffff, v1  }
0x65: {  	v2 =	vld [tilespmem:$0x5060];
	_ =	sdelay $0x7  }
0x66: {  	[tilespmem:v2+s13+$0x0] =	vst.idx.add.f32.msk $0xffff, v1  }
0x67: {  	v2 =	vld [tilespmem:$0x5070];
	_ =	sdelay $0x2  }
0x68: {  	p0 =	sne.s32 s19, $0x1D0  }
.Ltmp5:
0x69: {  	_ = 	snop;
	(pc) =	sbr.rel @p0 .LBB2_10-.Ltmp5, $2  }
0x6a: {  	_ =	sdelay $0x2  }
0x6b: {  	s19 =	sadd.s32 $0x10, s19;
	[tilespmem:v2+s13+$0x0] =	vst.idx.add.f32.msk $0xffff, v1  }
0x6c: {  	[hbm4b:s3+s14] =	stream.strided.scatter [tilespmem:s2], [sflag:$0x2], $0x2800, s15, s14, $0x38;
	[tilespmem:$0x5080] =	vst v63  }
0x6d: {  	_ =	swait.ge [sflag:s16], $0x2800  }
0x6e: {  	[sflag:s16] =	ssyncset.done $0x0  }
0x6f: {  	[sflag:s16] =	ssyncadd.s32 $0xFFFFD800  }
0x70: {  	[hbm4b:s4+s14] =	stream.strided.scatter [tilespmem:s12], [sflag:$0x2], $0x1800, s15, s14, $0x38;
	[tilespmem:$0x5080] =	vst v63  }
0x71: {  	s17 =	sadd.s32 $0x1, s17;
	_ =	swait.ge [sflag:s16], $0x1800  }
0x72: {  	p0 =	sne.s32 s17, s6;
	[sflag:s16] =	ssyncset.done $0x0  }
.Ltmp6:
0x73: {  	[sflag:s16] =	ssyncadd.s32 $0xFFFFE800;
	(pc) =	sbr.rel @p0 .LBB2_1-.Ltmp6, $4  }
0x74: {  	[hbm4b:s5+s14] =	stream.strided.scatter [tilespmem:s13], [sflag:$0x2], $0x1000, s15, s14, $0x38;
	[tilespmem:$0x5080] =	vst v63  }
0x75: {  	_ =	swait.ge [sflag:s16], $0x1000  }
0x76: {  	[sflag:s16] =	ssyncset.done $0x0  }
0x77: {  	[sflag:s16] =	ssyncadd.s32 $0xFFFFF000  }
0x78: {  	_ =	sfence.sel $0x180000  }
0x79: {  	[bflag:$0x0] =	sbarrier.arrive $0xFFFF  }
0x7a: {  	p0 =	sne.s32 s1, $0x0;
	_ =	strace $0x9000004A  }
0x7b: {  	s0 =	sadd.s32 @!p0 $0x100000, s0;
	[bflag:$0x2] =	sbarrier.arrive $0xFFFF  }
0x7c: {  	[sflag:s0] =	ssyncadd.tile.s32 @!p0 $0x1;
	_ =	shalt  }
.Lfunc_end2:
_tile_overlayer_lowered:
.L_overlay_start_2:
0x7d: {  	(tag) =	ssettag $0x2  }
0x7e: {  	s0 =	rddreg [dreg:$0x0];
	s2 =	stileid.u32  }
0x7f: {  	s1 =	rddreg [dreg:$0x1];
	p0 =	sne.s32 s2, $0x0  }
0x80: {  	s3 =	rddreg [dreg:$0x2];
	[bflag:$0x3] =	sbarrier.arrive $0xFFFF;
	s2 =	simm.s32 @!p0 $0x1C02  }
0x81: {  	[timem:s3], [sflag:s2] =	dma.local @!p0 [hbm:s0], s1  }
0x82: {  	s0 =	simm.s32 @!p0 $0x2  }
0x83: {  	_ =	swait.ge @!p0 [sflag:s0], s1  }
0x84: {  	s1 =	ssub.s32 @!p0 $0x0, s1;
	[sflag:s0] =	ssyncset.done @!p0 $0x0  }
0x85: {  	[sflag:s0] =	ssyncadd.s32 @!p0 s1  }
0x86: {  	[bflag:$0x3] =	sbarrier.arrive $0xFFFF  }
0x87: {  	_ =	shalt  }

// kernel: kernel.15.cloned.1.call-start
scs
__scs_entry_jumppad:
0x0: {  	(pc) =	sbr.rel $0x88, $3  }
0x1: {  	(tag) =	ssettag $0x0;
	lr =	simm.s32 $0x1  }
0x2: {  	[smem:$0x3F98] =	sst lr;
	_ =	strace $0xD0000000  }
0x3: {  	_ = 	snop  }
0x4: {  	_ = 	snop  }
0x5: {  	_ = 	snop  }
0x6: {  	_ = 	snop  }
0x7: {  	_ = 	snop  }
__scs_overlays_trampoline_lowered:
0x8: {  	[smem:$0x3FA7] =	sst s0  }
0x9: {  	[smem:$0x3FA8] =	sst s1  }
0xa: {  	[smem:$0x3FA9] =	sst s2  }
0xb: {  	[smem:$0x3FAA] =	sst s3  }
0xc: {  	[smem:$0x3FAB] =	sst s4  }
0xd: {  	[smem:$0x3FAC] =	sst s5  }
0xe: {  	[smem:$0x3FAD] =	sst s6  }
0xf: {  	[smem:$0x3FAE] =	sst s7  }
0x10: {  	[smem:$0x3FAF] =	sst s8  }
0x11: {  	[smem:$0x3FB0] =	sst s9;
	s0 =	simm.s32 @!p0 $0x0  }
0x12: {  	s1 =	sld [smem:$0x3F96];
	s0 =	simm.s32 @p0 $0x1  }
0x13: {  	[smem:$0x3FB1] =	sst s0;
	s0 =	simm.s32 @!p1 $0x0  }
0x14: {  	s2 =	sld [smem:$0x3F95];
	s0 =	simm.s32 @p1 $0x1  }
0x15: {  	[smem:$0x3FB2] =	sst s0;
	s0 =	simm.s32 @!p2 $0x0  }
0x16: {  	s3 =	sld [smem:$0x3FDB];
	s0 =	simm.s32 @p2 $0x1  }
0x17: {  	s4 =	simm.s32 $0x1BF5;
	[smem:$0x3FB4] =	sst s0  }
0x18: {  	s0 =	sld [smem:$0x3F97];
	_ =	swait.ge [sflag:s4], $0x0  }
0x19: {  	s7 =	sld [smem:$0x3F98]  }
0x1a: {  	s8 =	sadd.s32 $0xFFFFE003, lr  }
0x1b: {  	s9 =	sadd.s32 $0xFFFFFEF7, lr;
	s5 =	simm.s32 $0xFFFFFFFF;
	p2 =	slt.u32 s8, $0xFFFFF086  }
0x1c: {  	p1 =	slt.u32 s9, $0xF7A;
	s5 =	simm.s32 @!p2 $0x0  }
0x1d: {  	s5 =	simm.s32 @p1 $0x1;
	p0 =	seq.s32 s7, s2  }
0x1e: {  	s7 =	smul.u32 @!p0 $0xF7A, s2;
	p2 =	seq.s32 @!p0 s5, $0x0  }
0x1f: {  	s9 =	smul.u32 $0xF7A, s1;
	s8 =	simm.s32 @!p0 $0x1BF5;
	p2 =	por !p2, p0  }
0x20: {  	[sflag:s8] =	ssyncset.s32 @!p0 $0xFFFFF086;
	s6 =	sadd.s32 @!p0 s3, s7;
	s7 =	simm.s32 @!p0 $0x108  }
0x21: {  	s3 =	sadd.s32 s3, s9;
	s6 =	sadd.s32 @!p0 $0x88, s6;
	s7 =	simm.s32 @p2 $0x1082  }
0x22: {  	[simem:s7], [sflag:s8] =	dma.local @!p0 [hbm:s6], $0xF7A  }
0x23: {  	s9 =	sor.u32 $0xD0000000, s2;
	s6 =	simm.s32 $0x108;
	_ =	swait.ge @!p0 [sflag:s8], $0x0  }
0x24: {  	s3 =	sadd.s32 $0x88, s3;
	s6 =	simm.s32 @!p1 $0x1082;
	[sflag:s4] =	ssyncset.s32 $0xFFFFF086  }
0x25: {  	[simem:s6], [sflag:s4] =	dma.local [hbm:s3], $0xF7A  }
0x26: {  	[smem:$0x3F98] =	sst s1;
	(tag) =	ssettag s2;
	_ =	strace s9  }
0x27: {  	s1 =	sld [smem:$0x3FA8]  }
0x28: {  	s2 =	sld [smem:$0x3FA9]  }
0x29: {  	s4 =	sld [smem:$0x3FAB]  }
0x2a: {  	p0 =	seq.s32 s5, $0x0;
	s5 =	sld [smem:$0x3FAC]  }
0x2b: {  	s6 =	sld [smem:$0x3FAD]  }
0x2c: {  	s7 =	sld [smem:$0x3FAE]  }
0x2d: {  	s3 =	simm.s32 $0x108;
	s8 =	sld [smem:$0x3FAF]  }
0x2e: {  	s3 =	simm.s32 @!p0 $0x1082;
	s9 =	sld [smem:$0x3FB0]  }
0x2f: {  	lr =	sadd.s32 s0, s3;
	s0 =	sld [smem:$0x3FA7]  }
0x30: {  	s3 =	sld [smem:$0x3FAA]  }
0x31: {  	[smem:$0x3FB3] =	sst s10  }
0x32: {  	s10 =	sld [smem:$0x3FB1];
	_ =	sdelay $0x3  }
0x33: {  	p0 =	seq.s32 s10, $0x1;
	s10 =	sld [smem:$0x3FB3];
	_ =	sdelay $0x3  }
0x34: {  	[smem:$0x3FB3] =	sst s10  }
0x35: {  	s10 =	sld [smem:$0x3FB2];
	_ =	sdelay $0x3  }
0x36: {  	p1 =	seq.s32 s10, $0x1;
	s10 =	sld [smem:$0x3FB3];
	_ =	sdelay $0x3  }
0x37: {  	[smem:$0x3FB3] =	sst s10  }
0x38: {  	s10 =	sld [smem:$0x3FB4]  }
0x39: {  	_ = 	snop;
	(pc) =	sbr.ind lr, $3  }
0x3a: {  	_ = 	snop  }
0x3b: {  	_ = 	snop  }
0x3c: {  	p2 =	seq.s32 s10, $0x1;
	s10 =	sld [smem:$0x3FB3]  }
0x3d: {  	_ =	shalt  }
0x3e: {  	_ =	shalt  }
0x3f: {  	_ =	shalt  }
0x40: {  	_ =	shalt  }
0x41: {  	_ =	shalt  }
0x42: {  	_ =	shalt  }
0x43: {  	_ =	shalt  }
0x44: {  	_ =	shalt  }
0x45: {  	_ =	shalt  }
0x46: {  	_ =	shalt  }
0x47: {  	_ =	shalt  }
0x48: {  	_ =	shalt  }
0x49: {  	_ =	shalt  }
0x4a: {  	_ =	shalt  }
0x4b: {  	_ =	shalt  }
0x4c: {  	_ =	shalt  }
0x4d: {  	_ =	shalt  }
0x4e: {  	_ =	shalt  }
0x4f: {  	_ =	shalt  }
0x50: {  	_ =	shalt  }
0x51: {  	_ =	shalt  }
0x52: {  	_ =	shalt  }
0x53: {  	_ =	shalt  }
0x54: {  	_ =	shalt  }
0x55: {  	_ =	shalt  }
0x56: {  	_ =	shalt  }
0x57: {  	_ =	shalt  }
0x58: {  	_ =	shalt  }
0x59: {  	_ =	shalt  }
0x5a: {  	_ =	shalt  }
0x5b: {  	_ =	shalt  }
0x5c: {  	_ =	shalt  }
0x5d: {  	_ =	shalt  }
0x5e: {  	_ =	shalt  }
0x5f: {  	_ =	shalt  }
0x60: {  	_ =	shalt  }
0x61: {  	_ =	shalt  }
0x62: {  	_ =	shalt  }
0x63: {  	_ =	shalt  }
0x64: {  	_ =	shalt  }
0x65: {  	_ =	shalt  }
0x66: {  	_ =	shalt  }
0x67: {  	_ =	shalt  }
0x68: {  	_ =	shalt  }
0x69: {  	_ =	shalt  }
0x6a: {  	_ =	shalt  }
0x6b: {  	_ =	shalt  }
0x6c: {  	_ =	shalt  }
0x6d: {  	_ =	shalt  }
0x6e: {  	_ =	shalt  }
0x6f: {  	_ =	shalt  }
0x70: {  	_ =	shalt  }
0x71: {  	_ =	shalt  }
0x72: {  	_ =	shalt  }
0x73: {  	_ =	shalt  }
0x74: {  	_ =	shalt  }
0x75: {  	_ =	shalt  }
0x76: {  	_ =	shalt  }
0x77: {  	_ =	shalt  }
0x78: {  	_ =	shalt  }
0x79: {  	_ =	shalt  }
0x7a: {  	_ =	shalt  }
0x7b: {  	_ =	shalt  }
0x7c: {  	_ =	shalt  }
0x7d: {  	_ =	shalt  }
0x7e: {  	_ =	shalt  }
0x7f: {  	_ =	shalt  }
0x80: {  	_ =	shalt  }
0x81: {  	_ =	shalt  }
0x82: {  	_ =	shalt  }
0x83: {  	_ =	shalt  }
0x84: {  	_ =	shalt  }
0x85: {  	_ =	shalt  }
0x86: {  	_ =	shalt  }
0x87: {  	_ =	shalt  }
.Lfunc_end0:
.L_simem_size_0:
called_computation.1_lowered:
.L_overlay_start_0:
0x88: {  	s2 =	sld [smem:$0x3FD9]  }
0x89: {  	s3 =	sld [smem:$0x3FFE];
	_ =	sdelay $0x1  }
0x8a: {  	s1 =	srdreg.scid  }
0x8b: {  	s0 =	sand.u32 $0x1, s1  }
0x8c: {  	s14 =	sshll.u32 s0, $0xA;
	s2 =	sadd.s32 s3, s2  }
0x8d: {  	s2 =	sadd.s32 s2, s14  }
0x8e: {  	[smem:$0x3FBF] =	sst s2  }
0x8f: {  	_ = 	snop  }
0x90: {  	s2 =	sld [smem:$0x3FD0];
	_ =	sdelay $0x2  }
0x91: {  	s15 =	simm.s32 $0xC;
	s4 =	simm.s32 $0x10  }
0x92: {  	[smem:s4], [sflag:s15] =	dma.local [hbm:s2], $0x1  }
0x93: {  	_ =	swait.eq [sflag:s15], $0x1  }
0x94: {  	[sflag:s15] =	ssyncset.done $0x0  }
0x95: {  	[sflag:s15] =	ssyncadd.s32 $0xFFFFFFFF  }
0x96: {  	s16 =	sld [smem:$0x10];
	(tm) =	ssettm $0x1  }
0x97: {  	s17 =	sld [smem:$0x3FFB];
	_ =	sdelay $0x3  }
0x98: {  	_ =	strace s17  }
0x99: {  	s3 =	sld [smem:$0x3FFC];
	_ =	sdelay $0x3  }
0x9a: {  	_ =	strace s3  }
0x9b: {  	s3 =	sld [smem:$0x3FFD];
	_ =	sdelay $0x3  }
0x9c: {  	_ =	strace s3  }
0x9d: {  	_ =	strace $0x8FFFFFFF  }
0x9e: {  	s18 =	sld [smem:$0x3FDB];
	_ =	sdelay $0x1  }
0x9f: {  	s19 =	simm.s32 $_scs_section_size  }
0xa0: {  	s5 =	simm.s32 $_size__tile_overlayer_lowered;
	s6 =	simm.s32 $_tile_overlayer_lowered  }
0xa1: {  	s22 =	simm.s32 $0x1BFF;
	s21 =	sshll.u32 s6, $0x1;
	s3 =	sadd.s32 s19, s18  }
0xa2: {  	s7 =	simm.s32 $0x0;
	s20 =	sshll.u32 s5, $0x1;
	s5 =	sadd.s32 s21, s3  }
0xa3: {  	[timem:s7], [sflag:s22] =	dma.local [hbm:s5], s20  }
0xa4: {  	_ =	swait.ge [sflag:s22], s20  }
0xa5: {  	s4 =	ssub.s32 $0x0, s20;
	[sflag:s22] =	ssyncset.done $0x0  }
0xa6: {  	[sflag:s22] =	ssyncadd.s32 s4;
	_ =	sdelay $0x1  }
0xa7: {  	s23 =	simm.s32 $0x1B8B  }
0xa8: {  	_ =	swait.ge [sflag:s23], $0x1  }
0xa9: {  	[sflag:s23] =	ssyncset.done $0x0  }
0xaa: {  	s25 =	simm.s32 $0x1B8E;
	s24 =	sld [smem:$0x3FFE];
	[sflag:s23] =	ssyncadd.s32 $0xFFFFFFFF  }
0xab: {  	s26 =	simm.s32 $execute0_lowered;
	[smem:$0x3FD2] =	sst s25  }
0xac: {  	s5 =	sshll.u32 s26, $0x1;
	_ =	strace $0x80000046;
	[dreg:$0x1] =	wrdreg $0xFFFFFFFF  }
0xad: {  	s28 =	simm.s32 $_size_execute0_lowered;
	s3 =	sadd.s32 s3, s5;
	[dreg:$0x0] =	wrdreg $0x0  }
0xae: {  	s5 =	sshll.u32 s28, $0x1;
	[dreg:$0x2] =	wrdreg s3  }
0xaf: {  	[dreg:$0x3] =	wrdreg s5  }
0xb0: {  	[dreg:$0x4] =	wrdreg $0xC0  }
0xb1: {  	_ =	task [dreg:s7], $0x5FFFF  }
0xb2: {  	[dreg:$0x1] =	wrdreg $0xFFFFFFFF  }
0xb3: {  	[dreg:$0x0] =	wrdreg $0x60  }
0xb4: {  	[dreg:$0x2] =	wrdreg s24  }
0xb5: {  	[dreg:$0x3] =	wrdreg s16  }
0xb6: {  	[dreg:$0x4] =	wrdreg $0xA  }
0xb7: {  	_ =	task.clear_ibuf [dreg:s7], $0x5FFFF;
	_ =	strace $0x90000046  }
0xb8: {  	s29 =	simm.s32 $0xA;
	_ =	strace $0x80000048  }
0xb9: {  	_ =	swait.ge [sflag:s29], $0x1  }
0xba: {  	[sflag:s29] =	ssyncadd.s32 $0xFFFFFFFF  }
0xbb: {  	_ =	strace $0x90000048  }
0xbc: {  	_ =	sfence  }
0xbd: {  	s30 =	sld [smem:$0x0];
	_ =	sdelay $0x2  }
0xbe: {  	s31 =	sshll.u32 s1, $0xD;
	s1 =	sshrl.u32 s1, $0x2  }
0xbf: {  	s3 =	sand.u32 $0x4000, s31;
	s1 =	sadd.s32 s1, s30  }
0xc0: {  	s0 =	sor.u32 s3, s0;
	s1 =	sshll.u32 s1, $0x11  }
0xc1: {  	s0 =	sor.u32 s1, s0  }
0xc2: {  	s0 =	sadd.s32 $0x8F2B, s0  }
0xc3: {  	[sflag:s0] =	ssyncadd.remote.s32 $0x1  }
0xc4: {  	_ =	sfence.sel $0xFFFF  }
0xc5: {  	[dreg:$0x0] =	wrdreg $0xFFFFFFFF;
	(pc) =	sbr.abs _section_cstart, $3  }
0xc6: {  	[dreg:$0x1] =	wrdreg $0xFFFFFFFF  }
0xc7: {  	_ =	task.clear_ibuf [dreg:s7], $0x2FFFF;
	_ =	strace $0x9FFFFFFF  }
0xc8: {  	(tm) =	ssettm $0x7FFFFFFF  }
0xc9: {  	_ =	shalt  }
tec
execute0_lowered:
.L_overlay_start_1:
0x0: {  	(tag) =	ssettag $0x1  }
0x1: {  	s4 =	rddreg [dreg:$0x0]  }
0x2: {  	s5 =	rddreg [dreg:$0x1]  }
0x3: {  	s0 =	rddreg [dreg:$0x2]  }
0x4: {  	s3 =	srdreg.scid;
	s1 =	stileid.u32;
	s2 =	simm.s32 $0x0  }
0x5: {  	s13 =	simm.s32 $0x2;
	s14 =	simm.s32 $0x3;
	s15 =	simm.s32 $0x4  }
0x6: {  	s16 =	simm.s32 $0x0;
	s6 =	sand.u32 $0x1, s3;
	s29 =	sshll.u32 s1, $0x1  }
0x7: {  	[smem:$0x7FF] =	sst s2;
	s3 =	sadd.s32 $0x4800, s4;
	s11 =	smul.u32 $0xA0000, s1  }
0x8: {  	s9 =	sadd.s32 $0x52A00, s4;
	s7 =	sor.u32 s6, s29;
	s12 =	smul.u32 $0x50000, s6  }
0x9: {  	_ =	strace $0x80000047;
	s30 =	ssub.s32 $0x2, s6;
	s8 =	smul.u32 $0x280000, s7  }
0xa: {  	s10 =	sshrl.u32 s30, $0x1;
	s7 =	smul.u32 $0xA00, s7;
	s31 =	sadd.s32 s11, s9  }
0xb: {  	s11 =	simm.s32 $0x5000;
	s10 =	ssub.s32 s30, s10;
	s8 =	sshrl.u32 s8, $0x3  }
0xc: {  	s4 =	sadd.s32 s5, s7;
	s7 =	smax.u32 s10, $0x1;
	s8 =	sadd.s32 s9, s8  }
0xd: {  	s10 =	simm.s32 $0x80;
	s9 =	simm.s32 $0x1;
	s5 =	sadd.s32 $0x4F000, s8  }
0xe: {  	s6 =	sadd.s32 $0x4F800, s8;
	s8 =	sadd.s32 s12, s31;
	s12 =	simm.s32 $0x9000  }
.LBB2_1:
0xf: {  	[tilespmem:s2], [sflag:$0x1] =	stream.linear.gather [hbm4b:s4+s2], $0x5000, $0x38;
	[tilespmem:$0xD000] =	vst v63  }
0x10: {  	_ =	swait.ge [sflag:s9], $0x5000  }
0x11: {  	[sflag:s9] =	ssyncset.done $0x0  }
0x12: {  	[sflag:s9] =	ssyncadd.s32 $0xFFFFB000  }
0x13: {  	[tilespmem:s11], [sflag:$0x1] =	stream.indirect.gather [hbm4b:s3+s10], $0x80, s2, s10, $0xb8;
	[tilespmem:$0xD000] =	vst v63  }
0x14: {  	_ = 	snop  }
0x15: {  	[tilespmem:s12], [sflag:$0x2] =	stream.indirect.gather [hbm4b:s3+s10], $0x80, s10, s10, $0xb8;
	[tilespmem:$0xD000] =	vst v63  }
0x16: {  	_ =	swait.ge [sflag:s9], $0x4000  }
0x17: {  	[sflag:s9] =	ssyncset.done $0x0  }
0x18: {  	s17 =	sadd.s32 $0x0, s8;
	[sflag:s9] =	ssyncadd.s32 $0xFFFFC000  }
0x19: {  	[hbm4b:s17+s2] =	stream.linear.scatter [tilespmem:s11], [sflag:$0x3], $0x4000, $0x38;
	[tilespmem:$0xD000] =	vst v63  }
0x1a: {  	_ =	swait.ge [sflag:s13], $0x4000  }
0x1b: {  	[sflag:s13] =	ssyncset.done $0x0  }
0x1c: {  	s17 =	sadd.s32 $0x800, s17;
	[sflag:s13] =	ssyncadd.s32 $0xFFFFC000  }
0x1d: {  	[hbm4b:s17+s2] =	stream.linear.scatter [tilespmem:s12], [sflag:$0x4], $0x4000, $0x38;
	[tilespmem:$0xD000] =	vst v63  }
0x1e: {  	_ =	swait.ge [sflag:s14], $0x4000  }
0x1f: {  	[sflag:s14] =	ssyncset.done $0x0  }
0x20: {  	s31 =	simm.s32 $0x100;
	[sflag:s14] =	ssyncadd.s32 $0xFFFFC000  }
0x21: {  	[tilespmem:s11], [sflag:$0x1] =	stream.indirect.gather [hbm4b:s3+s10], $0x80, s31, s10, $0xb8;
	[tilespmem:$0xD000] =	vst v63  }
0x22: {  	_ =	swait.ge [sflag:s15], $0x4000  }
0x23: {  	s18 =	simm.s32 $0x1000;
	[sflag:s15] =	ssyncset.done $0x0  }
0x24: {  	s19 =	simm.s32 $0x280;
	s17 =	simm.s32 $0x180;
	[sflag:s15] =	ssyncadd.s32 $0xFFFFC000  }
.LBB2_2:
0x25: {  	[tilespmem:s12], [sflag:$0x2] =	stream.indirect.gather [hbm4b:s3+s10], $0x80, s17, s10, $0xb8;
	[tilespmem:$0xD000] =	vst v63  }
0x26: {  	s20 =	smov.u32 s18;
	s17 =	smov.u32 s19  }
0x27: {  	p0 =	sne.s32 s18, $0x4E000;
	s18 =	sadd.s32 $0x1000, s18;
	_ =	swait.ge [sflag:s9], $0x4000  }
0x28: {  	[sflag:s9] =	ssyncset.done $0x0  }
0x29: {  	s20 =	sadd.s32 s20, s8;
	[sflag:s9] =	ssyncadd.s32 $0xFFFFC000  }
0x2a: {  	[hbm4b:s20+s2] =	stream.linear.scatter [tilespmem:s11], [sflag:$0x3], $0x4000, $0x38;
	[tilespmem:$0xD000] =	vst v63  }
0x2b: {  	_ =	swait.ge [sflag:s13], $0x4000  }
0x2c: {  	[sflag:s13] =	ssyncset.done $0x0  }
0x2d: {  	s20 =	sadd.s32 $0x800, s20;
	[sflag:s13] =	ssyncadd.s32 $0xFFFFC000  }
0x2e: {  	[hbm4b:s20+s2] =	stream.linear.scatter [tilespmem:s12], [sflag:$0x4], $0x4000, $0x38;
	[tilespmem:$0xD000] =	vst v63  }
0x2f: {  	_ =	swait.ge [sflag:s14], $0x4000  }
0x30: {  	[sflag:s14] =	ssyncset.done $0x0  }
.Ltmp0:
0x31: {  	s20 =	sadd.s32 $0xFFFFFF80, s19;
	[sflag:s14] =	ssyncadd.s32 $0xFFFFC000;
	(pc) =	sbr.rel @p0 .LBB2_2-.Ltmp0, $4  }
0x32: {  	[tilespmem:s11], [sflag:$0x1] =	stream.indirect.gather [hbm4b:s3+s10], $0x80, s20, s10, $0xb8;
	[tilespmem:$0xD000] =	vst v63  }
0x33: {  	_ =	swait.ge [sflag:s15], $0x4000  }
0x34: {  	[sflag:s15] =	ssyncset.done $0x0  }
0x35: {  	s19 =	sadd.s32 $0x100, s19;
	[sflag:s15] =	ssyncadd.s32 $0xFFFFC000  }
0x36: {  	[tilespmem:s12], [sflag:$0x2] =	stream.indirect.gather [hbm4b:s3+s10], $0x80, s17, s10, $0xb8;
	[tilespmem:$0xD000] =	vst v63  }
0x37: {  	_ =	swait.ge [sflag:s9], $0x4000  }
0x38: {  	[sflag:s9] =	ssyncset.done $0x0  }
0x39: {  	[sflag:s9] =	ssyncadd.s32 $0xFFFFC000  }
0x3a: {  	[hbm4b:s5+s2] =	stream.linear.scatter [tilespmem:s11], [sflag:$0x3], $0x4000, $0x38;
	[tilespmem:$0xD000] =	vst v63  }
0x3b: {  	_ =	swait.ge [sflag:s14], $0x4000  }
0x3c: {  	[sflag:s14] =	ssyncset.done $0x0  }
0x3d: {  	[sflag:s14] =	ssyncadd.s32 $0xFFFFC000  }
0x3e: {  	s16 =	sadd.s32 $0x1, s16;
	_ =	swait.ge [sflag:s13], $0x4000  }
0x3f: {  	p0 =	sne.s32 s16, s7;
	[sflag:s13] =	ssyncset.done $0x0  }
.Ltmp1:
0x40: {  	[sflag:s13] =	ssyncadd.s32 $0xFFFFC000;
	(pc) =	sbr.rel @p0 .LBB2_1-.Ltmp1, $4  }
0x41: {  	[hbm4b:s6+s2] =	stream.linear.scatter [tilespmem:s12], [sflag:$0x4], $0x4000, $0x38;
	[tilespmem:$0xD000] =	vst v63  }
0x42: {  	_ =	swait.ge [sflag:s15], $0x4000  }
0x43: {  	[sflag:s15] =	ssyncset.done $0x0  }
0x44: {  	[sflag:s15] =	ssyncadd.s32 $0xFFFFC000  }
0x45: {  	_ =	sfence.sel $0x180000  }
0x46: {  	[bflag:$0x0] =	sbarrier.arrive $0xFFFF  }
0x47: {  	p0 =	sne.s32 s1, $0x0;
	_ =	strace $0x90000047  }
0x48: {  	s0 =	sadd.s32 @!p0 $0x100000, s0;
	[bflag:$0x2] =	sbarrier.arrive $0xFFFF  }
0x49: {  	[sflag:s0] =	ssyncadd.tile.s32 @!p0 $0x1;
	_ =	shalt  }
.Lfunc_end2:
_tile_overlayer_lowered:
.L_overlay_start_2:
0x4a: {  	(tag) =	ssettag $0x2  }
0x4b: {  	s0 =	rddreg [dreg:$0x0];
	s2 =	stileid.u32  }
0x4c: {  	s1 =	rddreg [dreg:$0x1];
	p0 =	sne.s32 s2, $0x0  }
0x4d: {  	s3 =	rddreg [dreg:$0x2];
	[bflag:$0x3] =	sbarrier.arrive $0xFFFF;
	s2 =	simm.s32 @!p0 $0x1C05  }
0x4e: {  	[timem:s3], [sflag:s2] =	dma.local @!p0 [hbm:s0], s1  }
0x4f: {  	s0 =	simm.s32 @!p0 $0x5  }
0x50: {  	_ =	swait.ge @!p0 [sflag:s0], s1  }
0x51: {  	s1 =	ssub.s32 @!p0 $0x0, s1;
	[sflag:s0] =	ssyncset.done @!p0 $0x0  }
0x52: {  	[sflag:s0] =	ssyncadd.s32 @!p0 s1  }
0x53: {  	[bflag:$0x3] =	sbarrier.arrive $0xFFFF  }
0x54: {  	_ =	shalt  }

// kernel: kernel.18.cloned.1.call-start
scs
__scs_entry_jumppad:
0x0: {  	(pc) =	sbr.rel $0x88, $3  }
0x1: {  	(tag) =	ssettag $0x0;
	lr =	simm.s32 $0x1  }
0x2: {  	[smem:$0x3F98] =	sst lr;
	_ =	strace $0xD0000000  }
0x3: {  	_ = 	snop  }
0x4: {  	_ = 	snop  }
0x5: {  	_ = 	snop  }
0x6: {  	_ = 	snop  }
0x7: {  	_ = 	snop  }
__scs_overlays_trampoline_lowered:
0x8: {  	[smem:$0x3FA7] =	sst s0  }
0x9: {  	[smem:$0x3FA8] =	sst s1  }
0xa: {  	[smem:$0x3FA9] =	sst s2  }
0xb: {  	[smem:$0x3FAA] =	sst s3  }
0xc: {  	[smem:$0x3FAB] =	sst s4  }
0xd: {  	[smem:$0x3FAC] =	sst s5  }
0xe: {  	[smem:$0x3FAD] =	sst s6  }
0xf: {  	[smem:$0x3FAE] =	sst s7  }
0x10: {  	[smem:$0x3FAF] =	sst s8  }
0x11: {  	[smem:$0x3FB0] =	sst s9;
	s0 =	simm.s32 @!p0 $0x0  }
0x12: {  	s1 =	sld [smem:$0x3F96];
	s0 =	simm.s32 @p0 $0x1  }
0x13: {  	[smem:$0x3FB1] =	sst s0;
	s0 =	simm.s32 @!p1 $0x0  }
0x14: {  	s2 =	sld [smem:$0x3F95];
	s0 =	simm.s32 @p1 $0x1  }
0x15: {  	[smem:$0x3FB2] =	sst s0;
	s0 =	simm.s32 @!p2 $0x0  }
0x16: {  	s3 =	sld [smem:$0x3FDB];
	s0 =	simm.s32 @p2 $0x1  }
0x17: {  	s4 =	simm.s32 $0x1BF5;
	[smem:$0x3FB4] =	sst s0  }
0x18: {  	s0 =	sld [smem:$0x3F97];
	_ =	swait.ge [sflag:s4], $0x0  }
0x19: {  	s7 =	sld [smem:$0x3F98]  }
0x1a: {  	s8 =	sadd.s32 $0xFFFFE003, lr  }
0x1b: {  	s9 =	sadd.s32 $0xFFFFFEF7, lr;
	s5 =	simm.s32 $0xFFFFFFFF;
	p2 =	slt.u32 s8, $0xFFFFF086  }
0x1c: {  	p1 =	slt.u32 s9, $0xF7A;
	s5 =	simm.s32 @!p2 $0x0  }
0x1d: {  	s5 =	simm.s32 @p1 $0x1;
	p0 =	seq.s32 s7, s2  }
0x1e: {  	s7 =	smul.u32 @!p0 $0xF7A, s2;
	p2 =	seq.s32 @!p0 s5, $0x0  }
0x1f: {  	s9 =	smul.u32 $0xF7A, s1;
	s8 =	simm.s32 @!p0 $0x1BF5;
	p2 =	por !p2, p0  }
0x20: {  	[sflag:s8] =	ssyncset.s32 @!p0 $0xFFFFF086;
	s6 =	sadd.s32 @!p0 s3, s7;
	s7 =	simm.s32 @!p0 $0x108  }
0x21: {  	s3 =	sadd.s32 s3, s9;
	s6 =	sadd.s32 @!p0 $0x88, s6;
	s7 =	simm.s32 @p2 $0x1082  }
0x22: {  	[simem:s7], [sflag:s8] =	dma.local @!p0 [hbm:s6], $0xF7A  }
0x23: {  	s9 =	sor.u32 $0xD0000000, s2;
	s6 =	simm.s32 $0x108;
	_ =	swait.ge @!p0 [sflag:s8], $0x0  }
0x24: {  	s3 =	sadd.s32 $0x88, s3;
	s6 =	simm.s32 @!p1 $0x1082;
	[sflag:s4] =	ssyncset.s32 $0xFFFFF086  }
0x25: {  	[simem:s6], [sflag:s4] =	dma.local [hbm:s3], $0xF7A  }
0x26: {  	[smem:$0x3F98] =	sst s1;
	(tag) =	ssettag s2;
	_ =	strace s9  }
0x27: {  	s1 =	sld [smem:$0x3FA8]  }
0x28: {  	s2 =	sld [smem:$0x3FA9]  }
0x29: {  	s4 =	sld [smem:$0x3FAB]  }
0x2a: {  	p0 =	seq.s32 s5, $0x0;
	s5 =	sld [smem:$0x3FAC]  }
0x2b: {  	s6 =	sld [smem:$0x3FAD]  }
0x2c: {  	s7 =	sld [smem:$0x3FAE]  }
0x2d: {  	s3 =	simm.s32 $0x108;
	s8 =	sld [smem:$0x3FAF]  }
0x2e: {  	s3 =	simm.s32 @!p0 $0x1082;
	s9 =	sld [smem:$0x3FB0]  }
0x2f: {  	lr =	sadd.s32 s0, s3;
	s0 =	sld [smem:$0x3FA7]  }
0x30: {  	s3 =	sld [smem:$0x3FAA]  }
0x31: {  	[smem:$0x3FB3] =	sst s10  }
0x32: {  	s10 =	sld [smem:$0x3FB1];
	_ =	sdelay $0x3  }
0x33: {  	p0 =	seq.s32 s10, $0x1;
	s10 =	sld [smem:$0x3FB3];
	_ =	sdelay $0x3  }
0x34: {  	[smem:$0x3FB3] =	sst s10  }
0x35: {  	s10 =	sld [smem:$0x3FB2];
	_ =	sdelay $0x3  }
0x36: {  	p1 =	seq.s32 s10, $0x1;
	s10 =	sld [smem:$0x3FB3];
	_ =	sdelay $0x3  }
0x37: {  	[smem:$0x3FB3] =	sst s10  }
0x38: {  	s10 =	sld [smem:$0x3FB4]  }
0x39: {  	_ = 	snop;
	(pc) =	sbr.ind lr, $3  }
0x3a: {  	_ = 	snop  }
0x3b: {  	_ = 	snop  }
0x3c: {  	p2 =	seq.s32 s10, $0x1;
	s10 =	sld [smem:$0x3FB3]  }
0x3d: {  	_ =	shalt  }
0x3e: {  	_ =	shalt  }
0x3f: {  	_ =	shalt  }
0x40: {  	_ =	shalt  }
0x41: {  	_ =	shalt  }
0x42: {  	_ =	shalt  }
0x43: {  	_ =	shalt  }
0x44: {  	_ =	shalt  }
0x45: {  	_ =	shalt  }
0x46: {  	_ =	shalt  }
0x47: {  	_ =	shalt  }
0x48: {  	_ =	shalt  }
0x49: {  	_ =	shalt  }
0x4a: {  	_ =	shalt  }
0x4b: {  	_ =	shalt  }
0x4c: {  	_ =	shalt  }
0x4d: {  	_ =	shalt  }
0x4e: {  	_ =	shalt  }
0x4f: {  	_ =	shalt  }
0x50: {  	_ =	shalt  }
0x51: {  	_ =	shalt  }
0x52: {  	_ =	shalt  }
0x53: {  	_ =	shalt  }
0x54: {  	_ =	shalt  }
0x55: {  	_ =	shalt  }
0x56: {  	_ =	shalt  }
0x57: {  	_ =	shalt  }
0x58: {  	_ =	shalt  }
0x59: {  	_ =	shalt  }
0x5a: {  	_ =	shalt  }
0x5b: {  	_ =	shalt  }
0x5c: {  	_ =	shalt  }
0x5d: {  	_ =	shalt  }
0x5e: {  	_ =	shalt  }
0x5f: {  	_ =	shalt  }
0x60: {  	_ =	shalt  }
0x61: {  	_ =	shalt  }
0x62: {  	_ =	shalt  }
0x63: {  	_ =	shalt  }
0x64: {  	_ =	shalt  }
0x65: {  	_ =	shalt  }
0x66: {  	_ =	shalt  }
0x67: {  	_ =	shalt  }
0x68: {  	_ =	shalt  }
0x69: {  	_ =	shalt  }
0x6a: {  	_ =	shalt  }
0x6b: {  	_ =	shalt  }
0x6c: {  	_ =	shalt  }
0x6d: {  	_ =	shalt  }
0x6e: {  	_ =	shalt  }
0x6f: {  	_ =	shalt  }
0x70: {  	_ =	shalt  }
0x71: {  	_ =	shalt  }
0x72: {  	_ =	shalt  }
0x73: {  	_ =	shalt  }
0x74: {  	_ =	shalt  }
0x75: {  	_ =	shalt  }
0x76: {  	_ =	shalt  }
0x77: {  	_ =	shalt  }
0x78: {  	_ =	shalt  }
0x79: {  	_ =	shalt  }
0x7a: {  	_ =	shalt  }
0x7b: {  	_ =	shalt  }
0x7c: {  	_ =	shalt  }
0x7d: {  	_ =	shalt  }
0x7e: {  	_ =	shalt  }
0x7f: {  	_ =	shalt  }
0x80: {  	_ =	shalt  }
0x81: {  	_ =	shalt  }
0x82: {  	_ =	shalt  }
0x83: {  	_ =	shalt  }
0x84: {  	_ =	shalt  }
0x85: {  	_ =	shalt  }
0x86: {  	_ =	shalt  }
0x87: {  	_ =	shalt  }
.Lfunc_end0:
.L_simem_size_0:
called_computation.2_lowered:
.L_overlay_start_0:
0x88: {  	s2 =	sld [smem:$0x3FD9]  }
0x89: {  	s3 =	sld [smem:$0x3FFE];
	_ =	sdelay $0x1  }
0x8a: {  	s1 =	srdreg.scid  }
0x8b: {  	s0 =	sand.u32 $0x1, s1  }
0x8c: {  	s15 =	sshll.u32 s0, $0xA;
	s2 =	sadd.s32 s3, s2  }
0x8d: {  	s2 =	sadd.s32 s2, s15  }
0x8e: {  	[smem:$0x3FBF] =	sst s2  }
0x8f: {  	_ = 	snop  }
0x90: {  	s2 =	sld [smem:$0x3FD0];
	_ =	sdelay $0x2  }
0x91: {  	s16 =	simm.s32 $0xC;
	s4 =	simm.s32 $0x10  }
0x92: {  	[smem:s4], [sflag:s16] =	dma.local [hbm:s2], $0x1  }
0x93: {  	_ =	swait.eq [sflag:s16], $0x1  }
0x94: {  	[sflag:s16] =	ssyncset.done $0x0  }
0x95: {  	[sflag:s16] =	ssyncadd.s32 $0xFFFFFFFF  }
0x96: {  	s17 =	sld [smem:$0x12];
	(tm) =	ssettm $0x1  }
0x97: {  	s18 =	sld [smem:$0x3FFB];
	_ =	sdelay $0x3  }
0x98: {  	_ =	strace s18  }
0x99: {  	s2 =	sld [smem:$0x3FFC];
	_ =	sdelay $0x3  }
0x9a: {  	_ =	strace s2  }
0x9b: {  	s2 =	sld [smem:$0x3FFD];
	_ =	sdelay $0x3  }
0x9c: {  	_ =	strace s2  }
0x9d: {  	_ =	strace $0x8FFFFFFF  }
0x9e: {  	s19 =	sld [smem:$0x3FDB];
	_ =	sdelay $0x1  }
0x9f: {  	s20 =	simm.s32 $_scs_section_size  }
0xa0: {  	s5 =	simm.s32 $_size__tile_overlayer_lowered;
	s6 =	simm.s32 $_tile_overlayer_lowered  }
0xa1: {  	s7 =	simm.s32 $0x1BFF;
	s21 =	sshll.u32 s6, $0x1;
	s4 =	sadd.s32 s20, s19  }
0xa2: {  	s22 =	simm.s32 $0x0;
	s5 =	sshll.u32 s5, $0x1;
	s6 =	sadd.s32 s21, s4  }
0xa3: {  	[timem:s22], [sflag:s7] =	dma.local [hbm:s6], s5  }
0xa4: {  	_ =	swait.ge [sflag:s7], s5  }
0xa5: {  	s5 =	ssub.s32 $0x0, s5;
	[sflag:s7] =	ssyncset.done $0x0  }
0xa6: {  	[sflag:s7] =	ssyncadd.s32 s5;
	_ =	sdelay $0x1  }
0xa7: {  	s23 =	simm.s32 $0x1B8B  }
0xa8: {  	_ =	swait.ge [sflag:s23], $0x1  }
0xa9: {  	[sflag:s23] =	ssyncset.done $0x0  }
0xaa: {  	[sflag:s23] =	ssyncadd.s32 $0xFFFFFFFF  }
0xab: {  	s5 =	sld [smem:$0x0]  }
0xac: {  	s6 =	sand.u32 $0xFFFFFFFE, s1  }
0xad: {  	p0 =	sne.s32 s1, s6  }
0xae: {  	s6 =	sshll.u32 @p0 s6, $0xE  }
0xaf: {  	s6 =	sadd.s32 @p0 $0x11B8D, s6;
	s7 =	sshll.u32 @p0 s5, $0x11  }
0xb0: {  	s6 =	sor.u32 @p0 s7, s6  }
0xb1: {  	[sflag:s6] =	ssyncadd.remote.s32 @p0 $0x1;
	_ =	sdelay $0x1  }
0xb2: {  	s6 =	simm.s32 @p0 $0x1B8D  }
0xb3: {  	_ =	swait.eq @p0 [sflag:s6], $0x1  }
0xb4: {  	[sflag:s6] =	ssyncadd.s32 @p0 $0xFFFFFFFF  }
0xb5: {  	s7 =	sshll.u32 @!p0 s1, $0xE  }
0xb6: {  	s7 =	sor.u32 @!p0 $0x4000, s7;
	s6 =	simm.s32 @!p0 $0x1B8D  }
0xb7: {  	s5 =	sshll.u32 @!p0 s5, $0x11;
	s7 =	sadd.s32 @!p0 $0x11B8D, s7;
	_ =	swait.eq @!p0 [sflag:s6], $0x1  }
0xb8: {  	s5 =	sor.u32 @!p0 s5, s7;
	[sflag:s6] =	ssyncadd.s32 @!p0 $0xFFFFFFFF  }
0xb9: {  	s25 =	simm.s32 $0x1B8E;
	s24 =	sld [smem:$0x3FFE];
	[sflag:s5] =	ssyncadd.remote.s32 @!p0 $0x1  }
0xba: {  	s26 =	simm.s32 $execute0_lowered;
	[smem:$0x3FD2] =	sst s25  }
0xbb: {  	s6 =	sshll.u32 s26, $0x1;
	_ =	strace $0x8000004C;
	[dreg:$0x1] =	wrdreg $0xFFFFFFFF  }
0xbc: {  	s28 =	simm.s32 $_size_execute0_lowered;
	s4 =	sadd.s32 s4, s6;
	[dreg:$0x0] =	wrdreg $0x0  }
0xbd: {  	s6 =	sshll.u32 s28, $0x1;
	[dreg:$0x2] =	wrdreg s4  }
0xbe: {  	[dreg:$0x3] =	wrdreg s6  }
0xbf: {  	[dreg:$0x4] =	wrdreg $0xC0  }
0xc0: {  	_ =	task [dreg:s22], $0x5FFFF  }
0xc1: {  	[dreg:$0x1] =	wrdreg $0xFFFFFFFF  }
0xc2: {  	[dreg:$0x0] =	wrdreg $0x60  }
0xc3: {  	[dreg:$0x2] =	wrdreg s24  }
0xc4: {  	[dreg:$0x3] =	wrdreg s17  }
0xc5: {  	[dreg:$0x4] =	wrdreg $0x0  }
0xc6: {  	[dreg:$0x5] =	wrdreg $0xB  }
0xc7: {  	_ =	task.clear_ibuf [dreg:s22], $0x6FFFF;
	_ =	strace $0x9000004C  }
0xc8: {  	s29 =	simm.s32 $0xB;
	_ =	strace $0x8000004E  }
0xc9: {  	_ =	swait.ge [sflag:s29], $0x1  }
0xca: {  	[sflag:s29] =	ssyncadd.s32 $0xFFFFFFFF  }
0xcb: {  	_ =	strace $0x9000004E  }
0xcc: {  	_ =	sfence  }
0xcd: {  	s30 =	sld [smem:$0x0];
	_ =	sdelay $0x2  }
0xce: {  	s31 =	sshll.u32 s1, $0xD;
	s1 =	sshrl.u32 s1, $0x2  }
0xcf: {  	s4 =	sand.u32 $0x4000, s31;
	s1 =	sadd.s32 s1, s30  }
0xd0: {  	s0 =	sor.u32 s4, s0;
	s1 =	sshll.u32 s1, $0x11  }
0xd1: {  	s0 =	sor.u32 s1, s0  }
0xd2: {  	s0 =	sadd.s32 $0x8F2B, s0  }
0xd3: {  	[sflag:s0] =	ssyncadd.remote.s32 $0x1  }
0xd4: {  	_ =	sfence.sel $0xFFFF  }
0xd5: {  	[dreg:$0x0] =	wrdreg $0xFFFFFFFF;
	(pc) =	sbr.abs _section_cstart, $3  }
0xd6: {  	[dreg:$0x1] =	wrdreg $0xFFFFFFFF  }
0xd7: {  	_ =	task.clear_ibuf [dreg:s22], $0x2FFFF;
	_ =	strace $0x9FFFFFFF  }
0xd8: {  	(tm) =	ssettm $0x7FFFFFFF  }
0xd9: {  	_ =	shalt  }
tec
execute0_lowered:
.L_overlay_start_1:
0x0: {  	(tag) =	ssettag $0x1  }
0x1: {  	s3 =	rddreg [dreg:$0x0]  }
0x2: {  	s0 =	rddreg [dreg:$0x1]  }
0x3: {  	s1 =	rddreg [dreg:$0x2];
	s2 =	simm.s32 $0x0  }
0x4: {  	s5 =	srdreg.scid;
	s16 =	stileid.u32;
	s28 =	simm.s32 $0x14100  }
0x5: {  	s29 =	simm.s32 $0x5;
	s30 =	simm.s32 $0x14000;
	s31 =	simm.s32 $0x14080  }
0x6: {  	[smem:$0x7FF] =	sst s2;
	s4 =	sadd.s32 $0xF75A00, s3;
	s8 =	smul.u32 $0x50000, s16  }
0x7: {  	s6 =	sadd.s32 $0xA75A00, s3;
	s18 =	sshll.u32 s16, $0x1;
	s12 =	smul.u32 $0x280, s16  }
0x8: {  	_ =	strace $0x8000004D;
	[dreg:$0x4] =	wrdreg s6;
	s6 =	sand.u32 $0x1, s5  }
0x9: {  	s3 =	sadd.s32 $0xA76200, s3;
	s7 =	ssub.s32 $0x2, s6;
	s22 =	smul.u32 $0x2800, s6  }
0xa: {  	s5 =	sor.u32 s6, s18;
	s19 =	sshrl.u32 s8, $0x2;
	s6 =	smul.u32 $0x28000, s6  }
0xb: {  	s18 =	sadd.s32 $0x80, s12;
	s26 =	sadd.s32 $0x100, s12;
	s10 =	smul.u32 $0x2800, s5  }
0xc: {  	s9 =	sshrl.u32 s7, $0x1;
	s11 =	smul.u32 $0x28000, s5;
	s5 =	sadd.s32 s19, s1  }
0xd: {  	s7 =	ssub.s32 s7, s9;
	s24 =	sadd.s32 s22, s12;
	s13 =	sadd.s32 s22, s18  }
0xe: {  	s15 =	sadd.s32 s22, s26;
	s20 =	sshrl.u32 s10, $0x3;
	s21 =	sor.u32 $0x80, s10  }
0xf: {  	s11 =	sadd.s32 s4, s11;
	s13 =	sshll.u32 s13, $0x4;
	s9 =	sadd.s32 s0, s20  }
0x10: {  	[dreg:$0x6] =	wrdreg s11;
	s23 =	sshrl.u32 s21, $0x3;
	s25 =	sadd.s32 s3, s13  }
0x11: {  	s13 =	sshll.u32 s15, $0x4;
	s20 =	smul.u32 $0x5000, s16;
	s16 =	sadd.s32 $0x4000, s5  }
0x12: {  	[dreg:$0x5] =	wrdreg s9;
	s11 =	sadd.s32 s0, s23;
	s9 =	sshll.u32 s21, $0x4  }
0x13: {  	[dreg:$0x9] =	wrdreg s25;
	s23 =	sadd.s32 $0x180, s12;
	s12 =	sadd.s32 $0x200, s12  }
0x14: {  	s13 =	sadd.s32 s3, s13;
	[dreg:$0x7] =	wrdreg s11;
	s11 =	sshll.u32 s24, $0x4  }
0x15: {  	s14 =	sadd.s32 s22, s23;
	s15 =	sadd.s32 s22, s12;
	[dreg:$0xa] =	wrdreg s13  }
0x16: {  	s9 =	sadd.s32 s4, s9;
	s4 =	sadd.s32 s8, s4;
	s24 =	sshll.u32 s26, $0x7  }
0x17: {  	s25 =	sshll.u32 s23, $0x7;
	s26 =	sshll.u32 s12, $0x7;
	s8 =	simm.s32 $0x4  }
0x18: {  	s11 =	sadd.s32 s3, s11;
	s17 =	sshll.u32 s14, $0x4;
	s19 =	sshll.u32 s15, $0x4  }
0x19: {  	[dreg:$0xd] =	wrdreg s9;
	s15 =	smax.u32 s7, $0x1;
	s4 =	sadd.s32 s6, s4  }
0x1a: {  	s23 =	sadd.s32 s25, s1;
	s7 =	simm.s32 $0x2;
	s9 =	simm.s32 $0x0  }
0x1b: {  	[dreg:$0x8] =	wrdreg s11;
	s13 =	sadd.s32 s3, s17;
	s3 =	sadd.s32 s3, s19  }
0x1c: {  	s17 =	sadd.s32 $0x8000, s5;
	s12 =	sadd.s32 $0x1800, s4;
	[dreg:$0xb] =	wrdreg s13  }
0x1d: {  	s4 =	simm.s32 $0x3;
	[dreg:$0xc] =	wrdreg s3;
	s3 =	sadd.s32 s22, s20  }
0x1e: {  	s22 =	sshll.u32 s18, $0x7;
	s21 =	sor.u32 $0x180, s3;
	s3 =	sor.u32 $0x100, s3  }
0x1f: {  	s20 =	sadd.s32 $0xC000, s5;
	s6 =	sshrl.u32 s21, $0x3;
	s3 =	sshrl.u32 s3, $0x3  }
0x20: {  	s21 =	sadd.s32 s22, s1;
	s22 =	sadd.s32 s24, s1;
	s24 =	sadd.s32 s26, s1  }
0x21: {  	s26 =	sadd.s32 $0x10000, s5;
	s18 =	sadd.s32 s6, s0;
	s19 =	sadd.s32 s3, s0  }
0x22: {  	s0 =	simm.s32 $0x18100;
	s3 =	simm.s32 $0x1;
	s6 =	simm.s32 $0x80  }
.LBB2_1:
0x23: {  	s10 =	rddreg [dreg:$0x4]  }
0x24: {  	[tilespmem:s28], [sflag:$0x5] =	stream.linear.gather [hbm4b:s10+s2], $0x4000, $0x38;
	[tilespmem:$0x1C100] =	vst v63  }
0x25: {  	_ =	swait.ge [sflag:s29], $0x4000  }
0x26: {  	[sflag:s29] =	ssyncset.done $0x0  }
0x27: {  	[sflag:s29] =	ssyncadd.s32 $0xFFFFC000  }
0x28: {  	[spmem:s5] =	stream.linear.scatter [tilespmem:s28], [sflag:$0x5], $0x4000, $0x38;
	[tilespmem:$0x1C100] =	vst v63  }
0x29: {  	_ =	swait.ge [sflag:s29], $0x4000  }
0x2a: {  	[sflag:s29] =	ssyncset.done $0x0  }
0x2b: {  	[sflag:s29] =	ssyncadd.s32 $0xFFFFC000  }
0x2c: {  	[spmem:s16] =	stream.linear.scatter [tilespmem:s28], [sflag:$0x5], $0x4000, $0x38;
	[tilespmem:$0x1C100] =	vst v63  }
0x2d: {  	_ =	swait.ge [sflag:s29], $0x4000  }
0x2e: {  	[sflag:s29] =	ssyncset.done $0x0  }
0x2f: {  	[sflag:s29] =	ssyncadd.s32 $0xFFFFC000  }
0x30: {  	[spmem:s17] =	stream.linear.scatter [tilespmem:s28], [sflag:$0x5], $0x4000, $0x38;
	[tilespmem:$0x1C100] =	vst v63  }
0x31: {  	_ =	swait.ge [sflag:s29], $0x4000  }
0x32: {  	[sflag:s29] =	ssyncset.done $0x0  }
0x33: {  	[sflag:s29] =	ssyncadd.s32 $0xFFFFC000  }
0x34: {  	[spmem:s20] =	stream.linear.scatter [tilespmem:s28], [sflag:$0x5], $0x4000, $0x38;
	[tilespmem:$0x1C100] =	vst v63  }
0x35: {  	_ =	swait.ge [sflag:s29], $0x4000  }
0x36: {  	[sflag:s29] =	ssyncset.done $0x0  }
0x37: {  	[sflag:s29] =	ssyncadd.s32 $0xFFFFC000  }
0x38: {  	[spmem:s26] =	stream.linear.scatter [tilespmem:s28], [sflag:$0x5], $0x4000, $0x38;
	[tilespmem:$0x1C100] =	vst v63  }
0x39: {  	_ =	swait.ge [sflag:s29], $0x4000  }
0x3a: {  	[sflag:s29] =	ssyncset.done $0x0  }
0x3b: {  	s13 =	rddreg [dreg:$0x5];
	[sflag:s29] =	ssyncadd.s32 $0xFFFFC000  }
0x3c: {  	[tilespmem:s30], [sflag:$0x1] =	stream.linear.gather [hbm4b:s13+s2], $0x80, $0x38;
	[tilespmem:$0x1C100] =	vst v63  }
0x3d: {  	s14 =	rddreg [dreg:$0x6]  }
0x3e: {  	[tilespmem:s28], [sflag:$0x3] =	stream.linear.gather [hbm4b:s14+s2], $0x4000, $0x38;
	[tilespmem:$0x1C100] =	vst v63  }
0x3f: {  	s25 =	rddreg [dreg:$0x7]  }
0x40: {  	[tilespmem:s31], [sflag:$0x2] =	stream.linear.gather [hbm4b:s25+s2], $0x80, $0x38;
	[tilespmem:$0x1C100] =	vst v63  }
0x41: {  	s11 =	rddreg [dreg:$0xd]  }
0x42: {  	[tilespmem:s0], [sflag:$0x4] =	stream.linear.gather [hbm4b:s11+s2], $0x4000, $0x38;
	[tilespmem:$0x1C100] =	vst v63  }
0x43: {  	[bflag:$0x0] =	sbarrier.arrive $0xFFFF  }
0x44: {  	_ =	swait.ge [sflag:s3], $0x80  }
0x45: {  	[sflag:s3] =	ssyncset.done $0x0  }
0x46: {  	[sflag:s3] =	ssyncadd.s32 $0xFFFFFF80  }
0x47: {  	_ =	swait.ge [sflag:s4], $0x4000  }
0x48: {  	[sflag:s4] =	ssyncset.done $0x0  }
0x49: {  	[sflag:s4] =	ssyncadd.s32 $0xFFFFC000  }
0x4a: {  	[spmem:s1] =	stream.indirect.scatter.add.f32 [tilespmem:s28], [sflag:$0x5], $0x80, s30, s6, $0xb8;
	[tilespmem:$0x1C100] =	vst v63  }
0x4b: {  	_ =	swait.ge [sflag:s29], $0x4000  }
0x4c: {  	[sflag:s29] =	ssyncset.done $0x0  }
0x4d: {  	s13 =	sadd.s32 $0x0, s19;
	[sflag:s29] =	ssyncadd.s32 $0xFFFFC000  }
0x4e: {  	[tilespmem:s30], [sflag:$0x1] =	stream.linear.gather [hbm4b:s13+s2], $0x80, $0x38;
	[tilespmem:$0x1C100] =	vst v63  }
0x4f: {  	s14 =	sadd.s32 $0xFFFFF800, s12  }
0x50: {  	[tilespmem:s28], [sflag:$0x3] =	stream.linear.gather [hbm4b:s14+s2], $0x4000, $0x38;
	[tilespmem:$0x1C100] =	vst v63  }
0x51: {  	_ =	swait.ge [sflag:s7], $0x80  }
0x52: {  	[sflag:s7] =	ssyncset.done $0x0  }
0x53: {  	[sflag:s7] =	ssyncadd.s32 $0xFFFFFF80  }
0x54: {  	_ =	swait.ge [sflag:s8], $0x4000  }
0x55: {  	[sflag:s8] =	ssyncset.done $0x0  }
0x56: {  	[sflag:s8] =	ssyncadd.s32 $0xFFFFC000  }
0x57: {  	[spmem:s1] =	stream.indirect.scatter.add.f32 [tilespmem:s0], [sflag:$0x5], $0x80, s31, s6, $0xb8;
	[tilespmem:$0x1C100] =	vst v63  }
0x58: {  	_ =	swait.ge [sflag:s29], $0x4000  }
0x59: {  	[sflag:s29] =	ssyncset.done $0x0  }
0x5a: {  	s25 =	sadd.s32 $0x0, s18;
	[sflag:s29] =	ssyncadd.s32 $0xFFFFC000  }
0x5b: {  	[tilespmem:s31], [sflag:$0x2] =	stream.linear.gather [hbm4b:s25+s2], $0x80, $0x38;
	[tilespmem:$0x1C100] =	vst v63  }
0x5c: {  	s10 =	simm.s32 $0x20;
	s11 =	sadd.s32 $0x1000, s12;
	s25 =	smov.u32 s12  }
.LBB2_2:
0x5d: {  	[tilespmem:s0], [sflag:$0x4] =	stream.linear.gather [hbm4b:s25+s2], $0x4000, $0x38;
	[tilespmem:$0x1C100] =	vst v63  }
0x5e: {  	s13 =	smov.u32 s10;
	s25 =	smov.u32 s11  }
0x5f: {  	p0 =	sne.s32 s10, $0x4C0;
	s10 =	sadd.s32 $0x20, s10;
	_ =	swait.ge [sflag:s3], $0x80  }
0x60: {  	[sflag:s3] =	ssyncset.done $0x0  }
0x61: {  	[sflag:s3] =	ssyncadd.s32 $0xFFFFFF80  }
0x62: {  	_ =	swait.ge [sflag:s4], $0x4000  }
0x63: {  	[sflag:s4] =	ssyncset.done $0x0  }
0x64: {  	[sflag:s4] =	ssyncadd.s32 $0xFFFFC000  }
0x65: {  	[spmem:s1] =	stream.indirect.scatter.add.f32 [tilespmem:s28], [sflag:$0x5], $0x80, s30, s6, $0xb8;
	[tilespmem:$0x1C100] =	vst v63  }
0x66: {  	_ =	swait.ge [sflag:s29], $0x4000  }
0x67: {  	[sflag:s29] =	ssyncset.done $0x0  }
0x68: {  	s14 =	sadd.s32 s13, s19;
	[sflag:s29] =	ssyncadd.s32 $0xFFFFC000  }
0x69: {  	[tilespmem:s30], [sflag:$0x1] =	stream.linear.gather [hbm4b:s14+s2], $0x80, $0x38;
	[tilespmem:$0x1C100] =	vst v63  }
0x6a: {  	s14 =	sadd.s32 $0xFFFFF800, s11  }
0x6b: {  	[tilespmem:s28], [sflag:$0x3] =	stream.linear.gather [hbm4b:s14+s2], $0x4000, $0x38;
	[tilespmem:$0x1C100] =	vst v63  }
0x6c: {  	_ =	swait.ge [sflag:s7], $0x80  }
0x6d: {  	[sflag:s7] =	ssyncset.done $0x0  }
0x6e: {  	[sflag:s7] =	ssyncadd.s32 $0xFFFFFF80  }
0x6f: {  	_ =	swait.ge [sflag:s8], $0x4000  }
0x70: {  	[sflag:s8] =	ssyncset.done $0x0  }
0x71: {  	[sflag:s8] =	ssyncadd.s32 $0xFFFFC000  }
0x72: {  	[spmem:s1] =	stream.indirect.scatter.add.f32 [tilespmem:s0], [sflag:$0x5], $0x80, s31, s6, $0xb8;
	[tilespmem:$0x1C100] =	vst v63  }
.Ltmp0:
0x73: {  	_ =	swait.ge [sflag:s29], $0x4000;
	(pc) =	sbr.rel @p0 .LBB2_2-.Ltmp0, $4  }
0x74: {  	[sflag:s29] =	ssyncset.done $0x0  }
0x75: {  	s13 =	sadd.s32 s13, s18;
	[sflag:s29] =	ssyncadd.s32 $0xFFFFC000  }
0x76: {  	[tilespmem:s31], [sflag:$0x2] =	stream.linear.gather [hbm4b:s13+s2], $0x80, $0x38;
	[tilespmem:$0x1C100] =	vst v63  }
0x77: {  	s11 =	sadd.s32 $0x1000, s11  }
0x78: {  	[tilespmem:s0], [sflag:$0x4] =	stream.linear.gather [hbm4b:s25+s2], $0x4000, $0x38;
	[tilespmem:$0x1C100] =	vst v63  }
0x79: {  	_ =	swait.ge [sflag:s3], $0x80  }
0x7a: {  	[sflag:s3] =	ssyncset.done $0x0  }
0x7b: {  	[sflag:s3] =	ssyncadd.s32 $0xFFFFFF80  }
0x7c: {  	_ =	swait.ge [sflag:s4], $0x4000  }
0x7d: {  	[sflag:s4] =	ssyncset.done $0x0  }
0x7e: {  	[sflag:s4] =	ssyncadd.s32 $0xFFFFC000  }
0x7f: {  	[spmem:s1] =	stream.indirect.scatter.add.f32 [tilespmem:s28], [sflag:$0x5], $0x80, s30, s6, $0xb8;
	[tilespmem:$0x1C100] =	vst v63  }
0x80: {  	_ =	swait.ge [sflag:s29], $0x4000  }
0x81: {  	[sflag:s29] =	ssyncset.done $0x0  }
0x82: {  	[sflag:s29] =	ssyncadd.s32 $0xFFFFC000  }
0x83: {  	_ =	swait.ge [sflag:s7], $0x80  }
0x84: {  	[sflag:s7] =	ssyncset.done $0x0  }
0x85: {  	[sflag:s7] =	ssyncadd.s32 $0xFFFFFF80  }
0x86: {  	_ =	swait.ge [sflag:s8], $0x4000  }
0x87: {  	[sflag:s8] =	ssyncset.done $0x0  }
0x88: {  	[sflag:s8] =	ssyncadd.s32 $0xFFFFC000  }
0x89: {  	[spmem:s1] =	stream.indirect.scatter.add.f32 [tilespmem:s0], [sflag:$0x5], $0x80, s31, s6, $0xb8;
	[tilespmem:$0x1C100] =	vst v63  }
0x8a: {  	_ =	swait.ge [sflag:s29], $0x4000  }
0x8b: {  	[sflag:s29] =	ssyncset.done $0x0  }
0x8c: {  	[sflag:s29] =	ssyncadd.s32 $0xFFFFC000  }
0x8d: {  	[bflag:$0x0] =	sbarrier.arrive $0xFFFF  }
0x8e: {  	[tilespmem:s28], [sflag:$0x5] =	stream.linear.gather [spmem:s5], $0x4000, $0x38;
	[tilespmem:$0x1C100] =	vst v63  }
0x8f: {  	_ =	swait.ge [sflag:s29], $0x4000  }
0x90: {  	[sflag:s29] =	ssyncset.done $0x0  }
0x91: {  	s10 =	rddreg [dreg:$0x8];
	[sflag:s29] =	ssyncadd.s32 $0xFFFFC000  }
0x92: {  	[hbm4b:s10+s2] =	stream.linear.scatter [tilespmem:s28], [sflag:$0x5], $0x4000, $0x38;
	[tilespmem:$0x1C100] =	vst v63  }
0x93: {  	_ =	swait.ge [sflag:s29], $0x4000  }
0x94: {  	[sflag:s29] =	ssyncset.done $0x0  }
0x95: {  	[sflag:s29] =	ssyncadd.s32 $0xFFFFC000  }
0x96: {  	[tilespmem:s28], [sflag:$0x5] =	stream.linear.gather [spmem:s21], $0x4000, $0x38;
	[tilespmem:$0x1C100] =	vst v63  }
0x97: {  	_ =	swait.ge [sflag:s29], $0x4000  }
0x98: {  	[sflag:s29] =	ssyncset.done $0x0  }
0x99: {  	s11 =	rddreg [dreg:$0x9];
	[sflag:s29] =	ssyncadd.s32 $0xFFFFC000  }
0x9a: {  	[hbm4b:s11+s2] =	stream.linear.scatter [tilespmem:s28], [sflag:$0x5], $0x4000, $0x38;
	[tilespmem:$0x1C100] =	vst v63  }
0x9b: {  	_ =	swait.ge [sflag:s29], $0x4000  }
0x9c: {  	[sflag:s29] =	ssyncset.done $0x0  }
0x9d: {  	[sflag:s29] =	ssyncadd.s32 $0xFFFFC000  }
0x9e: {  	[tilespmem:s28], [sflag:$0x5] =	stream.linear.gather [spmem:s22], $0x4000, $0x38;
	[tilespmem:$0x1C100] =	vst v63  }
0x9f: {  	_ =	swait.ge [sflag:s29], $0x4000  }
0xa0: {  	[sflag:s29] =	ssyncset.done $0x0  }
0xa1: {  	s13 =	rddreg [dreg:$0xa];
	[sflag:s29] =	ssyncadd.s32 $0xFFFFC000  }
0xa2: {  	[hbm4b:s13+s2] =	stream.linear.scatter [tilespmem:s28], [sflag:$0x5], $0x4000, $0x38;
	[tilespmem:$0x1C100] =	vst v63  }
0xa3: {  	_ =	swait.ge [sflag:s29], $0x4000  }
0xa4: {  	[sflag:s29] =	ssyncset.done $0x0  }
0xa5: {  	[sflag:s29] =	ssyncadd.s32 $0xFFFFC000  }
0xa6: {  	[tilespmem:s28], [sflag:$0x5] =	stream.linear.gather [spmem:s23], $0x4000, $0x38;
	[tilespmem:$0x1C100] =	vst v63  }
0xa7: {  	_ =	swait.ge [sflag:s29], $0x4000  }
0xa8: {  	[sflag:s29] =	ssyncset.done $0x0  }
0xa9: {  	s14 =	rddreg [dreg:$0xb];
	[sflag:s29] =	ssyncadd.s32 $0xFFFFC000  }
0xaa: {  	[hbm4b:s14+s2] =	stream.linear.scatter [tilespmem:s28], [sflag:$0x5], $0x4000, $0x38;
	[tilespmem:$0x1C100] =	vst v63  }
0xab: {  	_ =	swait.ge [sflag:s29], $0x4000  }
0xac: {  	[sflag:s29] =	ssyncset.done $0x0  }
0xad: {  	[sflag:s29] =	ssyncadd.s32 $0xFFFFC000  }
0xae: {  	[tilespmem:s28], [sflag:$0x5] =	stream.linear.gather [spmem:s24], $0x4000, $0x38;
	[tilespmem:$0x1C100] =	vst v63  }
0xaf: {  	s9 =	sadd.s32 $0x1, s9;
	_ =	swait.ge [sflag:s29], $0x4000  }
0xb0: {  	p0 =	sne.s32 s9, s15;
	[sflag:s29] =	ssyncset.done $0x0  }
.Ltmp1:
0xb1: {  	s25 =	rddreg [dreg:$0xc];
	[sflag:s29] =	ssyncadd.s32 $0xFFFFC000;
	(pc) =	sbr.rel @p0 .LBB2_1-.Ltmp1, $4  }
0xb2: {  	[hbm4b:s25+s2] =	stream.linear.scatter [tilespmem:s28], [sflag:$0x5], $0x4000, $0x38;
	[tilespmem:$0x1C100] =	vst v63  }
0xb3: {  	_ =	swait.ge [sflag:s29], $0x4000  }
0xb4: {  	[sflag:s29] =	ssyncset.done $0x0  }
0xb5: {  	[sflag:s29] =	ssyncadd.s32 $0xFFFFC000  }
0xb6: {  	_ =	sfence.sel $0x180000  }
0xb7: {  	[bflag:$0x0] =	sbarrier.arrive $0xFFFF  }
0xb8: {  	_ =	strace $0x9000004D  }
0xb9: {  	s0 =	stileid.u32;
	[bflag:$0x2] =	sbarrier.arrive $0xFFFF  }
0xba: {  	p0 =	sne.s32 s0, $0x0;
	s0 =	rddreg [dreg:$0x3]  }
0xbb: {  	s0 =	sadd.s32 @!p0 $0x100000, s0  }
0xbc: {  	[sflag:s0] =	ssyncadd.tile.s32 @!p0 $0x1;
	_ =	shalt  }
.Lfunc_end2:
_tile_overlayer_lowered:
.L_overlay_start_2:
0xbd: {  	(tag) =	ssettag $0x2  }
0xbe: {  	s0 =	rddreg [dreg:$0x0];
	s2 =	stileid.u32  }
0xbf: {  	s1 =	rddreg [dreg:$0x1];
	p0 =	sne.s32 s2, $0x0  }
0xc0: {  	s3 =	rddreg [dreg:$0x2];
	[bflag:$0x3] =	sbarrier.arrive $0xFFFF;
	s2 =	simm.s32 @!p0 $0x1C05  }
0xc1: {  	[timem:s3], [sflag:s2] =	dma.local @!p0 [hbm:s0], s1  }
0xc2: {  	s0 =	simm.s32 @!p0 $0x5  }
0xc3: {  	_ =	swait.ge @!p0 [sflag:s0], s1  }
0xc4: {  	s1 =	ssub.s32 @!p0 $0x0, s1;
	[sflag:s0] =	ssyncset.done @!p0 $0x0  }
0xc5: {  	[sflag:s0] =	ssyncadd.s32 @!p0 s1  }
0xc6: {  	[bflag:$0x3] =	sbarrier.arrive $0xFFFF  }
0xc7: {  	_ =	shalt  }

// kernel: kernel.21.cloned.1.call-start
scs
__scs_entry_jumppad:
0x0: {  	(pc) =	sbr.rel $0x88, $3  }
0x1: {  	(tag) =	ssettag $0x0;
	lr =	simm.s32 $0x1  }
0x2: {  	[smem:$0x3F98] =	sst lr;
	_ =	strace $0xD0000000  }
0x3: {  	_ = 	snop  }
0x4: {  	_ = 	snop  }
0x5: {  	_ = 	snop  }
0x6: {  	_ = 	snop  }
0x7: {  	_ = 	snop  }
__scs_overlays_trampoline_lowered:
0x8: {  	[smem:$0x3FA7] =	sst s0  }
0x9: {  	[smem:$0x3FA8] =	sst s1  }
0xa: {  	[smem:$0x3FA9] =	sst s2  }
0xb: {  	[smem:$0x3FAA] =	sst s3  }
0xc: {  	[smem:$0x3FAB] =	sst s4  }
0xd: {  	[smem:$0x3FAC] =	sst s5  }
0xe: {  	[smem:$0x3FAD] =	sst s6  }
0xf: {  	[smem:$0x3FAE] =	sst s7  }
0x10: {  	[smem:$0x3FAF] =	sst s8  }
0x11: {  	[smem:$0x3FB0] =	sst s9;
	s0 =	simm.s32 @!p0 $0x0  }
0x12: {  	s1 =	sld [smem:$0x3F96];
	s0 =	simm.s32 @p0 $0x1  }
0x13: {  	[smem:$0x3FB1] =	sst s0;
	s0 =	simm.s32 @!p1 $0x0  }
0x14: {  	s2 =	sld [smem:$0x3F95];
	s0 =	simm.s32 @p1 $0x1  }
0x15: {  	[smem:$0x3FB2] =	sst s0;
	s0 =	simm.s32 @!p2 $0x0  }
0x16: {  	s3 =	sld [smem:$0x3FDB];
	s0 =	simm.s32 @p2 $0x1  }
0x17: {  	s4 =	simm.s32 $0x1BF5;
	[smem:$0x3FB4] =	sst s0  }
0x18: {  	s0 =	sld [smem:$0x3F97];
	_ =	swait.ge [sflag:s4], $0x0  }
0x19: {  	s7 =	sld [smem:$0x3F98]  }
0x1a: {  	s8 =	sadd.s32 $0xFFFFE003, lr  }
0x1b: {  	s9 =	sadd.s32 $0xFFFFFEF7, lr;
	s5 =	simm.s32 $0xFFFFFFFF;
	p2 =	slt.u32 s8, $0xFFFFF086  }
0x1c: {  	p1 =	slt.u32 s9, $0xF7A;
	s5 =	simm.s32 @!p2 $0x0  }
0x1d: {  	s5 =	simm.s32 @p1 $0x1;
	p0 =	seq.s32 s7, s2  }
0x1e: {  	s7 =	smul.u32 @!p0 $0xF7A, s2;
	p2 =	seq.s32 @!p0 s5, $0x0  }
0x1f: {  	s9 =	smul.u32 $0xF7A, s1;
	s8 =	simm.s32 @!p0 $0x1BF5;
	p2 =	por !p2, p0  }
0x20: {  	[sflag:s8] =	ssyncset.s32 @!p0 $0xFFFFF086;
	s6 =	sadd.s32 @!p0 s3, s7;
	s7 =	simm.s32 @!p0 $0x108  }
0x21: {  	s3 =	sadd.s32 s3, s9;
	s6 =	sadd.s32 @!p0 $0x88, s6;
	s7 =	simm.s32 @p2 $0x1082  }
0x22: {  	[simem:s7], [sflag:s8] =	dma.local @!p0 [hbm:s6], $0xF7A  }
0x23: {  	s9 =	sor.u32 $0xD0000000, s2;
	s6 =	simm.s32 $0x108;
	_ =	swait.ge @!p0 [sflag:s8], $0x0  }
0x24: {  	s3 =	sadd.s32 $0x88, s3;
	s6 =	simm.s32 @!p1 $0x1082;
	[sflag:s4] =	ssyncset.s32 $0xFFFFF086  }
0x25: {  	[simem:s6], [sflag:s4] =	dma.local [hbm:s3], $0xF7A  }
0x26: {  	[smem:$0x3F98] =	sst s1;
	(tag) =	ssettag s2;
	_ =	strace s9  }
0x27: {  	s1 =	sld [smem:$0x3FA8]  }
0x28: {  	s2 =	sld [smem:$0x3FA9]  }
0x29: {  	s4 =	sld [smem:$0x3FAB]  }
0x2a: {  	p0 =	seq.s32 s5, $0x0;
	s5 =	sld [smem:$0x3FAC]  }
0x2b: {  	s6 =	sld [smem:$0x3FAD]  }
0x2c: {  	s7 =	sld [smem:$0x3FAE]  }
0x2d: {  	s3 =	simm.s32 $0x108;
	s8 =	sld [smem:$0x3FAF]  }
0x2e: {  	s3 =	simm.s32 @!p0 $0x1082;
	s9 =	sld [smem:$0x3FB0]  }
0x2f: {  	lr =	sadd.s32 s0, s3;
	s0 =	sld [smem:$0x3FA7]  }
0x30: {  	s3 =	sld [smem:$0x3FAA]  }
0x31: {  	[smem:$0x3FB3] =	sst s10  }
0x32: {  	s10 =	sld [smem:$0x3FB1];
	_ =	sdelay $0x3  }
0x33: {  	p0 =	seq.s32 s10, $0x1;
	s10 =	sld [smem:$0x3FB3];
	_ =	sdelay $0x3  }
0x34: {  	[smem:$0x3FB3] =	sst s10  }
0x35: {  	s10 =	sld [smem:$0x3FB2];
	_ =	sdelay $0x3  }
0x36: {  	p1 =	seq.s32 s10, $0x1;
	s10 =	sld [smem:$0x3FB3];
	_ =	sdelay $0x3  }
0x37: {  	[smem:$0x3FB3] =	sst s10  }
0x38: {  	s10 =	sld [smem:$0x3FB4]  }
0x39: {  	_ = 	snop;
	(pc) =	sbr.ind lr, $3  }
0x3a: {  	_ = 	snop  }
0x3b: {  	_ = 	snop  }
0x3c: {  	p2 =	seq.s32 s10, $0x1;
	s10 =	sld [smem:$0x3FB3]  }
0x3d: {  	_ =	shalt  }
0x3e: {  	_ =	shalt  }
0x3f: {  	_ =	shalt  }
0x40: {  	_ =	shalt  }
0x41: {  	_ =	shalt  }
0x42: {  	_ =	shalt  }
0x43: {  	_ =	shalt  }
0x44: {  	_ =	shalt  }
0x45: {  	_ =	shalt  }
0x46: {  	_ =	shalt  }
0x47: {  	_ =	shalt  }
0x48: {  	_ =	shalt  }
0x49: {  	_ =	shalt  }
0x4a: {  	_ =	shalt  }
0x4b: {  	_ =	shalt  }
0x4c: {  	_ =	shalt  }
0x4d: {  	_ =	shalt  }
0x4e: {  	_ =	shalt  }
0x4f: {  	_ =	shalt  }
0x50: {  	_ =	shalt  }
0x51: {  	_ =	shalt  }
0x52: {  	_ =	shalt  }
0x53: {  	_ =	shalt  }
0x54: {  	_ =	shalt  }
0x55: {  	_ =	shalt  }
0x56: {  	_ =	shalt  }
0x57: {  	_ =	shalt  }
0x58: {  	_ =	shalt  }
0x59: {  	_ =	shalt  }
0x5a: {  	_ =	shalt  }
0x5b: {  	_ =	shalt  }
0x5c: {  	_ =	shalt  }
0x5d: {  	_ =	shalt  }
0x5e: {  	_ =	shalt  }
0x5f: {  	_ =	shalt  }
0x60: {  	_ =	shalt  }
0x61: {  	_ =	shalt  }
0x62: {  	_ =	shalt  }
0x63: {  	_ =	shalt  }
0x64: {  	_ =	shalt  }
0x65: {  	_ =	shalt  }
0x66: {  	_ =	shalt  }
0x67: {  	_ =	shalt  }
0x68: {  	_ =	shalt  }
0x69: {  	_ =	shalt  }
0x6a: {  	_ =	shalt  }
0x6b: {  	_ =	shalt  }
0x6c: {  	_ =	shalt  }
0x6d: {  	_ =	shalt  }
0x6e: {  	_ =	shalt  }
0x6f: {  	_ =	shalt  }
0x70: {  	_ =	shalt  }
0x71: {  	_ =	shalt  }
0x72: {  	_ =	shalt  }
0x73: {  	_ =	shalt  }
0x74: {  	_ =	shalt  }
0x75: {  	_ =	shalt  }
0x76: {  	_ =	shalt  }
0x77: {  	_ =	shalt  }
0x78: {  	_ =	shalt  }
0x79: {  	_ =	shalt  }
0x7a: {  	_ =	shalt  }
0x7b: {  	_ =	shalt  }
0x7c: {  	_ =	shalt  }
0x7d: {  	_ =	shalt  }
0x7e: {  	_ =	shalt  }
0x7f: {  	_ =	shalt  }
0x80: {  	_ =	shalt  }
0x81: {  	_ =	shalt  }
0x82: {  	_ =	shalt  }
0x83: {  	_ =	shalt  }
0x84: {  	_ =	shalt  }
0x85: {  	_ =	shalt  }
0x86: {  	_ =	shalt  }
0x87: {  	_ =	shalt  }
.Lfunc_end0:
.L_simem_size_0:
called_computation.3_lowered:
.L_overlay_start_0:
0x88: {  	s2 =	sld [smem:$0x3FD9]  }
0x89: {  	s3 =	sld [smem:$0x3FFE];
	_ =	sdelay $0x1  }
0x8a: {  	s1 =	srdreg.scid  }
0x8b: {  	s0 =	sand.u32 $0x1, s1  }
0x8c: {  	s15 =	sshll.u32 s0, $0xA;
	s2 =	sadd.s32 s3, s2  }
0x8d: {  	s2 =	sadd.s32 s2, s15  }
0x8e: {  	[smem:$0x3FBF] =	sst s2  }
0x8f: {  	_ = 	snop  }
0x90: {  	s2 =	sld [smem:$0x3FD0];
	_ =	sdelay $0x2  }
0x91: {  	s16 =	simm.s32 $0xC;
	s4 =	simm.s32 $0x10  }
0x92: {  	[smem:s4], [sflag:s16] =	dma.local [hbm:s2], $0x1  }
0x93: {  	_ =	swait.eq [sflag:s16], $0x1  }
0x94: {  	[sflag:s16] =	ssyncset.done $0x0  }
0x95: {  	[sflag:s16] =	ssyncadd.s32 $0xFFFFFFFF  }
0x96: {  	s17 =	sld [smem:$0x12];
	(tm) =	ssettm $0x1  }
0x97: {  	s18 =	sld [smem:$0x3FFB];
	_ =	sdelay $0x3  }
0x98: {  	_ =	strace s18  }
0x99: {  	s2 =	sld [smem:$0x3FFC];
	_ =	sdelay $0x3  }
0x9a: {  	_ =	strace s2  }
0x9b: {  	s2 =	sld [smem:$0x3FFD];
	_ =	sdelay $0x3  }
0x9c: {  	_ =	strace s2  }
0x9d: {  	_ =	strace $0x8FFFFFFF  }
0x9e: {  	s19 =	sld [smem:$0x3FDB];
	_ =	sdelay $0x1  }
0x9f: {  	s20 =	simm.s32 $_scs_section_size  }
0xa0: {  	s5 =	simm.s32 $_size__tile_overlayer_lowered;
	s6 =	simm.s32 $_tile_overlayer_lowered  }
0xa1: {  	s7 =	simm.s32 $0x1BFF;
	s21 =	sshll.u32 s6, $0x1;
	s4 =	sadd.s32 s20, s19  }
0xa2: {  	s22 =	simm.s32 $0x0;
	s5 =	sshll.u32 s5, $0x1;
	s6 =	sadd.s32 s21, s4  }
0xa3: {  	[timem:s22], [sflag:s7] =	dma.local [hbm:s6], s5  }
0xa4: {  	_ =	swait.ge [sflag:s7], s5  }
0xa5: {  	s5 =	ssub.s32 $0x0, s5;
	[sflag:s7] =	ssyncset.done $0x0  }
0xa6: {  	[sflag:s7] =	ssyncadd.s32 s5;
	_ =	sdelay $0x1  }
0xa7: {  	s23 =	simm.s32 $0x1B8B  }
0xa8: {  	_ =	swait.ge [sflag:s23], $0x1  }
0xa9: {  	[sflag:s23] =	ssyncset.done $0x0  }
0xaa: {  	[sflag:s23] =	ssyncadd.s32 $0xFFFFFFFF  }
0xab: {  	s5 =	sld [smem:$0x0]  }
0xac: {  	s6 =	sand.u32 $0xFFFFFFFE, s1  }
0xad: {  	p0 =	sne.s32 s1, s6  }
0xae: {  	s6 =	sshll.u32 @p0 s6, $0xE  }
0xaf: {  	s6 =	sadd.s32 @p0 $0x11B8D, s6;
	s7 =	sshll.u32 @p0 s5, $0x11  }
0xb0: {  	s6 =	sor.u32 @p0 s7, s6  }
0xb1: {  	[sflag:s6] =	ssyncadd.remote.s32 @p0 $0x1;
	_ =	sdelay $0x1  }
0xb2: {  	s6 =	simm.s32 @p0 $0x1B8D  }
0xb3: {  	_ =	swait.eq @p0 [sflag:s6], $0x1  }
0xb4: {  	[sflag:s6] =	ssyncadd.s32 @p0 $0xFFFFFFFF  }
0xb5: {  	s7 =	sshll.u32 @!p0 s1, $0xE  }
0xb6: {  	s7 =	sor.u32 @!p0 $0x4000, s7;
	s6 =	simm.s32 @!p0 $0x1B8D  }
0xb7: {  	s5 =	sshll.u32 @!p0 s5, $0x11;
	s7 =	sadd.s32 @!p0 $0x11B8D, s7;
	_ =	swait.eq @!p0 [sflag:s6], $0x1  }
0xb8: {  	s5 =	sor.u32 @!p0 s5, s7;
	[sflag:s6] =	ssyncadd.s32 @!p0 $0xFFFFFFFF  }
0xb9: {  	s25 =	simm.s32 $0x1B8E;
	s24 =	sld [smem:$0x3FFE];
	[sflag:s5] =	ssyncadd.remote.s32 @!p0 $0x1  }
0xba: {  	s26 =	simm.s32 $execute0_lowered;
	[smem:$0x3FD2] =	sst s25  }
0xbb: {  	s6 =	sshll.u32 s26, $0x1;
	_ =	strace $0x80000052;
	[dreg:$0x1] =	wrdreg $0xFFFFFFFF  }
0xbc: {  	s28 =	simm.s32 $_size_execute0_lowered;
	s4 =	sadd.s32 s4, s6;
	[dreg:$0x0] =	wrdreg $0x0  }
0xbd: {  	s6 =	sshll.u32 s28, $0x1;
	[dreg:$0x2] =	wrdreg s4  }
0xbe: {  	[dreg:$0x3] =	wrdreg s6  }
0xbf: {  	[dreg:$0x4] =	wrdreg $0xC0  }
0xc0: {  	_ =	task [dreg:s22], $0x5FFFF  }
0xc1: {  	[dreg:$0x1] =	wrdreg $0xFFFFFFFF  }
0xc2: {  	[dreg:$0x0] =	wrdreg $0x60  }
0xc3: {  	[dreg:$0x2] =	wrdreg s17  }
0xc4: {  	[dreg:$0x3] =	wrdreg s24  }
0xc5: {  	[dreg:$0x4] =	wrdreg $0x0  }
0xc6: {  	[dreg:$0x5] =	wrdreg $0x9  }
0xc7: {  	_ =	task.clear_ibuf [dreg:s22], $0x6FFFF;
	_ =	strace $0x90000052  }
0xc8: {  	s29 =	simm.s32 $0x9;
	_ =	strace $0x80000054  }
0xc9: {  	_ =	swait.ge [sflag:s29], $0x1  }
0xca: {  	[sflag:s29] =	ssyncadd.s32 $0xFFFFFFFF  }
0xcb: {  	_ =	strace $0x90000054  }
0xcc: {  	_ =	sfence  }
0xcd: {  	s30 =	sld [smem:$0x0];
	_ =	sdelay $0x2  }
0xce: {  	s31 =	sshll.u32 s1, $0xD;
	s1 =	sshrl.u32 s1, $0x2  }
0xcf: {  	s4 =	sand.u32 $0x4000, s31;
	s1 =	sadd.s32 s1, s30  }
0xd0: {  	s0 =	sor.u32 s4, s0;
	s1 =	sshll.u32 s1, $0x11  }
0xd1: {  	s0 =	sor.u32 s1, s0  }
0xd2: {  	s0 =	sadd.s32 $0x8F2B, s0  }
0xd3: {  	[sflag:s0] =	ssyncadd.remote.s32 $0x1  }
0xd4: {  	_ =	sfence.sel $0xFFFF  }
0xd5: {  	[dreg:$0x0] =	wrdreg $0xFFFFFFFF;
	(pc) =	sbr.abs _section_cstart, $3  }
0xd6: {  	[dreg:$0x1] =	wrdreg $0xFFFFFFFF  }
0xd7: {  	_ =	task.clear_ibuf [dreg:s22], $0x2FFFF;
	_ =	strace $0x9FFFFFFF  }
0xd8: {  	(tm) =	ssettm $0x7FFFFFFF  }
0xd9: {  	_ =	shalt  }
tec
execute0_lowered:
.L_overlay_start_1:
0x0: {  	(tag) =	ssettag $0x1  }
0x1: {  	s1 =	rddreg [dreg:$0x0]  }
0x2: {  	s6 =	rddreg [dreg:$0x1]  }
0x3: {  	s3 =	rddreg [dreg:$0x2];
	s4 =	srdreg.scid  }
0x4: {  	s2 =	stileid.u32;
	s19 =	simm.s32 $0xC000;
	s20 =	simm.s32 $0x1  }
0x5: {  	s21 =	simm.s32 $0xD000;
	s22 =	simm.s32 $0x2;
	s23 =	simm.s32 $0x80  }
0x6: {  	s24 =	simm.s32 $0xC080;
	s28 =	simm.s32 $0xDE80;
	s29 =	simm.s32 $0x0  }
0x7: {  	s7 =	sand.u32 $0x1, s4;
	s4 =	simm.s32 $0x0;
	s10 =	smul.u32 $0x30000, s2  }
0x8: {  	s5 =	sshll.u32 s2, $0xA;
	s16 =	sadd.s32 $0x4800, s6;
	s13 =	smul.u32 $0x180, s2  }
0x9: {  	s8 =	sshll.u32 s7, $0x9;
	[smem:$0x7FF] =	sst s4;
	s9 =	ssub.s32 $0x2, s7  }
0xa: {  	s14 =	smul.u32 $0x1800, s7;
	s5 =	sor.u32 s8, s5;
	_ =	strace $0x80000053  }
0xb: {  	s25 =	sshrl.u32 s9, $0x1;
	s26 =	sshrl.u32 s10, $0x2;
	s15 =	sadd.s32 $0x80, s13  }
0xc: {  	s18 =	sadd.s32 $0x100, s13;
	s8 =	sadd.s32 s5, s6;
	s5 =	sadd.s32 $0xA75A00, s6  }
0xd: {  	s9 =	ssub.s32 s9, s25;
	s6 =	sadd.s32 s26, s3;
	s12 =	sadd.s32 s14, s13  }
0xe: {  	s17 =	sshll.u32 s15, $0x7;
	s15 =	sadd.s32 s14, s15;
	s14 =	sadd.s32 s14, s18  }
0xf: {  	s30 =	sshll.u32 s18, $0x7;
	s25 =	simm.s32 $0x12000;
	s26 =	simm.s32 $0xDE00  }
0x10: {  	s18 =	simm.s32 $0x3;
	s7 =	sadd.s32 $0xAD2200, s8;
	s8 =	sadd.s32 $0xACE200, s8  }
0x11: {  	s9 =	smax.u32 s9, $0x1;
	s10 =	sadd.s32 $0x4000, s6;
	s11 =	sadd.s32 $0x8000, s6  }
0x12: {  	s12 =	sshll.u32 s12, $0x4;
	s13 =	sadd.s32 s17, s3;
	s15 =	sshll.u32 s15, $0x4  }
0x13: {  	s31 =	sshll.u32 s14, $0x4;
	s17 =	simm.s32 $0xE000;
	s12 =	sadd.s32 s16, s12  }
0x14: {  	s14 =	sadd.s32 s16, s15;
	s15 =	sadd.s32 s30, s3;
	s16 =	sadd.s32 s16, s31  }
.LBB2_1:
0x15: {  	[tilespmem:s17], [sflag:$0x3] =	stream.linear.gather [hbm4b:s5+s4], $0x4000, $0x38;
	[tilespmem:$0x16000] =	vst v63  }
0x16: {  	_ =	swait.ge [sflag:s18], $0x4000  }
0x17: {  	[sflag:s18] =	ssyncset.done $0x0  }
0x18: {  	[sflag:s18] =	ssyncadd.s32 $0xFFFFC000  }
0x19: {  	[spmem:s6] =	stream.linear.scatter [tilespmem:s17], [sflag:$0x3], $0x4000, $0x38;
	[tilespmem:$0x16000] =	vst v63  }
0x1a: {  	_ =	swait.ge [sflag:s18], $0x4000  }
0x1b: {  	[sflag:s18] =	ssyncset.done $0x0  }
0x1c: {  	[sflag:s18] =	ssyncadd.s32 $0xFFFFC000  }
0x1d: {  	[spmem:s10] =	stream.linear.scatter [tilespmem:s17], [sflag:$0x3], $0x4000, $0x38;
	[tilespmem:$0x16000] =	vst v63  }
0x1e: {  	_ =	swait.ge [sflag:s18], $0x4000  }
0x1f: {  	[sflag:s18] =	ssyncset.done $0x0  }
0x20: {  	[sflag:s18] =	ssyncadd.s32 $0xFFFFC000  }
0x21: {  	[spmem:s11] =	stream.linear.scatter [tilespmem:s17], [sflag:$0x3], $0x4000, $0x38;
	[tilespmem:$0x16000] =	vst v63  }
0x22: {  	_ =	swait.ge [sflag:s18], $0x4000  }
0x23: {  	[sflag:s18] =	ssyncset.done $0x0  }
0x24: {  	[sflag:s18] =	ssyncadd.s32 $0xFFFFC000  }
0x25: {  	[tilespmem:s19], [sflag:$0x1] =	stream.linear.gather [hbm4b:s7+s4], $0xF00, $0x38;
	[tilespmem:$0x16000] =	vst v63  }
0x26: {  	_ =	swait.ge [sflag:s20], $0xF00  }
0x27: {  	[sflag:s20] =	ssyncset.done $0x0  }
0x28: {  	[sflag:s20] =	ssyncadd.s32 $0xFFFFF100  }
0x29: {  	[tilespmem:s21], [sflag:$0x2] =	stream.linear.gather [hbm4b:s8+s4], $0xF00, $0x38;
	[tilespmem:$0x16000] =	vst v63  }
0x2a: {  	_ =	swait.ge [sflag:s22], $0xF00  }
0x2b: {  	[sflag:s22] =	ssyncset.done $0x0  }
0x2c: {  	[sflag:s22] =	ssyncadd.s32 $0xFFFFF100  }
0x2d: {  	[tilespmem:s17], [sflag:$0x1] =	stream.indirect.gather [hbm4b:s1+s23], $0x80, s19, s23, $0xb8;
	[tilespmem:$0x16000] =	vst v63  }
0x2e: {  	_ = 	snop  }
0x2f: {  	[tilespmem:s25], [sflag:$0x2] =	stream.indirect.gather [hbm4b:s1+s23], $0x80, s24, s23, $0xb8;
	[tilespmem:$0x16000] =	vst v63  }
0x30: {  	[bflag:$0x0] =	sbarrier.arrive $0xFFFF  }
0x31: {  	_ =	swait.ge [sflag:s20], $0x4000  }
0x32: {  	[sflag:s20] =	ssyncset.done $0x0  }
0x33: {  	s30 =	simm.s32 $0xD000;
	[sflag:s20] =	ssyncadd.s32 $0xFFFFC000  }
0x34: {  	[spmem:s3] =	stream.indirect.scatter.add.f32 [tilespmem:s17], [sflag:$0x3], $0x80, s30, s23, $0xb8;
	[tilespmem:$0x16000] =	vst v63  }
0x35: {  	_ =	swait.ge [sflag:s18], $0x4000  }
0x36: {  	[sflag:s18] =	ssyncset.done $0x0  }
0x37: {  	s30 =	simm.s32 $0xC100;
	[sflag:s18] =	ssyncadd.s32 $0xFFFFC000  }
0x38: {  	[tilespmem:s17], [sflag:$0x1] =	stream.indirect.gather [hbm4b:s1+s23], $0x80, s30, s23, $0xb8;
	[tilespmem:$0x16000] =	vst v63  }
0x39: {  	_ =	swait.ge [sflag:s22], $0x4000  }
0x3a: {  	[sflag:s22] =	ssyncset.done $0x0  }
0x3b: {  	s30 =	simm.s32 $0xD080;
	[sflag:s22] =	ssyncadd.s32 $0xFFFFC000  }
0x3c: {  	[spmem:s3] =	stream.indirect.scatter.add.f32 [tilespmem:s25], [sflag:$0x3], $0x80, s30, s23, $0xb8;
	[tilespmem:$0x16000] =	vst v63  }
0x3d: {  	_ =	swait.ge [sflag:s18], $0x4000  }
0x3e: {  	[sflag:s18] =	ssyncset.done $0x0  }
0x3f: {  	s31 =	simm.s32 $0xC180;
	s30 =	simm.s32 $0x400;
	[sflag:s18] =	ssyncadd.s32 $0xFFFFC000  }
.LBB2_2:
0x40: {  	[tilespmem:s25], [sflag:$0x2] =	stream.indirect.gather [hbm4b:s1+s23], $0x80, s31, s23, $0xb8;
	[tilespmem:$0x16000] =	vst v63  }
0x41: {  	s31 =	smov.u32 s30  }
0x42: {  	p0 =	sne.s32 s30, $0x3400;
	s30 =	sadd.s32 $0x400, s30;
	_ =	swait.ge [sflag:s20], $0x4000  }
0x43: {  	s31 =	sshra.s32 s31, $0x2;
	[sflag:s20] =	ssyncset.done $0x0  }
0x44: {  	s0 =	sadd.s32 $0xD000, s31;
	[sflag:s20] =	ssyncadd.s32 $0xFFFFC000  }
0x45: {  	[spmem:s3] =	stream.indirect.scatter.add.f32 [tilespmem:s17], [sflag:$0x3], $0x80, s0, s23, $0xb8;
	[tilespmem:$0x16000] =	vst v63  }
0x46: {  	_ =	swait.ge [sflag:s18], $0x4000  }
0x47: {  	[sflag:s18] =	ssyncset.done $0x0  }
0x48: {  	s0 =	sadd.s32 $0xC100, s31;
	[sflag:s18] =	ssyncadd.s32 $0xFFFFC000  }
0x49: {  	[tilespmem:s17], [sflag:$0x1] =	stream.indirect.gather [hbm4b:s1+s23], $0x80, s0, s23, $0xb8;
	[tilespmem:$0x16000] =	vst v63  }
0x4a: {  	_ =	swait.ge [sflag:s22], $0x4000  }
0x4b: {  	[sflag:s22] =	ssyncset.done $0x0  }
.Ltmp0:
0x4c: {  	s0 =	sadd.s32 $0xD080, s31;
	[sflag:s22] =	ssyncadd.s32 $0xFFFFC000;
	(pc) =	sbr.rel @p0 .LBB2_2-.Ltmp0, $4  }
0x4d: {  	[spmem:s3] =	stream.indirect.scatter.add.f32 [tilespmem:s25], [sflag:$0x3], $0x80, s0, s23, $0xb8;
	[tilespmem:$0x16000] =	vst v63  }
0x4e: {  	_ =	swait.ge [sflag:s18], $0x4000  }
0x4f: {  	[sflag:s18] =	ssyncset.done $0x0  }
0x50: {  	s31 =	sadd.s32 $0xC180, s31;
	[sflag:s18] =	ssyncadd.s32 $0xFFFFC000  }
0x51: {  	[tilespmem:s25], [sflag:$0x2] =	stream.indirect.gather [hbm4b:s1+s23], $0x80, s31, s23, $0xb8;
	[tilespmem:$0x16000] =	vst v63  }
0x52: {  	_ =	swait.ge [sflag:s20], $0x4000  }
0x53: {  	[sflag:s20] =	ssyncset.done $0x0  }
0x54: {  	[sflag:s20] =	ssyncadd.s32 $0xFFFFC000  }
0x55: {  	[spmem:s3] =	stream.indirect.scatter.add.f32 [tilespmem:s17], [sflag:$0x3], $0x80, s26, s23, $0xb8;
	[tilespmem:$0x16000] =	vst v63  }
0x56: {  	_ =	swait.ge [sflag:s18], $0x4000  }
0x57: {  	[sflag:s18] =	ssyncset.done $0x0  }
0x58: {  	[sflag:s18] =	ssyncadd.s32 $0xFFFFC000  }
0x59: {  	_ =	swait.ge [sflag:s22], $0x4000  }
0x5a: {  	[sflag:s22] =	ssyncset.done $0x0  }
0x5b: {  	[sflag:s22] =	ssyncadd.s32 $0xFFFFC000  }
0x5c: {  	[spmem:s3] =	stream.indirect.scatter.add.f32 [tilespmem:s25], [sflag:$0x3], $0x80, s28, s23, $0xb8;
	[tilespmem:$0x16000] =	vst v63  }
0x5d: {  	_ =	swait.ge [sflag:s18], $0x4000  }
0x5e: {  	[sflag:s18] =	ssyncset.done $0x0  }
0x5f: {  	[sflag:s18] =	ssyncadd.s32 $0xFFFFC000  }
0x60: {  	[bflag:$0x0] =	sbarrier.arrive $0xFFFF  }
0x61: {  	[tilespmem:s17], [sflag:$0x3] =	stream.linear.gather [spmem:s6], $0x4000, $0x38;
	[tilespmem:$0x16000] =	vst v63  }
0x62: {  	_ =	swait.ge [sflag:s18], $0x4000  }
0x63: {  	[sflag:s18] =	ssyncset.done $0x0  }
0x64: {  	[sflag:s18] =	ssyncadd.s32 $0xFFFFC000  }
0x65: {  	[hbm4b:s12+s4] =	stream.linear.scatter [tilespmem:s17], [sflag:$0x3], $0x4000, $0x38;
	[tilespmem:$0x16000] =	vst v63  }
0x66: {  	_ =	swait.ge [sflag:s18], $0x4000  }
0x67: {  	[sflag:s18] =	ssyncset.done $0x0  }
0x68: {  	[sflag:s18] =	ssyncadd.s32 $0xFFFFC000  }
0x69: {  	[tilespmem:s17], [sflag:$0x3] =	stream.linear.gather [spmem:s13], $0x4000, $0x38;
	[tilespmem:$0x16000] =	vst v63  }
0x6a: {  	_ =	swait.ge [sflag:s18], $0x4000  }
0x6b: {  	[sflag:s18] =	ssyncset.done $0x0  }
0x6c: {  	[sflag:s18] =	ssyncadd.s32 $0xFFFFC000  }
0x6d: {  	[hbm4b:s14+s4] =	stream.linear.scatter [tilespmem:s17], [sflag:$0x3], $0x4000, $0x38;
	[tilespmem:$0x16000] =	vst v63  }
0x6e: {  	_ =	swait.ge [sflag:s18], $0x4000  }
0x6f: {  	[sflag:s18] =	ssyncset.done $0x0  }
0x70: {  	[sflag:s18] =	ssyncadd.s32 $0xFFFFC000  }
0x71: {  	[tilespmem:s17], [sflag:$0x3] =	stream.linear.gather [spmem:s15], $0x4000, $0x38;
	[tilespmem:$0x16000] =	vst v63  }
0x72: {  	s29 =	sadd.s32 $0x1, s29;
	_ =	swait.ge [sflag:s18], $0x4000  }
0x73: {  	p0 =	sne.s32 s29, s9;
	[sflag:s18] =	ssyncset.done $0x0  }
.Ltmp1:
0x74: {  	[sflag:s18] =	ssyncadd.s32 $0xFFFFC000;
	(pc) =	sbr.rel @p0 .LBB2_1-.Ltmp1, $4  }
0x75: {  	[hbm4b:s16+s4] =	stream.linear.scatter [tilespmem:s17], [sflag:$0x3], $0x4000, $0x38;
	[tilespmem:$0x16000] =	vst v63  }
0x76: {  	_ =	swait.ge [sflag:s18], $0x4000  }
0x77: {  	[sflag:s18] =	ssyncset.done $0x0  }
0x78: {  	[sflag:s18] =	ssyncadd.s32 $0xFFFFC000  }
0x79: {  	_ =	sfence.sel $0x180000  }
0x7a: {  	[bflag:$0x0] =	sbarrier.arrive $0xFFFF  }
0x7b: {  	_ =	strace $0x90000053  }
0x7c: {  	[bflag:$0x2] =	sbarrier.arrive $0xFFFF  }
0x7d: {  	p0 =	sne.s32 s2, $0x0;
	s0 =	rddreg [dreg:$0x3]  }
0x7e: {  	s0 =	sadd.s32 @!p0 $0x100000, s0  }
0x7f: {  	[sflag:s0] =	ssyncadd.tile.s32 @!p0 $0x1;
	_ =	shalt  }
.Lfunc_end2:
_tile_overlayer_lowered:
.L_overlay_start_2:
0x80: {  	(tag) =	ssettag $0x2  }
0x81: {  	s0 =	rddreg [dreg:$0x0];
	s2 =	stileid.u32  }
0x82: {  	s1 =	rddreg [dreg:$0x1];
	p0 =	sne.s32 s2, $0x0  }
0x83: {  	s3 =	rddreg [dreg:$0x2];
	[bflag:$0x3] =	sbarrier.arrive $0xFFFF;
	s2 =	simm.s32 @!p0 $0x1C03  }
0x84: {  	[timem:s3], [sflag:s2] =	dma.local @!p0 [hbm:s0], s1  }
0x85: {  	s0 =	simm.s32 @!p0 $0x3  }
0x86: {  	_ =	swait.ge @!p0 [sflag:s0], s1  }
0x87: {  	s1 =	ssub.s32 @!p0 $0x0, s1;
	[sflag:s0] =	ssyncset.done @!p0 $0x0  }
0x88: {  	[sflag:s0] =	ssyncadd.s32 @!p0 s1  }
0x89: {  	[bflag:$0x3] =	sbarrier.arrive $0xFFFF  }
0x8a: {  	_ =	shalt  }

// kernel: kernel.24.cloned.1.call-start
scs
__scs_entry_jumppad:
0x0: {  	(pc) =	sbr.rel $0x88, $3  }
0x1: {  	(tag) =	ssettag $0x0;
	lr =	simm.s32 $0x1  }
0x2: {  	[smem:$0x3F98] =	sst lr;
	_ =	strace $0xD0000000  }
0x3: {  	_ = 	snop  }
0x4: {  	_ = 	snop  }
0x5: {  	_ = 	snop  }
0x6: {  	_ = 	snop  }
0x7: {  	_ = 	snop  }
__scs_overlays_trampoline_lowered:
0x8: {  	[smem:$0x3FA7] =	sst s0  }
0x9: {  	[smem:$0x3FA8] =	sst s1  }
0xa: {  	[smem:$0x3FA9] =	sst s2  }
0xb: {  	[smem:$0x3FAA] =	sst s3  }
0xc: {  	[smem:$0x3FAB] =	sst s4  }
0xd: {  	[smem:$0x3FAC] =	sst s5  }
0xe: {  	[smem:$0x3FAD] =	sst s6  }
0xf: {  	[smem:$0x3FAE] =	sst s7  }
0x10: {  	[smem:$0x3FAF] =	sst s8  }
0x11: {  	[smem:$0x3FB0] =	sst s9;
	s0 =	simm.s32 @!p0 $0x0  }
0x12: {  	s1 =	sld [smem:$0x3F96];
	s0 =	simm.s32 @p0 $0x1  }
0x13: {  	[smem:$0x3FB1] =	sst s0;
	s0 =	simm.s32 @!p1 $0x0  }
0x14: {  	s2 =	sld [smem:$0x3F95];
	s0 =	simm.s32 @p1 $0x1  }
0x15: {  	[smem:$0x3FB2] =	sst s0;
	s0 =	simm.s32 @!p2 $0x0  }
0x16: {  	s3 =	sld [smem:$0x3FDB];
	s0 =	simm.s32 @p2 $0x1  }
0x17: {  	s4 =	simm.s32 $0x1BF5;
	[smem:$0x3FB4] =	sst s0  }
0x18: {  	s0 =	sld [smem:$0x3F97];
	_ =	swait.ge [sflag:s4], $0x0  }
0x19: {  	s7 =	sld [smem:$0x3F98]  }
0x1a: {  	s8 =	sadd.s32 $0xFFFFE003, lr  }
0x1b: {  	s9 =	sadd.s32 $0xFFFFFEF7, lr;
	s5 =	simm.s32 $0xFFFFFFFF;
	p2 =	slt.u32 s8, $0xFFFFF086  }
0x1c: {  	p1 =	slt.u32 s9, $0xF7A;
	s5 =	simm.s32 @!p2 $0x0  }
0x1d: {  	s5 =	simm.s32 @p1 $0x1;
	p0 =	seq.s32 s7, s2  }
0x1e: {  	s7 =	smul.u32 @!p0 $0xF7A, s2;
	p2 =	seq.s32 @!p0 s5, $0x0  }
0x1f: {  	s9 =	smul.u32 $0xF7A, s1;
	s8 =	simm.s32 @!p0 $0x1BF5;
	p2 =	por !p2, p0  }
0x20: {  	[sflag:s8] =	ssyncset.s32 @!p0 $0xFFFFF086;
	s6 =	sadd.s32 @!p0 s3, s7;
	s7 =	simm.s32 @!p0 $0x108  }
0x21: {  	s3 =	sadd.s32 s3, s9;
	s6 =	sadd.s32 @!p0 $0x88, s6;
	s7 =	simm.s32 @p2 $0x1082  }
0x22: {  	[simem:s7], [sflag:s8] =	dma.local @!p0 [hbm:s6], $0xF7A  }
0x23: {  	s9 =	sor.u32 $0xD0000000, s2;
	s6 =	simm.s32 $0x108;
	_ =	swait.ge @!p0 [sflag:s8], $0x0  }
0x24: {  	s3 =	sadd.s32 $0x88, s3;
	s6 =	simm.s32 @!p1 $0x1082;
	[sflag:s4] =	ssyncset.s32 $0xFFFFF086  }
0x25: {  	[simem:s6], [sflag:s4] =	dma.local [hbm:s3], $0xF7A  }
0x26: {  	[smem:$0x3F98] =	sst s1;
	(tag) =	ssettag s2;
	_ =	strace s9  }
0x27: {  	s1 =	sld [smem:$0x3FA8]  }
0x28: {  	s2 =	sld [smem:$0x3FA9]  }
0x29: {  	s4 =	sld [smem:$0x3FAB]  }
0x2a: {  	p0 =	seq.s32 s5, $0x0;
	s5 =	sld [smem:$0x3FAC]  }
0x2b: {  	s6 =	sld [smem:$0x3FAD]  }
0x2c: {  	s7 =	sld [smem:$0x3FAE]  }
0x2d: {  	s3 =	simm.s32 $0x108;
	s8 =	sld [smem:$0x3FAF]  }
0x2e: {  	s3 =	simm.s32 @!p0 $0x1082;
	s9 =	sld [smem:$0x3FB0]  }
0x2f: {  	lr =	sadd.s32 s0, s3;
	s0 =	sld [smem:$0x3FA7]  }
0x30: {  	s3 =	sld [smem:$0x3FAA]  }
0x31: {  	[smem:$0x3FB3] =	sst s10  }
0x32: {  	s10 =	sld [smem:$0x3FB1];
	_ =	sdelay $0x3  }
0x33: {  	p0 =	seq.s32 s10, $0x1;
	s10 =	sld [smem:$0x3FB3];
	_ =	sdelay $0x3  }
0x34: {  	[smem:$0x3FB3] =	sst s10  }
0x35: {  	s10 =	sld [smem:$0x3FB2];
	_ =	sdelay $0x3  }
0x36: {  	p1 =	seq.s32 s10, $0x1;
	s10 =	sld [smem:$0x3FB3];
	_ =	sdelay $0x3  }
0x37: {  	[smem:$0x3FB3] =	sst s10  }
0x38: {  	s10 =	sld [smem:$0x3FB4]  }
0x39: {  	_ = 	snop;
	(pc) =	sbr.ind lr, $3  }
0x3a: {  	_ = 	snop  }
0x3b: {  	_ = 	snop  }
0x3c: {  	p2 =	seq.s32 s10, $0x1;
	s10 =	sld [smem:$0x3FB3]  }
0x3d: {  	_ =	shalt  }
0x3e: {  	_ =	shalt  }
0x3f: {  	_ =	shalt  }
0x40: {  	_ =	shalt  }
0x41: {  	_ =	shalt  }
0x42: {  	_ =	shalt  }
0x43: {  	_ =	shalt  }
0x44: {  	_ =	shalt  }
0x45: {  	_ =	shalt  }
0x46: {  	_ =	shalt  }
0x47: {  	_ =	shalt  }
0x48: {  	_ =	shalt  }
0x49: {  	_ =	shalt  }
0x4a: {  	_ =	shalt  }
0x4b: {  	_ =	shalt  }
0x4c: {  	_ =	shalt  }
0x4d: {  	_ =	shalt  }
0x4e: {  	_ =	shalt  }
0x4f: {  	_ =	shalt  }
0x50: {  	_ =	shalt  }
0x51: {  	_ =	shalt  }
0x52: {  	_ =	shalt  }
0x53: {  	_ =	shalt  }
0x54: {  	_ =	shalt  }
0x55: {  	_ =	shalt  }
0x56: {  	_ =	shalt  }
0x57: {  	_ =	shalt  }
0x58: {  	_ =	shalt  }
0x59: {  	_ =	shalt  }
0x5a: {  	_ =	shalt  }
0x5b: {  	_ =	shalt  }
0x5c: {  	_ =	shalt  }
0x5d: {  	_ =	shalt  }
0x5e: {  	_ =	shalt  }
0x5f: {  	_ =	shalt  }
0x60: {  	_ =	shalt  }
0x61: {  	_ =	shalt  }
0x62: {  	_ =	shalt  }
0x63: {  	_ =	shalt  }
0x64: {  	_ =	shalt  }
0x65: {  	_ =	shalt  }
0x66: {  	_ =	shalt  }
0x67: {  	_ =	shalt  }
0x68: {  	_ =	shalt  }
0x69: {  	_ =	shalt  }
0x6a: {  	_ =	shalt  }
0x6b: {  	_ =	shalt  }
0x6c: {  	_ =	shalt  }
0x6d: {  	_ =	shalt  }
0x6e: {  	_ =	shalt  }
0x6f: {  	_ =	shalt  }
0x70: {  	_ =	shalt  }
0x71: {  	_ =	shalt  }
0x72: {  	_ =	shalt  }
0x73: {  	_ =	shalt  }
0x74: {  	_ =	shalt  }
0x75: {  	_ =	shalt  }
0x76: {  	_ =	shalt  }
0x77: {  	_ =	shalt  }
0x78: {  	_ =	shalt  }
0x79: {  	_ =	shalt  }
0x7a: {  	_ =	shalt  }
0x7b: {  	_ =	shalt  }
0x7c: {  	_ =	shalt  }
0x7d: {  	_ =	shalt  }
0x7e: {  	_ =	shalt  }
0x7f: {  	_ =	shalt  }
0x80: {  	_ =	shalt  }
0x81: {  	_ =	shalt  }
0x82: {  	_ =	shalt  }
0x83: {  	_ =	shalt  }
0x84: {  	_ =	shalt  }
0x85: {  	_ =	shalt  }
0x86: {  	_ =	shalt  }
0x87: {  	_ =	shalt  }
.Lfunc_end0:
.L_simem_size_0:
called_computation.4_lowered:
.L_overlay_start_0:
0x88: {  	s2 =	sld [smem:$0x3FD9]  }
0x89: {  	s3 =	sld [smem:$0x3FFE];
	_ =	sdelay $0x1  }
0x8a: {  	s1 =	srdreg.scid  }
0x8b: {  	s0 =	sand.u32 $0x1, s1  }
0x8c: {  	s15 =	sshll.u32 s0, $0xA;
	s2 =	sadd.s32 s3, s2  }
0x8d: {  	s2 =	sadd.s32 s2, s15  }
0x8e: {  	[smem:$0x3FBF] =	sst s2  }
0x8f: {  	_ = 	snop  }
0x90: {  	s2 =	sld [smem:$0x3FD0];
	_ =	sdelay $0x2  }
0x91: {  	s4 =	simm.s32 $0xC;
	s16 =	simm.s32 $0x10  }
0x92: {  	[smem:s16], [sflag:s4] =	dma.local [hbm:s2], $0x1  }
0x93: {  	_ =	swait.eq [sflag:s4], $0x1  }
0x94: {  	[sflag:s4] =	ssyncset.done $0x0  }
0x95: {  	s17 =	sld [smem:$0x10];
	[sflag:s4] =	ssyncadd.s32 $0xFFFFFFFF  }
0x96: {  	s18 =	sld [smem:$0x11];
	(tm) =	ssettm $0x1  }
0x97: {  	s19 =	sld [smem:$0x3FFB];
	_ =	sdelay $0x3  }
0x98: {  	_ =	strace s19  }
0x99: {  	s2 =	sld [smem:$0x3FFC];
	_ =	sdelay $0x3  }
0x9a: {  	_ =	strace s2  }
0x9b: {  	s2 =	sld [smem:$0x3FFD];
	_ =	sdelay $0x3  }
0x9c: {  	_ =	strace s2  }
0x9d: {  	_ =	strace $0x8FFFFFFF  }
0x9e: {  	s20 =	sld [smem:$0x3FDB];
	_ =	sdelay $0x1  }
0x9f: {  	s5 =	simm.s32 $_scs_section_size  }
0xa0: {  	s6 =	simm.s32 $_size__tile_overlayer_lowered;
	s7 =	simm.s32 $_tile_overlayer_lowered  }
0xa1: {  	s8 =	simm.s32 $0x1BFF;
	s21 =	sshll.u32 s7, $0x1;
	s5 =	sadd.s32 s5, s20  }
0xa2: {  	s22 =	simm.s32 $0x0;
	s6 =	sshll.u32 s6, $0x1;
	s7 =	sadd.s32 s21, s5  }
0xa3: {  	[timem:s22], [sflag:s8] =	dma.local [hbm:s7], s6  }
0xa4: {  	_ =	swait.ge [sflag:s8], s6  }
0xa5: {  	s6 =	ssub.s32 $0x0, s6;
	[sflag:s8] =	ssyncset.done $0x0  }
0xa6: {  	[sflag:s8] =	ssyncadd.s32 s6;
	_ =	sdelay $0x1  }
0xa7: {  	s23 =	simm.s32 $0x1B8B  }
0xa8: {  	_ =	swait.ge [sflag:s23], $0x1  }
0xa9: {  	[sflag:s23] =	ssyncset.done $0x0  }
0xaa: {  	[sflag:s23] =	ssyncadd.s32 $0xFFFFFFFF  }
0xab: {  	s6 =	sld [smem:$0x0]  }
0xac: {  	s7 =	sand.u32 $0xFFFFFFFE, s1  }
0xad: {  	p0 =	sne.s32 s1, s7  }
0xae: {  	s7 =	sshll.u32 @p0 s7, $0xE  }
0xaf: {  	s7 =	sadd.s32 @p0 $0x11B8D, s7;
	s8 =	sshll.u32 @p0 s6, $0x11  }
0xb0: {  	s7 =	sor.u32 @p0 s8, s7  }
0xb1: {  	[sflag:s7] =	ssyncadd.remote.s32 @p0 $0x1;
	_ =	sdelay $0x1  }
0xb2: {  	s7 =	simm.s32 @p0 $0x1B8D  }
0xb3: {  	_ =	swait.eq @p0 [sflag:s7], $0x1  }
0xb4: {  	[sflag:s7] =	ssyncadd.s32 @p0 $0xFFFFFFFF  }
0xb5: {  	s8 =	sshll.u32 @!p0 s1, $0xE  }
0xb6: {  	s8 =	sor.u32 @!p0 $0x4000, s8;
	s7 =	simm.s32 @!p0 $0x1B8D  }
0xb7: {  	s6 =	sshll.u32 @!p0 s6, $0x11;
	s8 =	sadd.s32 @!p0 $0x11B8D, s8;
	_ =	swait.eq @!p0 [sflag:s7], $0x1  }
0xb8: {  	s6 =	sor.u32 @!p0 s6, s8;
	[sflag:s7] =	ssyncadd.s32 @!p0 $0xFFFFFFFF  }
0xb9: {  	s25 =	simm.s32 $0x1B8E;
	s24 =	sld [smem:$0x3FFE];
	[sflag:s6] =	ssyncadd.remote.s32 @!p0 $0x1  }
0xba: {  	s26 =	simm.s32 $execute0_lowered;
	[smem:$0x3FD2] =	sst s25  }
0xbb: {  	s7 =	sshll.u32 s26, $0x1;
	_ =	strace $0x8000004F;
	[dreg:$0x1] =	wrdreg $0xFFFFFFFF  }
0xbc: {  	s28 =	simm.s32 $_size_execute0_lowered;
	s5 =	sadd.s32 s5, s7;
	[dreg:$0x0] =	wrdreg $0x0  }
0xbd: {  	s7 =	sshll.u32 s28, $0x1;
	[dreg:$0x2] =	wrdreg s5  }
0xbe: {  	[dreg:$0x3] =	wrdreg s7  }
0xbf: {  	[dreg:$0x4] =	wrdreg $0xC0  }
0xc0: {  	_ =	task [dreg:s22], $0x5FFFF  }
0xc1: {  	[dreg:$0x1] =	wrdreg $0xFFFFFFFF  }
0xc2: {  	[dreg:$0x0] =	wrdreg $0x60  }
0xc3: {  	[dreg:$0x2] =	wrdreg s18  }
0xc4: {  	[dreg:$0x3] =	wrdreg s24  }
0xc5: {  	[dreg:$0x4] =	wrdreg s17  }
0xc6: {  	[dreg:$0x5] =	wrdreg $0x0  }
0xc7: {  	[dreg:$0x6] =	wrdreg $0xA  }
0xc8: {  	_ =	task.clear_ibuf [dreg:s22], $0x7FFFF;
	_ =	strace $0x9000004F  }
0xc9: {  	s29 =	simm.s32 $0xA;
	_ =	strace $0x80000051  }
0xca: {  	_ =	swait.ge [sflag:s29], $0x1  }
0xcb: {  	[sflag:s29] =	ssyncadd.s32 $0xFFFFFFFF  }
0xcc: {  	_ =	strace $0x90000051  }
0xcd: {  	_ =	sfence  }
0xce: {  	s30 =	sld [smem:$0x0];
	_ =	sdelay $0x2  }
0xcf: {  	s31 =	sshll.u32 s1, $0xD;
	s1 =	sshrl.u32 s1, $0x2  }
0xd0: {  	s4 =	sand.u32 $0x4000, s31;
	s1 =	sadd.s32 s1, s30  }
0xd1: {  	s0 =	sor.u32 s4, s0;
	s1 =	sshll.u32 s1, $0x11  }
0xd2: {  	s0 =	sor.u32 s1, s0  }
0xd3: {  	s0 =	sadd.s32 $0x8F2B, s0  }
0xd4: {  	[sflag:s0] =	ssyncadd.remote.s32 $0x1  }
0xd5: {  	_ =	sfence.sel $0xFFFF  }
0xd6: {  	[dreg:$0x0] =	wrdreg $0xFFFFFFFF;
	(pc) =	sbr.abs _section_cstart, $3  }
0xd7: {  	[dreg:$0x1] =	wrdreg $0xFFFFFFFF  }
0xd8: {  	_ =	task.clear_ibuf [dreg:s22], $0x2FFFF;
	_ =	strace $0x9FFFFFFF  }
0xd9: {  	(tm) =	ssettm $0x7FFFFFFF  }
tec
execute0_lowered:
.L_overlay_start_1:
0x0: {  	(tag) =	ssettag $0x1  }
0x1: {  	s1 =	rddreg [dreg:$0x0]  }
0x2: {  	s5 =	rddreg [dreg:$0x1]  }
0x3: {  	s9 =	rddreg [dreg:$0x2]  }
0x4: {  	s3 =	rddreg [dreg:$0x3];
	s4 =	srdreg.scid  }
0x5: {  	s0 =	rddreg [dreg:$0x4];
	s2 =	stileid.u32;
	s16 =	simm.s32 $0x8000  }
0x6: {  	s17 =	simm.s32 $0x1;
	s18 =	simm.s32 $0x9000;
	s19 =	simm.s32 $0x2  }
0x7: {  	s20 =	simm.s32 $0x80;
	s21 =	simm.s32 $0x8080;
	s22 =	simm.s32 $0xE000  }
0x8: {  	s23 =	simm.s32 $0x9E00;
	s24 =	simm.s32 $0x9E80;
	s25 =	simm.s32 $0x0  }
0x9: {  	s8 =	sand.u32 $0x1, s4;
	s4 =	simm.s32 $0x0;
	s6 =	sshll.u32 s2, $0xA  }
0xa: {  	s29 =	sshll.u32 s2, $0xF;
	s13 =	sshll.u32 s2, $0x8;
	s31 =	sshll.u32 s2, $0xC  }
0xb: {  	s7 =	sshll.u32 s8, $0x9;
	[smem:$0x7FF] =	sst s4;
	s26 =	ssub.s32 $0x2, s8  }
0xc: {  	s12 =	sshll.u32 s8, $0x10;
	s30 =	sor.u32 $0x80, s13;
	s6 =	sor.u32 s7, s6  }
0xd: {  	_ =	strace $0x80000050;
	s28 =	sshrl.u32 s26, $0x1;
	s14 =	sadd.s32 s9, s12  }
0xe: {  	s13 =	sshll.u32 s30, $0x7;
	s15 =	sshll.u32 s30, $0x4;
	s10 =	sadd.s32 s6, s5  }
0xf: {  	s5 =	sadd.s32 $0xA75A00, s5;
	s11 =	ssub.s32 s26, s28;
	s6 =	sadd.s32 s29, s3  }
0x10: {  	s12 =	sadd.s32 s13, s3;
	s13 =	sadd.s32 s15, s14;
	s15 =	simm.s32 $0x3  }
0x11: {  	s7 =	sadd.s32 $0xACA200, s10;
	s8 =	sadd.s32 $0xAC6200, s10;
	s9 =	smax.u32 s11, $0x1  }
0x12: {  	s10 =	sadd.s32 $0x4000, s6;
	s11 =	sadd.s32 s31, s14;
	s14 =	simm.s32 $0xA000  }
.LBB2_1:
0x13: {  	[tilespmem:s14], [sflag:$0x3] =	stream.linear.gather [hbm4b:s5+s4], $0x4000, $0x38;
	[tilespmem:$0x12000] =	vst v63  }
0x14: {  	_ =	swait.ge [sflag:s15], $0x4000  }
0x15: {  	[sflag:s15] =	ssyncset.done $0x0  }
0x16: {  	[sflag:s15] =	ssyncadd.s32 $0xFFFFC000  }
0x17: {  	[spmem:s6] =	stream.linear.scatter [tilespmem:s14], [sflag:$0x3], $0x4000, $0x38;
	[tilespmem:$0x12000] =	vst v63  }
0x18: {  	_ =	swait.ge [sflag:s15], $0x4000  }
0x19: {  	[sflag:s15] =	ssyncset.done $0x0  }
0x1a: {  	[sflag:s15] =	ssyncadd.s32 $0xFFFFC000  }
0x1b: {  	[spmem:s10] =	stream.linear.scatter [tilespmem:s14], [sflag:$0x3], $0x4000, $0x38;
	[tilespmem:$0x12000] =	vst v63  }
0x1c: {  	_ =	swait.ge [sflag:s15], $0x4000  }
0x1d: {  	[sflag:s15] =	ssyncset.done $0x0  }
0x1e: {  	[sflag:s15] =	ssyncadd.s32 $0xFFFFC000  }
0x1f: {  	[tilespmem:s16], [sflag:$0x1] =	stream.linear.gather [hbm4b:s7+s4], $0xF00, $0x38;
	[tilespmem:$0x12000] =	vst v63  }
0x20: {  	_ =	swait.ge [sflag:s17], $0xF00  }
0x21: {  	[sflag:s17] =	ssyncset.done $0x0  }
0x22: {  	[sflag:s17] =	ssyncadd.s32 $0xFFFFF100  }
0x23: {  	[tilespmem:s18], [sflag:$0x2] =	stream.linear.gather [hbm4b:s8+s4], $0xF00, $0x38;
	[tilespmem:$0x12000] =	vst v63  }
0x24: {  	_ =	swait.ge [sflag:s19], $0xF00  }
0x25: {  	[sflag:s19] =	ssyncset.done $0x0  }
0x26: {  	[sflag:s19] =	ssyncadd.s32 $0xFFFFF100  }
0x27: {  	[tilespmem:s14], [sflag:$0x1] =	stream.indirect.gather [hbm4b:s1+s20], $0x80, s16, s20, $0xb8;
	[tilespmem:$0x12000] =	vst v63  }
0x28: {  	_ = 	snop  }
0x29: {  	[tilespmem:s22], [sflag:$0x2] =	stream.indirect.gather [hbm4b:s1+s20], $0x80, s21, s20, $0xb8;
	[tilespmem:$0x12000] =	vst v63  }
0x2a: {  	[bflag:$0x0] =	sbarrier.arrive $0xFFFF  }
0x2b: {  	_ =	swait.ge [sflag:s17], $0x4000  }
0x2c: {  	[sflag:s17] =	ssyncset.done $0x0  }
0x2d: {  	s26 =	simm.s32 $0x9000;
	[sflag:s17] =	ssyncadd.s32 $0xFFFFC000  }
0x2e: {  	[spmem:s3] =	stream.indirect.scatter.add.f32 [tilespmem:s14], [sflag:$0x3], $0x80, s26, s20, $0xb8;
	[tilespmem:$0x12000] =	vst v63  }
0x2f: {  	_ =	swait.ge [sflag:s15], $0x4000  }
0x30: {  	[sflag:s15] =	ssyncset.done $0x0  }
0x31: {  	s30 =	simm.s32 $0x8100;
	[sflag:s15] =	ssyncadd.s32 $0xFFFFC000  }
0x32: {  	[tilespmem:s14], [sflag:$0x1] =	stream.indirect.gather [hbm4b:s1+s20], $0x80, s30, s20, $0xb8;
	[tilespmem:$0x12000] =	vst v63  }
0x33: {  	_ =	swait.ge [sflag:s19], $0x4000  }
0x34: {  	[sflag:s19] =	ssyncset.done $0x0  }
0x35: {  	s31 =	simm.s32 $0x9080;
	[sflag:s19] =	ssyncadd.s32 $0xFFFFC000  }
0x36: {  	[spmem:s3] =	stream.indirect.scatter.add.f32 [tilespmem:s22], [sflag:$0x3], $0x80, s31, s20, $0xb8;
	[tilespmem:$0x12000] =	vst v63  }
0x37: {  	_ =	swait.ge [sflag:s15], $0x4000  }
0x38: {  	[sflag:s15] =	ssyncset.done $0x0  }
0x39: {  	s28 =	simm.s32 $0x8180;
	s26 =	simm.s32 $0x400;
	[sflag:s15] =	ssyncadd.s32 $0xFFFFC000  }
.LBB2_2:
0x3a: {  	[tilespmem:s22], [sflag:$0x2] =	stream.indirect.gather [hbm4b:s1+s20], $0x80, s28, s20, $0xb8;
	[tilespmem:$0x12000] =	vst v63  }
0x3b: {  	s28 =	smov.u32 s26  }
0x3c: {  	p0 =	sne.s32 s26, $0x3400;
	s26 =	sadd.s32 $0x400, s26;
	_ =	swait.ge [sflag:s17], $0x4000  }
0x3d: {  	s28 =	sshra.s32 s28, $0x2;
	[sflag:s17] =	ssyncset.done $0x0  }
0x3e: {  	s29 =	sadd.s32 $0x9000, s28;
	[sflag:s17] =	ssyncadd.s32 $0xFFFFC000  }
0x3f: {  	[spmem:s3] =	stream.indirect.scatter.add.f32 [tilespmem:s14], [sflag:$0x3], $0x80, s29, s20, $0xb8;
	[tilespmem:$0x12000] =	vst v63  }
0x40: {  	_ =	swait.ge [sflag:s15], $0x4000  }
0x41: {  	[sflag:s15] =	ssyncset.done $0x0  }
0x42: {  	s29 =	sadd.s32 $0x8100, s28;
	[sflag:s15] =	ssyncadd.s32 $0xFFFFC000  }
0x43: {  	[tilespmem:s14], [sflag:$0x1] =	stream.indirect.gather [hbm4b:s1+s20], $0x80, s29, s20, $0xb8;
	[tilespmem:$0x12000] =	vst v63  }
0x44: {  	_ =	swait.ge [sflag:s19], $0x4000  }
0x45: {  	[sflag:s19] =	ssyncset.done $0x0  }
.Ltmp0:
0x46: {  	s29 =	sadd.s32 $0x9080, s28;
	[sflag:s19] =	ssyncadd.s32 $0xFFFFC000;
	(pc) =	sbr.rel @p0 .LBB2_2-.Ltmp0, $4  }
0x47: {  	[spmem:s3] =	stream.indirect.scatter.add.f32 [tilespmem:s22], [sflag:$0x3], $0x80, s29, s20, $0xb8;
	[tilespmem:$0x12000] =	vst v63  }
0x48: {  	_ =	swait.ge [sflag:s15], $0x4000  }
0x49: {  	[sflag:s15] =	ssyncset.done $0x0  }
0x4a: {  	s28 =	sadd.s32 $0x8180, s28;
	[sflag:s15] =	ssyncadd.s32 $0xFFFFC000  }
0x4b: {  	[tilespmem:s22], [sflag:$0x2] =	stream.indirect.gather [hbm4b:s1+s20], $0x80, s28, s20, $0xb8;
	[tilespmem:$0x12000] =	vst v63  }
0x4c: {  	_ =	swait.ge [sflag:s17], $0x4000  }
0x4d: {  	[sflag:s17] =	ssyncset.done $0x0  }
0x4e: {  	[sflag:s17] =	ssyncadd.s32 $0xFFFFC000  }
0x4f: {  	[spmem:s3] =	stream.indirect.scatter.add.f32 [tilespmem:s14], [sflag:$0x3], $0x80, s23, s20, $0xb8;
	[tilespmem:$0x12000] =	vst v63  }
0x50: {  	_ =	swait.ge [sflag:s15], $0x4000  }
0x51: {  	[sflag:s15] =	ssyncset.done $0x0  }
0x52: {  	[sflag:s15] =	ssyncadd.s32 $0xFFFFC000  }
0x53: {  	_ =	swait.ge [sflag:s19], $0x4000  }
0x54: {  	[sflag:s19] =	ssyncset.done $0x0  }
0x55: {  	[sflag:s19] =	ssyncadd.s32 $0xFFFFC000  }
0x56: {  	[spmem:s3] =	stream.indirect.scatter.add.f32 [tilespmem:s22], [sflag:$0x3], $0x80, s24, s20, $0xb8;
	[tilespmem:$0x12000] =	vst v63  }
0x57: {  	_ =	swait.ge [sflag:s15], $0x4000  }
0x58: {  	[sflag:s15] =	ssyncset.done $0x0  }
0x59: {  	[sflag:s15] =	ssyncadd.s32 $0xFFFFC000  }
0x5a: {  	[bflag:$0x0] =	sbarrier.arrive $0xFFFF  }
0x5b: {  	[tilespmem:s14], [sflag:$0x3] =	stream.linear.gather [spmem:s6], $0x4000, $0x38;
	[tilespmem:$0x12000] =	vst v63  }
0x5c: {  	_ =	swait.ge [sflag:s15], $0x4000  }
0x5d: {  	[sflag:s15] =	ssyncset.done $0x0  }
0x5e: {  	[sflag:s15] =	ssyncadd.s32 $0xFFFFC000  }
0x5f: {  	[hbm4b:s11+s4] =	stream.linear.scatter [tilespmem:s14], [sflag:$0x3], $0x4000, $0x38;
	[tilespmem:$0x12000] =	vst v63  }
0x60: {  	_ =	swait.ge [sflag:s15], $0x4000  }
0x61: {  	[sflag:s15] =	ssyncset.done $0x0  }
0x62: {  	[sflag:s15] =	ssyncadd.s32 $0xFFFFC000  }
0x63: {  	[tilespmem:s14], [sflag:$0x3] =	stream.linear.gather [spmem:s12], $0x4000, $0x38;
	[tilespmem:$0x12000] =	vst v63  }
0x64: {  	s25 =	sadd.s32 $0x1, s25;
	_ =	swait.ge [sflag:s15], $0x4000  }
0x65: {  	p0 =	sne.s32 s25, s9;
	[sflag:s15] =	ssyncset.done $0x0  }
.Ltmp1:
0x66: {  	[sflag:s15] =	ssyncadd.s32 $0xFFFFC000;
	(pc) =	sbr.rel @p0 .LBB2_1-.Ltmp1, $4  }
0x67: {  	[hbm4b:s13+s4] =	stream.linear.scatter [tilespmem:s14], [sflag:$0x3], $0x4000, $0x38;
	[tilespmem:$0x12000] =	vst v63  }
0x68: {  	_ =	swait.ge [sflag:s15], $0x4000  }
0x69: {  	[sflag:s15] =	ssyncset.done $0x0  }
0x6a: {  	[sflag:s15] =	ssyncadd.s32 $0xFFFFC000  }
0x6b: {  	_ =	sfence.sel $0x180000  }
0x6c: {  	[bflag:$0x0] =	sbarrier.arrive $0xFFFF  }
0x6d: {  	p0 =	sne.s32 s2, $0x0;
	_ =	strace $0x90000050  }
0x6e: {  	s0 =	sadd.s32 @!p0 $0x100000, s0;
	[bflag:$0x2] =	sbarrier.arrive $0xFFFF  }
0x6f: {  	[sflag:s0] =	ssyncadd.tile.s32 @!p0 $0x1;
	_ =	shalt  }
.Lfunc_end2:
_tile_overlayer_lowered:
.L_overlay_start_2:
0x70: {  	(tag) =	ssettag $0x2  }
0x71: {  	s0 =	rddreg [dreg:$0x0];
	s2 =	stileid.u32  }
0x72: {  	s1 =	rddreg [dreg:$0x1];
	p0 =	sne.s32 s2, $0x0  }
0x73: {  	s3 =	rddreg [dreg:$0x2];
	[bflag:$0x3] =	sbarrier.arrive $0xFFFF;
	s2 =	simm.s32 @!p0 $0x1C03  }
0x74: {  	[timem:s3], [sflag:s2] =	dma.local @!p0 [hbm:s0], s1  }
0x75: {  	s0 =	simm.s32 @!p0 $0x3  }
0x76: {  	_ =	swait.ge @!p0 [sflag:s0], s1  }
0x77: {  	s1 =	ssub.s32 @!p0 $0x0, s1;
	[sflag:s0] =	ssyncset.done @!p0 $0x0  }
0x78: {  	[sflag:s0] =	ssyncadd.s32 @!p0 s1  }
0x79: {  	[bflag:$0x3] =	sbarrier.arrive $0xFFFF  }
0x7a: {  	_ =	shalt  }

</sc_bundles>
